<compile_context>
chip_gen: v7x
topology: tpu7x:2x2x1
jax: 0.10.2.dev20260603
libtpu: 0.0.44.dev20260713+nightly
codegen_flags: <defaults>
</compile_context>

<pallas_src>
import functools

import jax
import jax.numpy as jnp
from jax import lax
from jax.experimental import pallas as pl
from jax.experimental.pallas import tpu as pltpu
from jax.experimental.pallas import tpu_sc as plsc

NUM_CLASSES = 100000
TEXT_DIM = 2048
HID = 256
CNT = 5
B = 4096
TOTAL = B * CNT
OUT_D = CNT * HID

_SC_INFO = plsc.get_sparse_core_info()
_NC = _SC_INFO.num_cores
_NS = _SC_INFO.num_subcores
_NW = _NC * _NS
_SLICES = [(0, 1024, 16), (1024, 1024, 16), (2048, 1024, 16), (3072, 1024, 16)]
_BM_EX = 256


def _make_sc_gather(rows, k):
    bpw = rows // _NW
    nchunk = bpw // k
    nhalf = nchunk // 2

    @functools.partial(
        pl.kernel,
        mesh=plsc.VectorSubcoreMesh(core_axis_name="c", subcore_axis_name="s"),
        out_type=jax.ShapeDtypeStruct((rows, TEXT_DIM), jnp.float32),
        scratch_types=[
            pltpu.VMEM((bpw,), jnp.int32),
            pltpu.VMEM((k, TEXT_DIM), jnp.float32),
            pltpu.VMEM((k, TEXT_DIM), jnp.float32),
            pltpu.SemaphoreType.DMA,
            pltpu.SemaphoreType.DMA,
            pltpu.SemaphoreType.DMA,
            pltpu.SemaphoreType.DMA,
        ],
    )
    def _sc_gather(table_hbm, idx_hbm, out_hbm, idx_v, buf0, buf1,
                   gsem0, gsem1, wsem0, wsem1):
        wid = lax.axis_index("s") * _NC + lax.axis_index("c")
        base = wid * bpw
        pltpu.sync_copy(idx_hbm.at[pl.ds(base, bpw)], idx_v)

        def _gather(c, buf, sem):
            pltpu.async_copy(table_hbm.at[idx_v.at[pl.ds(c * k, k)]], buf, sem)

        def _wait(buf, sem):
            pltpu.make_async_copy(buf, out_hbm.at[pl.ds(base, k)], sem).wait()

        _gather(0, buf0, gsem0)

        def body(i, carry):
            c0 = 2 * i

            @pl.when(i > 0)
            def _():
                _wait(buf1, wsem1)

            _gather(c0 + 1, buf1, gsem1)
            pltpu.make_async_copy(
                table_hbm.at[idx_v.at[pl.ds(0, k)]], buf0, gsem0
            ).wait()
            pltpu.async_copy(buf0, out_hbm.at[pl.ds(base + c0 * k, k)], wsem0)

            @pl.when(i < nhalf - 1)
            def _():
                _wait(buf0, wsem0)
                _gather(c0 + 2, buf0, gsem0)

            pltpu.make_async_copy(
                table_hbm.at[idx_v.at[pl.ds(0, k)]], buf1, gsem1
            ).wait()
            pltpu.async_copy(
                buf1, out_hbm.at[pl.ds(base + (c0 + 1) * k, k)], wsem1
            )
            return carry

        lax.fori_loop(0, nhalf, body, 0)
        _wait(buf0, wsem0)
        _wait(buf1, wsem1)

    return _sc_gather


_sc_gather_by_rows = {
    nex * CNT: _make_sc_gather(nex * CNT, k)
    for _, nex, k in _SLICES
}


def _mlp_body(*refs):
    e_refs = refs[:CNT]
    if len(refs) == CNT + 6:
        w1_ref, b1_ref, w2_ref, b2_ref, _acc_ref, o_ref = refs[CNT:]
    else:
        w1_ref, b1_ref, w2_ref, b2_ref, o_ref = refs[CNT:]
    w1 = w1_ref[...]
    w2 = w2_ref[...]
    b1 = b1_ref[...]
    b2 = b2_ref[...]
    for t in range(CNT):
        et = e_refs[t][0]
        h = jnp.dot(et, w1, preferred_element_type=jnp.float32) + b1
        h = h * lax.logistic(h)
        o_ref[:, t * HID:(t + 1) * HID] = (
            jnp.dot(h, w2, preferred_element_type=jnp.float32) + b2
        )


def _mlp_slice(ex_off, nex, acc, e3, w1, b1, w2, b2):
    nblk = nex // _BM_EX
    base_blk = ex_off // _BM_EX

    e_specs = [
        pl.BlockSpec((1, _BM_EX, TEXT_DIM),
                     functools.partial(lambda t, i: (t, i, 0), t))
        for t in range(CNT)
    ]
    w_specs = [
        pl.BlockSpec((TEXT_DIM, HID), lambda i: (0, 0)),
        pl.BlockSpec((1, HID), lambda i: (0, 0)),
        pl.BlockSpec((HID, HID), lambda i: (0, 0)),
        pl.BlockSpec((1, HID), lambda i: (0, 0)),
    ]
    if acc is None:
        return pl.pallas_call(
            _mlp_body,
            grid=(nblk,),
            in_specs=e_specs + w_specs,
            out_specs=pl.BlockSpec((_BM_EX, OUT_D), lambda i: (base_blk + i, 0)),
            out_shape=jax.ShapeDtypeStruct((B, OUT_D), jnp.float32),
        )(*([e3] * CNT), w1, b1, w2, b2)
    return pl.pallas_call(
        _mlp_body,
        grid=(nblk,),
        in_specs=e_specs + w_specs + [pl.BlockSpec(memory_space=pl.ANY)],
        out_specs=pl.BlockSpec((_BM_EX, OUT_D), lambda i: (base_blk + i, 0)),
        out_shape=jax.ShapeDtypeStruct((B, OUT_D), jnp.float32),
        input_output_aliases={CNT + 4: 0},
    )(*([e3] * CNT), w1, b1, w2, b2, acc)


def kernel(label_ids, prompt_embeds, W1, b1, W2, b2):
    ids = label_ids.astype(jnp.int32)
    b1r = b1.reshape(1, HID)
    b2r = b2.reshape(1, HID)
    acc = None
    for ex_off, nex, _k in _SLICES:
        ids_j = ids[ex_off:ex_off + nex, :].T.reshape(-1)
        g = _sc_gather_by_rows[nex * CNT](prompt_embeds, ids_j)
        g3 = g.reshape(CNT, nex, TEXT_DIM)
        acc = _mlp_slice(ex_off, nex, acc, g3, W1, b1r, W2, b2r)
    return acc

# --- scband reference (transcript-rebuilt; emitter-appended) ---
"""Pipeline reference for scband-class-embed-adapter-40570261078374 (READ-ONLY COPY).

The authoritative reference and input builder live on the scoring server;
editing this copy changes nothing except your own understanding.
"""

import jax, jax.numpy as jnp
import numpy as np

NUM_CLASSES = 100000
TEXT_DIM = 2048
HID = 256
CNT = 5
B = 4096

def setup_inputs(seed: int = 0) -> dict:
    key = jax.random.key(seed)
    k1, k2, k3, k4 = jax.random.split(key, 4)
    label_ids = jax.random.randint(k1, (B, CNT), 0, NUM_CLASSES)
    prompt_embeds = jax.random.normal(k2, (NUM_CLASSES, TEXT_DIM), dtype=jnp.float32) * 0.02
    W1 = jax.random.normal(k3, (TEXT_DIM, HID), dtype=jnp.float32) * (1.0 / np.sqrt(TEXT_DIM))
    b1 = jnp.zeros((HID,), dtype=jnp.float32)
    W2 = jax.random.normal(k4, (HID, HID), dtype=jnp.float32) * (1.0 / np.sqrt(HID))
    b2 = jnp.zeros((HID,), dtype=jnp.float32)
    return {"label_ids": label_ids, "prompt_embeds": prompt_embeds, "W1": W1, "b1": b1, "W2": W2, "b2": b2}

def reference(label_ids, prompt_embeds, W1, b1, W2, b2):
    # Embedding lookup: gather class prompt embeddings (already padded/truncated
    # to class_embedding_count=5 ids per example, mirroring the torch pad/randperm logic)
    class_emb = jnp.take(prompt_embeds, label_ids, axis=0)  # [B, CNT, TEXT_DIM]
    # adapter: Linear -> SiLU -> Linear
    h = jax.nn.silu(class_emb @ W1 + b1)                     # [B, CNT, HID]
    out = h @ W2 + b2                                        # [B, CNT, HID]
    bsz = out.shape[0]
    return out.reshape(bsz, -1)                              # [B, 1280]

if __name__ == "__main__":
    import jax
    _d = setup_inputs()
    print(jax.jit(kernel)(*tuple(_d.values())))

</pallas_src>

<mosaic_0001>
#map = affine_map<(d0, d1) -> (0, 0)>
#map1 = affine_map<(d0, d1) -> (0)>
module attributes {stable_mosaic.version = 14 : i64} {
  func.func @_sc_gather(%arg0: i32, %arg1: i32, %arg2: memref<100000x2048xf32, #tpu.memory_space<hbm>>, %arg3: memref<5120xi32, #tpu.memory_space<hbm>>, %arg4: memref<5120x2048xf32, #tpu.memory_space<hbm>>, %arg5: memref<160xi32, #tpu.memory_space<vmem>>, %arg6: memref<16x2048xf32, #tpu.memory_space<vmem>>, %arg7: memref<16x2048xf32, #tpu.memory_space<vmem>>, %arg8: memref<!tpu.dma_semaphore, #tpu.memory_space<semaphore_mem>>, %arg9: memref<!tpu.dma_semaphore, #tpu.memory_space<semaphore_mem>>, %arg10: memref<!tpu.dma_semaphore, #tpu.memory_space<semaphore_mem>>, %arg11: memref<!tpu.dma_semaphore, #tpu.memory_space<semaphore_mem>>) attributes {dimension_semantics = [#tpu.dimension_semantics<core_parallel>, #tpu.dimension_semantics<subcore_parallel>], iteration_bounds = array<i64: 2, 16>, scalar_prefetch = 0 : i64, scratch_operands = 7 : i64, tpu.core_type = #tpu.core_type<sc_vector_subcore>, window_params = [{transform_indices = #map}, {transform_indices = #map1}, {transform_indices = #map}]} {
    %mul3A = arith.constant 2 : i32
    %mul3A_0 = arith.muli %arg1, %mul3A : i32
    %add3A = arith.addi %mul3A_0, %arg0 : i32
    %mul3A_1 = arith.constant 160 : i32
    %mul3A_2 = arith.muli %add3A, %mul3A_1 : i32
    "tpu.region"() ({
      %run_scoped3A = tpu.sem_alloc : memref<!tpu.dma_semaphore, #tpu.memory_space<semaphore_mem>>
      %dma_start3A_19 = tpu.memref_slice %arg3[%mul3A_2] : memref<5120xi32, #tpu.memory_space<hbm>> -> memref<160xi32, #tpu.memory_space<hbm>>
      %dma_start3A_20 = tpu.memref_slice %arg3[%mul3A_2] : memref<5120xi32, #tpu.memory_space<hbm>> -> memref<160xi32, #tpu.memory_space<hbm>>
      tpu.enqueue_dma source(%dma_start3A_20 : memref<160xi32, #tpu.memory_space<hbm>>) target(%arg5 : memref<160xi32, #tpu.memory_space<vmem>>) target_semaphore(%run_scoped3A : memref<!tpu.dma_semaphore, #tpu.memory_space<semaphore_mem>>)
      %dma_wait3A_21 = tpu.memref_slice %arg3[%mul3A_2] : memref<5120xi32, #tpu.memory_space<hbm>> -> memref<160xi32, #tpu.memory_space<hbm>>
      %dma_wait3A_22 = tpu.memref_slice %arg3[%mul3A_2] : memref<5120xi32, #tpu.memory_space<hbm>> -> memref<160xi32, #tpu.memory_space<hbm>>
      tpu.wait_dma2 semaphore(%run_scoped3A : memref<!tpu.dma_semaphore, #tpu.memory_space<semaphore_mem>>) src(%dma_wait3A_22 : memref<160xi32, #tpu.memory_space<hbm>>) dst(%arg5 : memref<160xi32, #tpu.memory_space<vmem>>)
      tpu.yield
    }) : () -> ()
    %dma_start3A = arith.constant 0 : i32
    %dma_start3A_3 = tpu.memref_slice %arg5[%dma_start3A] : memref<160xi32, #tpu.memory_space<vmem>> -> memref<16xi32, #tpu.memory_space<vmem>>
    %dma_start3A_4 = arith.constant 0 : i32
    %dma_start3A_5 = arith.constant 0 : i32
    %dma_start3A_6 = tpu.memref_slice %arg2[%dma_start3A_4, %dma_start3A_5] : memref<100000x2048xf32, #tpu.memory_space<hbm>> -> memref<100000x2048xf32, #tpu.memory_space<hbm>>
    tpu.enqueue_indirect_dma source(%dma_start3A_6 : memref<100000x2048xf32, #tpu.memory_space<hbm>>) target(%arg6 : memref<16x2048xf32, #tpu.memory_space<vmem>>) offsets(%dma_start3A_3 : memref<16xi32, #tpu.memory_space<vmem>>) semaphore(%arg8 : memref<!tpu.dma_semaphore, #tpu.memory_space<semaphore_mem>>)
    %scan3A = arith.constant 0 : i32
    %scan3A_7 = arith.constant 0 : i32
    %scan3A_8 = arith.constant 5 : i32
    %scan3A_9 = arith.addi %scan3A_7, %scan3A_8 : i32
    %scan3A_10 = arith.constant 1 : i32
    scf.for %scan3A_19 = %scan3A_7 to %scan3A_9 step %scan3A_10  : i32 {
      %mul3A_20 = arith.constant 2 : i32
      %mul3A_21 = arith.muli %mul3A_20, %scan3A_19 : i32
      %gt3A = arith.constant 0 : i32
      %gt3A_22 = arith.cmpi sgt, %scan3A_19, %gt3A : i32
      %convert_element_type3A = arith.extui %gt3A_22 : i1 to i32
      %cond3A = arith.constant 0 : i32
      %cond3A_23 = arith.cmpi ne, %convert_element_type3A, %cond3A : i32
      scf.if %cond3A_23 {
        %dma_wait3A_62 = arith.constant 0 : i32
        %dma_wait3A_63 = tpu.memref_slice %arg4[%mul3A_2, %dma_wait3A_62] : memref<5120x2048xf32, #tpu.memory_space<hbm>> -> memref<16x2048xf32, #tpu.memory_space<hbm>>
        %dma_wait3A_64 = arith.constant 0 : i32
        %dma_wait3A_65 = tpu.memref_slice %arg4[%mul3A_2, %dma_wait3A_64] : memref<5120x2048xf32, #tpu.memory_space<hbm>> -> memref<16x2048xf32, #tpu.memory_space<hbm>>
        tpu.wait_dma2 semaphore(%arg11 : memref<!tpu.dma_semaphore, #tpu.memory_space<semaphore_mem>>) src(%arg7 : memref<16x2048xf32, #tpu.memory_space<vmem>>) dst(%dma_wait3A_65 : memref<16x2048xf32, #tpu.memory_space<hbm>>)
      } else {
      }
      %add3A_24 = arith.constant 1 : i32
      %add3A_25 = arith.addi %mul3A_21, %add3A_24 : i32
      %mul3A_26 = arith.constant 16 : i32
      %mul3A_27 = arith.muli %add3A_25, %mul3A_26 : i32
      %dma_start3A_28 = tpu.memref_slice %arg5[%mul3A_27] : memref<160xi32, #tpu.memory_space<vmem>> -> memref<16xi32, #tpu.memory_space<vmem>>
      %dma_start3A_29 = arith.constant 0 : i32
      %dma_start3A_30 = arith.constant 0 : i32
      %dma_start3A_31 = tpu.memref_slice %arg2[%dma_start3A_29, %dma_start3A_30] : memref<100000x2048xf32, #tpu.memory_space<hbm>> -> memref<100000x2048xf32, #tpu.memory_space<hbm>>
      tpu.enqueue_indirect_dma source(%dma_start3A_31 : memref<100000x2048xf32, #tpu.memory_space<hbm>>) target(%arg7 : memref<16x2048xf32, #tpu.memory_space<vmem>>) offsets(%dma_start3A_28 : memref<16xi32, #tpu.memory_space<vmem>>) semaphore(%arg9 : memref<!tpu.dma_semaphore, #tpu.memory_space<semaphore_mem>>)
      %dma_wait3A_32 = arith.constant 0 : i32
      %dma_wait3A_33 = tpu.memref_slice %arg5[%dma_wait3A_32] : memref<160xi32, #tpu.memory_space<vmem>> -> memref<16xi32, #tpu.memory_space<vmem>>
      %dma_wait3A_34 = arith.constant 0 : i32
      %dma_wait3A_35 = arith.constant 0 : i32
      %dma_wait3A_36 = tpu.memref_slice %arg2[%dma_wait3A_34, %dma_wait3A_35] : memref<100000x2048xf32, #tpu.memory_space<hbm>> -> memref<100000x2048xf32, #tpu.memory_space<hbm>>
      tpu.wait_indirect_dma semaphore(%arg8 : memref<!tpu.dma_semaphore, #tpu.memory_space<semaphore_mem>>) src(%dma_wait3A_36 : memref<100000x2048xf32, #tpu.memory_space<hbm>>) dst(%arg6 : memref<16x2048xf32, #tpu.memory_space<vmem>>)
      %mul3A_37 = arith.constant 16 : i32
      %mul3A_38 = arith.muli %mul3A_21, %mul3A_37 : i32
      %add3A_39 = arith.addi %mul3A_2, %mul3A_38 : i32
      %dma_start3A_40 = arith.constant 0 : i32
      %dma_start3A_41 = tpu.memref_slice %arg4[%add3A_39, %dma_start3A_40] : memref<5120x2048xf32, #tpu.memory_space<hbm>> -> memref<16x2048xf32, #tpu.memory_space<hbm>>
      %dma_start3A_42 = arith.constant 0 : i32
      %dma_start3A_43 = tpu.memref_slice %arg4[%add3A_39, %dma_start3A_42] : memref<5120x2048xf32, #tpu.memory_space<hbm>> -> memref<16x2048xf32, #tpu.memory_space<hbm>>
      tpu.enqueue_dma source(%arg6 : memref<16x2048xf32, #tpu.memory_space<vmem>>) target(%dma_start3A_43 : memref<16x2048xf32, #tpu.memory_space<hbm>>) target_semaphore(%arg10 : memref<!tpu.dma_semaphore, #tpu.memory_space<semaphore_mem>>)
      %lt3A = arith.constant 4 : i32
      %lt3A_44 = arith.cmpi slt, %scan3A_19, %lt3A : i32
      %convert_element_type3A_45 = arith.extui %lt3A_44 : i1 to i32
      %cond3A_46 = arith.constant 0 : i32
      %cond3A_47 = arith.cmpi ne, %convert_element_type3A_45, %cond3A_46 : i32
      scf.if %cond3A_47 {
        %dma_wait3A_62 = arith.constant 0 : i32
        %dma_wait3A_63 = tpu.memref_slice %arg4[%mul3A_2, %dma_wait3A_62] : memref<5120x2048xf32, #tpu.memory_space<hbm>> -> memref<16x2048xf32, #tpu.memory_space<hbm>>
        %dma_wait3A_64 = arith.constant 0 : i32
        %dma_wait3A_65 = tpu.memref_slice %arg4[%mul3A_2, %dma_wait3A_64] : memref<5120x2048xf32, #tpu.memory_space<hbm>> -> memref<16x2048xf32, #tpu.memory_space<hbm>>
        tpu.wait_dma2 semaphore(%arg10 : memref<!tpu.dma_semaphore, #tpu.memory_space<semaphore_mem>>) src(%arg6 : memref<16x2048xf32, #tpu.memory_space<vmem>>) dst(%dma_wait3A_65 : memref<16x2048xf32, #tpu.memory_space<hbm>>)
        %add3A_66 = arith.constant 2 : i32
        %add3A_67 = arith.addi %mul3A_21, %add3A_66 : i32
        %mul3A_68 = arith.constant 16 : i32
        %mul3A_69 = arith.muli %add3A_67, %mul3A_68 : i32
        %dma_start3A_70 = tpu.memref_slice %arg5[%mul3A_69] : memref<160xi32, #tpu.memory_space<vmem>> -> memref<16xi32, #tpu.memory_space<vmem>>
        %dma_start3A_71 = arith.constant 0 : i32
        %dma_start3A_72 = arith.constant 0 : i32
        %dma_start3A_73 = tpu.memref_slice %arg2[%dma_start3A_71, %dma_start3A_72] : memref<100000x2048xf32, #tpu.memory_space<hbm>> -> memref<100000x2048xf32, #tpu.memory_space<hbm>>
        tpu.enqueue_indirect_dma source(%dma_start3A_73 : memref<100000x2048xf32, #tpu.memory_space<hbm>>) target(%arg6 : memref<16x2048xf32, #tpu.memory_space<vmem>>) offsets(%dma_start3A_70 : memref<16xi32, #tpu.memory_space<vmem>>) semaphore(%arg8 : memref<!tpu.dma_semaphore, #tpu.memory_space<semaphore_mem>>)
      } else {
      }
      %dma_wait3A_48 = arith.constant 0 : i32
      %dma_wait3A_49 = tpu.memref_slice %arg5[%dma_wait3A_48] : memref<160xi32, #tpu.memory_space<vmem>> -> memref<16xi32, #tpu.memory_space<vmem>>
      %dma_wait3A_50 = arith.constant 0 : i32
      %dma_wait3A_51 = arith.constant 0 : i32
      %dma_wait3A_52 = tpu.memref_slice %arg2[%dma_wait3A_50, %dma_wait3A_51] : memref<100000x2048xf32, #tpu.memory_space<hbm>> -> memref<100000x2048xf32, #tpu.memory_space<hbm>>
      tpu.wait_indirect_dma semaphore(%arg9 : memref<!tpu.dma_semaphore, #tpu.memory_space<semaphore_mem>>) src(%dma_wait3A_52 : memref<100000x2048xf32, #tpu.memory_space<hbm>>) dst(%arg7 : memref<16x2048xf32, #tpu.memory_space<vmem>>)
      %add3A_53 = arith.constant 1 : i32
      %add3A_54 = arith.addi %mul3A_21, %add3A_53 : i32
      %mul3A_55 = arith.constant 16 : i32
      %mul3A_56 = arith.muli %add3A_54, %mul3A_55 : i32
      %add3A_57 = arith.addi %mul3A_2, %mul3A_56 : i32
      %dma_start3A_58 = arith.constant 0 : i32
      %dma_start3A_59 = tpu.memref_slice %arg4[%add3A_57, %dma_start3A_58] : memref<5120x2048xf32, #tpu.memory_space<hbm>> -> memref<16x2048xf32, #tpu.memory_space<hbm>>
      %dma_start3A_60 = arith.constant 0 : i32
      %dma_start3A_61 = tpu.memref_slice %arg4[%add3A_57, %dma_start3A_60] : memref<5120x2048xf32, #tpu.memory_space<hbm>> -> memref<16x2048xf32, #tpu.memory_space<hbm>>
      tpu.enqueue_dma source(%arg7 : memref<16x2048xf32, #tpu.memory_space<vmem>>) target(%dma_start3A_61 : memref<16x2048xf32, #tpu.memory_space<hbm>>) target_semaphore(%arg11 : memref<!tpu.dma_semaphore, #tpu.memory_space<semaphore_mem>>)
    }
    %scan3A_11 = arith.constant 5 : i32
    %dma_wait3A = arith.constant 0 : i32
    %dma_wait3A_12 = tpu.memref_slice %arg4[%mul3A_2, %dma_wait3A] : memref<5120x2048xf32, #tpu.memory_space<hbm>> -> memref<16x2048xf32, #tpu.memory_space<hbm>>
    %dma_wait3A_13 = arith.constant 0 : i32
    %dma_wait3A_14 = tpu.memref_slice %arg4[%mul3A_2, %dma_wait3A_13] : memref<5120x2048xf32, #tpu.memory_space<hbm>> -> memref<16x2048xf32, #tpu.memory_space<hbm>>
    tpu.wait_dma2 semaphore(%arg10 : memref<!tpu.dma_semaphore, #tpu.memory_space<semaphore_mem>>) src(%arg6 : memref<16x2048xf32, #tpu.memory_space<vmem>>) dst(%dma_wait3A_14 : memref<16x2048xf32, #tpu.memory_space<hbm>>)
    %dma_wait3A_15 = arith.constant 0 : i32
    %dma_wait3A_16 = tpu.memref_slice %arg4[%mul3A_2, %dma_wait3A_15] : memref<5120x2048xf32, #tpu.memory_space<hbm>> -> memref<16x2048xf32, #tpu.memory_space<hbm>>
    %dma_wait3A_17 = arith.constant 0 : i32
    %dma_wait3A_18 = tpu.memref_slice %arg4[%mul3A_2, %dma_wait3A_17] : memref<5120x2048xf32, #tpu.memory_space<hbm>> -> memref<16x2048xf32, #tpu.memory_space<hbm>>
    tpu.wait_dma2 semaphore(%arg11 : memref<!tpu.dma_semaphore, #tpu.memory_space<semaphore_mem>>) src(%arg7 : memref<16x2048xf32, #tpu.memory_space<vmem>>) dst(%dma_wait3A_18 : memref<16x2048xf32, #tpu.memory_space<hbm>>)
    return
  }
}

#map = affine_map<(d0, d1) -> (0, 0)>
#map1 = affine_map<(d0, d1) -> (0)>
module attributes {stable_mosaic.version = 14 : i64} {
  func.func @_sc_gather(%arg0: i32, %arg1: i32, %arg2: memref<100000x2048xf32, #tpu.memory_space<hbm>>, %arg3: memref<5120xi32, #tpu.memory_space<hbm>>, %arg4: memref<5120x2048xf32, #tpu.memory_space<hbm>>, %arg5: memref<160xi32, #tpu.memory_space<vmem>>, %arg6: memref<16x2048xf32, #tpu.memory_space<vmem>>, %arg7: memref<16x2048xf32, #tpu.memory_space<vmem>>, %arg8: memref<!tpu.dma_semaphore, #tpu.memory_space<semaphore_mem>>, %arg9: memref<!tpu.dma_semaphore, #tpu.memory_space<semaphore_mem>>, %arg10: memref<!tpu.dma_semaphore, #tpu.memory_space<semaphore_mem>>, %arg11: memref<!tpu.dma_semaphore, #tpu.memory_space<semaphore_mem>>) attributes {dimension_semantics = [#tpu.dimension_semantics<core_parallel>, #tpu.dimension_semantics<subcore_parallel>], iteration_bounds = array<i64: 2, 16>, scalar_prefetch = 0 : i64, scratch_operands = 7 : i64, tpu.core_type = #tpu.core_type<sc_vector_subcore>, window_params = [{transform_indices = #map}, {transform_indices = #map1}, {transform_indices = #map}]} {
    %mul3A = arith.constant 2 : i32
    %mul3A_0 = arith.muli %arg1, %mul3A : i32
    %add3A = arith.addi %mul3A_0, %arg0 : i32
    %mul3A_1 = arith.constant 160 : i32
    %mul3A_2 = arith.muli %add3A, %mul3A_1 : i32
    "tpu.region"() ({
      %run_scoped3A = tpu.sem_alloc : memref<!tpu.dma_semaphore, #tpu.memory_space<semaphore_mem>>
      %dma_start3A_19 = tpu.memref_slice %arg3[%mul3A_2] : memref<5120xi32, #tpu.memory_space<hbm>> -> memref<160xi32, #tpu.memory_space<hbm>>
      %dma_start3A_20 = tpu.memref_slice %arg3[%mul3A_2] : memref<5120xi32, #tpu.memory_space<hbm>> -> memref<160xi32, #tpu.memory_space<hbm>>
      tpu.enqueue_dma source(%dma_start3A_20 : memref<160xi32, #tpu.memory_space<hbm>>) target(%arg5 : memref<160xi32, #tpu.memory_space<vmem>>) target_semaphore(%run_scoped3A : memref<!tpu.dma_semaphore, #tpu.memory_space<semaphore_mem>>)
      %dma_wait3A_21 = tpu.memref_slice %arg3[%mul3A_2] : memref<5120xi32, #tpu.memory_space<hbm>> -> memref<160xi32, #tpu.memory_space<hbm>>
      %dma_wait3A_22 = tpu.memref_slice %arg3[%mul3A_2] : memref<5120xi32, #tpu.memory_space<hbm>> -> memref<160xi32, #tpu.memory_space<hbm>>
      tpu.wait_dma2 semaphore(%run_scoped3A : memref<!tpu.dma_semaphore, #tpu.memory_space<semaphore_mem>>) src(%dma_wait3A_22 : memref<160xi32, #tpu.memory_space<hbm>>) dst(%arg5 : memref<160xi32, #tpu.memory_space<vmem>>)
      tpu.yield
    }) : () -> ()
    %dma_start3A = arith.constant 0 : i32
    %dma_start3A_3 = tpu.memref_slice %arg5[%dma_start3A] : memref<160xi32, #tpu.memory_space<vmem>> -> memref<16xi32, #tpu.memory_space<vmem>>
    %dma_start3A_4 = arith.constant 0 : i32
    %dma_start3A_5 = arith.constant 0 : i32
    %dma_start3A_6 = tpu.memref_slice %arg2[%dma_start3A_4, %dma_start3A_5] : memref<100000x2048xf32, #tpu.memory_space<hbm>> -> memref<100000x2048xf32, #tpu.memory_space<hbm>>
    tpu.enqueue_indirect_dma source(%dma_start3A_6 : memref<100000x2048xf32, #tpu.memory_space<hbm>>) target(%arg6 : memref<16x2048xf32, #tpu.memory_space<vmem>>) offsets(%dma_start3A_3 : memref<16xi32, #tpu.memory_space<vmem>>) semaphore(%arg8 : memref<!tpu.dma_semaphore, #tpu.memory_space<semaphore_mem>>)
    %scan3A = arith.constant 0 : i32
    %scan3A_7 = arith.constant 0 : i32
    %scan3A_8 = arith.constant 5 : i32
    %scan3A_9 = arith.addi %scan3A_7, %scan3A_8 : i32
    %scan3A_10 = arith.constant 1 : i32
    scf.for %scan3A_19 = %scan3A_7 to %scan3A_9 step %scan3A_10  : i32 {
      %mul3A_20 = arith.constant 2 : i32
      %mul3A_21 = arith.muli %mul3A_20, %scan3A_19 : i32
      %gt3A = arith.constant 0 : i32
      %gt3A_22 = arith.cmpi sgt, %scan3A_19, %gt3A : i32
      %convert_element_type3A = arith.extui %gt3A_22 : i1 to i32
      %cond3A = arith.constant 0 : i32
      %cond3A_23 = arith.cmpi ne, %convert_element_type3A, %cond3A : i32
      scf.if %cond3A_23 {
        %dma_wait3A_62 = arith.constant 0 : i32
        %dma_wait3A_63 = tpu.memref_slice %arg4[%mul3A_2, %dma_wait3A_62] : memref<5120x2048xf32, #tpu.memory_space<hbm>> -> memref<16x2048xf32, #tpu.memory_space<hbm>>
        %dma_wait3A_64 = arith.constant 0 : i32
        %dma_wait3A_65 = tpu.memref_slice %arg4[%mul3A_2, %dma_wait3A_64] : memref<5120x2048xf32, #tpu.memory_space<hbm>> -> memref<16x2048xf32, #tpu.memory_space<hbm>>
        tpu.wait_dma2 semaphore(%arg11 : memref<!tpu.dma_semaphore, #tpu.memory_space<semaphore_mem>>) src(%arg7 : memref<16x2048xf32, #tpu.memory_space<vmem>>) dst(%dma_wait3A_65 : memref<16x2048xf32, #tpu.memory_space<hbm>>)
      } else {
      }
      %add3A_24 = arith.constant 1 : i32
      %add3A_25 = arith.addi %mul3A_21, %add3A_24 : i32
      %mul3A_26 = arith.constant 16 : i32
      %mul3A_27 = arith.muli %add3A_25, %mul3A_26 : i32
      %dma_start3A_28 = tpu.memref_slice %arg5[%mul3A_27] : memref<160xi32, #tpu.memory_space<vmem>> -> memref<16xi32, #tpu.memory_space<vmem>>
      %dma_start3A_29 = arith.constant 0 : i32
      %dma_start3A_30 = arith.constant 0 : i32
      %dma_start3A_31 = tpu.memref_slice %arg2[%dma_start3A_29, %dma_start3A_30] : memref<100000x2048xf32, #tpu.memory_space<hbm>> -> memref<100000x2048xf32, #tpu.memory_space<hbm>>
      tpu.enqueue_indirect_dma source(%dma_start3A_31 : memref<100000x2048xf32, #tpu.memory_space<hbm>>) target(%arg7 : memref<16x2048xf32, #tpu.memory_space<vmem>>) offsets(%dma_start3A_28 : memref<16xi32, #tpu.memory_space<vmem>>) semaphore(%arg9 : memref<!tpu.dma_semaphore, #tpu.memory_space<semaphore_mem>>)
      %dma_wait3A_32 = arith.constant 0 : i32
      %dma_wait3A_33 = tpu.memref_slice %arg5[%dma_wait3A_32] : memref<160xi32, #tpu.memory_space<vmem>> -> memref<16xi32, #tpu.memory_space<vmem>>
      %dma_wait3A_34 = arith.constant 0 : i32
      %dma_wait3A_35 = arith.constant 0 : i32
      %dma_wait3A_36 = tpu.memref_slice %arg2[%dma_wait3A_34, %dma_wait3A_35] : memref<100000x2048xf32, #tpu.memory_space<hbm>> -> memref<100000x2048xf32, #tpu.memory_space<hbm>>
      tpu.wait_indirect_dma semaphore(%arg8 : memref<!tpu.dma_semaphore, #tpu.memory_space<semaphore_mem>>) src(%dma_wait3A_36 : memref<100000x2048xf32, #tpu.memory_space<hbm>>) dst(%arg6 : memref<16x2048xf32, #tpu.memory_space<vmem>>)
      %mul3A_37 = arith.constant 16 : i32
      %mul3A_38 = arith.muli %mul3A_21, %mul3A_37 : i32
      %add3A_39 = arith.addi %mul3A_2, %mul3A_38 : i32
      %dma_start3A_40 = arith.constant 0 : i32
      %dma_start3A_41 = tpu.memref_slice %arg4[%add3A_39, %dma_start3A_40] : memref<5120x2048xf32, #tpu.memory_space<hbm>> -> memref<16x2048xf32, #tpu.memory_space<hbm>>
      %dma_start3A_42 = arith.constant 0 : i32
      %dma_start3A_43 = tpu.memref_slice %arg4[%add3A_39, %dma_start3A_42] : memref<5120x2048xf32, #tpu.memory_space<hbm>> -> memref<16x2048xf32, #tpu.memory_space<hbm>>
      tpu.enqueue_dma source(%arg6 : memref<16x2048xf32, #tpu.memory_space<vmem>>) target(%dma_start3A_43 : memref<16x2048xf32, #tpu.memory_space<hbm>>) target_semaphore(%arg10 : memref<!tpu.dma_semaphore, #tpu.memory_space<semaphore_mem>>)
      %lt3A = arith.constant 4 : i32
      %lt3A_44 = arith.cmpi slt, %scan3A_19, %lt3A : i32
      %convert_element_type3A_45 = arith.extui %lt3A_44 : i1 to i32
      %cond3A_46 = arith.constant 0 : i32
      %cond3A_47 = arith.cmpi ne, %convert_element_type3A_45, %cond3A_46 : i32
      scf.if %cond3A_47 {
        %dma_wait3A_62 = arith.constant 0 : i32
        %dma_wait3A_63 = tpu.memref_slice %arg4[%mul3A_2, %dma_wait3A_62] : memref<5120x2048xf32, #tpu.memory_space<hbm>> -> memref<16x2048xf32, #tpu.memory_space<hbm>>
        %dma_wait3A_64 = arith.constant 0 : i32
        %dma_wait3A_65 = tpu.memref_slice %arg4[%mul3A_2, %dma_wait3A_64] : memref<5120x2048xf32, #tpu.memory_space<hbm>> -> memref<16x2048xf32, #tpu.memory_space<hbm>>
        tpu.wait_dma2 semaphore(%arg10 : memref<!tpu.dma_semaphore, #tpu.memory_space<semaphore_mem>>) src(%arg6 : memref<16x2048xf32, #tpu.memory_space<vmem>>) dst(%dma_wait3A_65 : memref<16x2048xf32, #tpu.memory_space<hbm>>)
        %add3A_66 = arith.constant 2 : i32
        %add3A_67 = arith.addi %mul3A_21, %add3A_66 : i32
        %mul3A_68 = arith.constant 16 : i32
        %mul3A_69 = arith.muli %add3A_67, %mul3A_68 : i32
        %dma_start3A_70 = tpu.memref_slice %arg5[%mul3A_69] : memref<160xi32, #tpu.memory_space<vmem>> -> memref<16xi32, #tpu.memory_space<vmem>>
        %dma_start3A_71 = arith.constant 0 : i32
        %dma_start3A_72 = arith.constant 0 : i32
        %dma_start3A_73 = tpu.memref_slice %arg2[%dma_start3A_71, %dma_start3A_72] : memref<100000x2048xf32, #tpu.memory_space<hbm>> -> memref<100000x2048xf32, #tpu.memory_space<hbm>>
        tpu.enqueue_indirect_dma source(%dma_start3A_73 : memref<100000x2048xf32, #tpu.memory_space<hbm>>) target(%arg6 : memref<16x2048xf32, #tpu.memory_space<vmem>>) offsets(%dma_start3A_70 : memref<16xi32, #tpu.memory_space<vmem>>) semaphore(%arg8 : memref<!tpu.dma_semaphore, #tpu.memory_space<semaphore_mem>>)
      } else {
      }
      %dma_wait3A_48 = arith.constant 0 : i32
      %dma_wait3A_49 = tpu.memref_slice %arg5[%dma_wait3A_48] : memref<160xi32, #tpu.memory_space<vmem>> -> memref<16xi32, #tpu.memory_space<vmem>>
      %dma_wait3A_50 = arith.constant 0 : i32
      %dma_wait3A_51 = arith.constant 0 : i32
      %dma_wait3A_52 = tpu.memref_slice %arg2[%dma_wait3A_50, %dma_wait3A_51] : memref<100000x2048xf32, #tpu.memory_space<hbm>> -> memref<100000x2048xf32, #tpu.memory_space<hbm>>
      tpu.wait_indirect_dma semaphore(%arg9 : memref<!tpu.dma_semaphore, #tpu.memory_space<semaphore_mem>>) src(%dma_wait3A_52 : memref<100000x2048xf32, #tpu.memory_space<hbm>>) dst(%arg7 : memref<16x2048xf32, #tpu.memory_space<vmem>>)
      %add3A_53 = arith.constant 1 : i32
      %add3A_54 = arith.addi %mul3A_21, %add3A_53 : i32
      %mul3A_55 = arith.constant 16 : i32
      %mul3A_56 = arith.muli %add3A_54, %mul3A_55 : i32
      %add3A_57 = arith.addi %mul3A_2, %mul3A_56 : i32
      %dma_start3A_58 = arith.constant 0 : i32
      %dma_start3A_59 = tpu.memref_slice %arg4[%add3A_57, %dma_start3A_58] : memref<5120x2048xf32, #tpu.memory_space<hbm>> -> memref<16x2048xf32, #tpu.memory_space<hbm>>
      %dma_start3A_60 = arith.constant 0 : i32
      %dma_start3A_61 = tpu.memref_slice %arg4[%add3A_57, %dma_start3A_60] : memref<5120x2048xf32, #tpu.memory_space<hbm>> -> memref<16x2048xf32, #tpu.memory_space<hbm>>
      tpu.enqueue_dma source(%arg7 : memref<16x2048xf32, #tpu.memory_space<vmem>>) target(%dma_start3A_61 : memref<16x2048xf32, #tpu.memory_space<hbm>>) target_semaphore(%arg11 : memref<!tpu.dma_semaphore, #tpu.memory_space<semaphore_mem>>)
    }
    %scan3A_11 = arith.constant 5 : i32
    %dma_wait3A = arith.constant 0 : i32
    %dma_wait3A_12 = tpu.memref_slice %arg4[%mul3A_2, %dma_wait3A] : memref<5120x2048xf32, #tpu.memory_space<hbm>> -> memref<16x2048xf32, #tpu.memory_space<hbm>>
    %dma_wait3A_13 = arith.constant 0 : i32
    %dma_wait3A_14 = tpu.memref_slice %arg4[%mul3A_2, %dma_wait3A_13] : memref<5120x2048xf32, #tpu.memory_space<hbm>> -> memref<16x2048xf32, #tpu.memory_space<hbm>>
    tpu.wait_dma2 semaphore(%arg10 : memref<!tpu.dma_semaphore, #tpu.memory_space<semaphore_mem>>) src(%arg6 : memref<16x2048xf32, #tpu.memory_space<vmem>>) dst(%dma_wait3A_14 : memref<16x2048xf32, #tpu.memory_space<hbm>>)
    %dma_wait3A_15 = arith.constant 0 : i32
    %dma_wait3A_16 = tpu.memref_slice %arg4[%mul3A_2, %dma_wait3A_15] : memref<5120x2048xf32, #tpu.memory_space<hbm>> -> memref<16x2048xf32, #tpu.memory_space<hbm>>
    %dma_wait3A_17 = arith.constant 0 : i32
    %dma_wait3A_18 = tpu.memref_slice %arg4[%mul3A_2, %dma_wait3A_17] : memref<5120x2048xf32, #tpu.memory_space<hbm>> -> memref<16x2048xf32, #tpu.memory_space<hbm>>
    tpu.wait_dma2 semaphore(%arg11 : memref<!tpu.dma_semaphore, #tpu.memory_space<semaphore_mem>>) src(%arg7 : memref<16x2048xf32, #tpu.memory_space<vmem>>) dst(%dma_wait3A_18 : memref<16x2048xf32, #tpu.memory_space<hbm>>)
    return
  }
}

#map = affine_map<(d0, d1) -> (0, 0)>
#map1 = affine_map<(d0, d1) -> (0)>
module attributes {stable_mosaic.version = 14 : i64} {
  func.func @_sc_gather(%arg0: i32, %arg1: i32, %arg2: memref<100000x2048xf32, #tpu.memory_space<hbm>>, %arg3: memref<5120xi32, #tpu.memory_space<hbm>>, %arg4: memref<5120x2048xf32, #tpu.memory_space<hbm>>, %arg5: memref<160xi32, #tpu.memory_space<vmem>>, %arg6: memref<16x2048xf32, #tpu.memory_space<vmem>>, %arg7: memref<16x2048xf32, #tpu.memory_space<vmem>>, %arg8: memref<!tpu.dma_semaphore, #tpu.memory_space<semaphore_mem>>, %arg9: memref<!tpu.dma_semaphore, #tpu.memory_space<semaphore_mem>>, %arg10: memref<!tpu.dma_semaphore, #tpu.memory_space<semaphore_mem>>, %arg11: memref<!tpu.dma_semaphore, #tpu.memory_space<semaphore_mem>>) attributes {dimension_semantics = [#tpu.dimension_semantics<core_parallel>, #tpu.dimension_semantics<subcore_parallel>], iteration_bounds = array<i64: 2, 16>, scalar_prefetch = 0 : i64, scratch_operands = 7 : i64, tpu.core_type = #tpu.core_type<sc_vector_subcore>, window_params = [{transform_indices = #map}, {transform_indices = #map1}, {transform_indices = #map}]} {
    %mul3A = arith.constant 2 : i32
    %mul3A_0 = arith.muli %arg1, %mul3A : i32
    %add3A = arith.addi %mul3A_0, %arg0 : i32
    %mul3A_1 = arith.constant 160 : i32
    %mul3A_2 = arith.muli %add3A, %mul3A_1 : i32
    "tpu.region"() ({
      %run_scoped3A = tpu.sem_alloc : memref<!tpu.dma_semaphore, #tpu.memory_space<semaphore_mem>>
      %dma_start3A_19 = tpu.memref_slice %arg3[%mul3A_2] : memref<5120xi32, #tpu.memory_space<hbm>> -> memref<160xi32, #tpu.memory_space<hbm>>
      %dma_start3A_20 = tpu.memref_slice %arg3[%mul3A_2] : memref<5120xi32, #tpu.memory_space<hbm>> -> memref<160xi32, #tpu.memory_space<hbm>>
      tpu.enqueue_dma source(%dma_start3A_20 : memref<160xi32, #tpu.memory_space<hbm>>) target(%arg5 : memref<160xi32, #tpu.memory_space<vmem>>) target_semaphore(%run_scoped3A : memref<!tpu.dma_semaphore, #tpu.memory_space<semaphore_mem>>)
      %dma_wait3A_21 = tpu.memref_slice %arg3[%mul3A_2] : memref<5120xi32, #tpu.memory_space<hbm>> -> memref<160xi32, #tpu.memory_space<hbm>>
      %dma_wait3A_22 = tpu.memref_slice %arg3[%mul3A_2] : memref<5120xi32, #tpu.memory_space<hbm>> -> memref<160xi32, #tpu.memory_space<hbm>>
      tpu.wait_dma2 semaphore(%run_scoped3A : memref<!tpu.dma_semaphore, #tpu.memory_space<semaphore_mem>>) src(%dma_wait3A_22 : memref<160xi32, #tpu.memory_space<hbm>>) dst(%arg5 : memref<160xi32, #tpu.memory_space<vmem>>)
      tpu.yield
    }) : () -> ()
    %dma_start3A = arith.constant 0 : i32
    %dma_start3A_3 = tpu.memref_slice %arg5[%dma_start3A] : memref<160xi32, #tpu.memory_space<vmem>> -> memref<16xi32, #tpu.memory_space<vmem>>
    %dma_start3A_4 = arith.constant 0 : i32
    %dma_start3A_5 = arith.constant 0 : i32
    %dma_start3A_6 = tpu.memref_slice %arg2[%dma_start3A_4, %dma_start3A_5] : memref<100000x2048xf32, #tpu.memory_space<hbm>> -> memref<100000x2048xf32, #tpu.memory_space<hbm>>
    tpu.enqueue_indirect_dma source(%dma_start3A_6 : memref<100000x2048xf32, #tpu.memory_space<hbm>>) target(%arg6 : memref<16x2048xf32, #tpu.memory_space<vmem>>) offsets(%dma_start3A_3 : memref<16xi32, #tpu.memory_space<vmem>>) semaphore(%arg8 : memref<!tpu.dma_semaphore, #tpu.memory_space<semaphore_mem>>)
    %scan3A = arith.constant 0 : i32
    %scan3A_7 = arith.constant 0 : i32
    %scan3A_8 = arith.constant 5 : i32
    %scan3A_9 = arith.addi %scan3A_7, %scan3A_8 : i32
    %scan3A_10 = arith.constant 1 : i32
    scf.for %scan3A_19 = %scan3A_7 to %scan3A_9 step %scan3A_10  : i32 {
      %mul3A_20 = arith.constant 2 : i32
      %mul3A_21 = arith.muli %mul3A_20, %scan3A_19 : i32
      %gt3A = arith.constant 0 : i32
      %gt3A_22 = arith.cmpi sgt, %scan3A_19, %gt3A : i32
      %convert_element_type3A = arith.extui %gt3A_22 : i1 to i32
      %cond3A = arith.constant 0 : i32
      %cond3A_23 = arith.cmpi ne, %convert_element_type3A, %cond3A : i32
      scf.if %cond3A_23 {
        %dma_wait3A_62 = arith.constant 0 : i32
        %dma_wait3A_63 = tpu.memref_slice %arg4[%mul3A_2, %dma_wait3A_62] : memref<5120x2048xf32, #tpu.memory_space<hbm>> -> memref<16x2048xf32, #tpu.memory_space<hbm>>
        %dma_wait3A_64 = arith.constant 0 : i32
        %dma_wait3A_65 = tpu.memref_slice %arg4[%mul3A_2, %dma_wait3A_64] : memref<5120x2048xf32, #tpu.memory_space<hbm>> -> memref<16x2048xf32, #tpu.memory_space<hbm>>
        tpu.wait_dma2 semaphore(%arg11 : memref<!tpu.dma_semaphore, #tpu.memory_space<semaphore_mem>>) src(%arg7 : memref<16x2048xf32, #tpu.memory_space<vmem>>) dst(%dma_wait3A_65 : memref<16x2048xf32, #tpu.memory_space<hbm>>)
      } else {
      }
      %add3A_24 = arith.constant 1 : i32
      %add3A_25 = arith.addi %mul3A_21, %add3A_24 : i32
      %mul3A_26 = arith.constant 16 : i32
      %mul3A_27 = arith.muli %add3A_25, %mul3A_26 : i32
      %dma_start3A_28 = tpu.memref_slice %arg5[%mul3A_27] : memref<160xi32, #tpu.memory_space<vmem>> -> memref<16xi32, #tpu.memory_space<vmem>>
      %dma_start3A_29 = arith.constant 0 : i32
      %dma_start3A_30 = arith.constant 0 : i32
      %dma_start3A_31 = tpu.memref_slice %arg2[%dma_start3A_29, %dma_start3A_30] : memref<100000x2048xf32, #tpu.memory_space<hbm>> -> memref<100000x2048xf32, #tpu.memory_space<hbm>>
      tpu.enqueue_indirect_dma source(%dma_start3A_31 : memref<100000x2048xf32, #tpu.memory_space<hbm>>) target(%arg7 : memref<16x2048xf32, #tpu.memory_space<vmem>>) offsets(%dma_start3A_28 : memref<16xi32, #tpu.memory_space<vmem>>) semaphore(%arg9 : memref<!tpu.dma_semaphore, #tpu.memory_space<semaphore_mem>>)
      %dma_wait3A_32 = arith.constant 0 : i32
      %dma_wait3A_33 = tpu.memref_slice %arg5[%dma_wait3A_32] : memref<160xi32, #tpu.memory_space<vmem>> -> memref<16xi32, #tpu.memory_space<vmem>>
      %dma_wait3A_34 = arith.constant 0 : i32
      %dma_wait3A_35 = arith.constant 0 : i32
      %dma_wait3A_36 = tpu.memref_slice %arg2[%dma_wait3A_34, %dma_wait3A_35] : memref<100000x2048xf32, #tpu.memory_space<hbm>> -> memref<100000x2048xf32, #tpu.memory_space<hbm>>
      tpu.wait_indirect_dma semaphore(%arg8 : memref<!tpu.dma_semaphore, #tpu.memory_space<semaphore_mem>>) src(%dma_wait3A_36 : memref<100000x2048xf32, #tpu.memory_space<hbm>>) dst(%arg6 : memref<16x2048xf32, #tpu.memory_space<vmem>>)
      %mul3A_37 = arith.constant 16 : i32
      %mul3A_38 = arith.muli %mul3A_21, %mul3A_37 : i32
      %add3A_39 = arith.addi %mul3A_2, %mul3A_38 : i32
      %dma_start3A_40 = arith.constant 0 : i32
      %dma_start3A_41 = tpu.memref_slice %arg4[%add3A_39, %dma_start3A_40] : memref<5120x2048xf32, #tpu.memory_space<hbm>> -> memref<16x2048xf32, #tpu.memory_space<hbm>>
      %dma_start3A_42 = arith.constant 0 : i32
      %dma_start3A_43 = tpu.memref_slice %arg4[%add3A_39, %dma_start3A_42] : memref<5120x2048xf32, #tpu.memory_space<hbm>> -> memref<16x2048xf32, #tpu.memory_space<hbm>>
      tpu.enqueue_dma source(%arg6 : memref<16x2048xf32, #tpu.memory_space<vmem>>) target(%dma_start3A_43 : memref<16x2048xf32, #tpu.memory_space<hbm>>) target_semaphore(%arg10 : memref<!tpu.dma_semaphore, #tpu.memory_space<semaphore_mem>>)
      %lt3A = arith.constant 4 : i32
      %lt3A_44 = arith.cmpi slt, %scan3A_19, %lt3A : i32
      %convert_element_type3A_45 = arith.extui %lt3A_44 : i1 to i32
      %cond3A_46 = arith.constant 0 : i32
      %cond3A_47 = arith.cmpi ne, %convert_element_type3A_45, %cond3A_46 : i32
      scf.if %cond3A_47 {
        %dma_wait3A_62 = arith.constant 0 : i32
        %dma_wait3A_63 = tpu.memref_slice %arg4[%mul3A_2, %dma_wait3A_62] : memref<5120x2048xf32, #tpu.memory_space<hbm>> -> memref<16x2048xf32, #tpu.memory_space<hbm>>
        %dma_wait3A_64 = arith.constant 0 : i32
        %dma_wait3A_65 = tpu.memref_slice %arg4[%mul3A_2, %dma_wait3A_64] : memref<5120x2048xf32, #tpu.memory_space<hbm>> -> memref<16x2048xf32, #tpu.memory_space<hbm>>
        tpu.wait_dma2 semaphore(%arg10 : memref<!tpu.dma_semaphore, #tpu.memory_space<semaphore_mem>>) src(%arg6 : memref<16x2048xf32, #tpu.memory_space<vmem>>) dst(%dma_wait3A_65 : memref<16x2048xf32, #tpu.memory_space<hbm>>)
        %add3A_66 = arith.constant 2 : i32
        %add3A_67 = arith.addi %mul3A_21, %add3A_66 : i32
        %mul3A_68 = arith.constant 16 : i32
        %mul3A_69 = arith.muli %add3A_67, %mul3A_68 : i32
        %dma_start3A_70 = tpu.memref_slice %arg5[%mul3A_69] : memref<160xi32, #tpu.memory_space<vmem>> -> memref<16xi32, #tpu.memory_space<vmem>>
        %dma_start3A_71 = arith.constant 0 : i32
        %dma_start3A_72 = arith.constant 0 : i32
        %dma_start3A_73 = tpu.memref_slice %arg2[%dma_start3A_71, %dma_start3A_72] : memref<100000x2048xf32, #tpu.memory_space<hbm>> -> memref<100000x2048xf32, #tpu.memory_space<hbm>>
        tpu.enqueue_indirect_dma source(%dma_start3A_73 : memref<100000x2048xf32, #tpu.memory_space<hbm>>) target(%arg6 : memref<16x2048xf32, #tpu.memory_space<vmem>>) offsets(%dma_start3A_70 : memref<16xi32, #tpu.memory_space<vmem>>) semaphore(%arg8 : memref<!tpu.dma_semaphore, #tpu.memory_space<semaphore_mem>>)
      } else {
      }
      %dma_wait3A_48 = arith.constant 0 : i32
      %dma_wait3A_49 = tpu.memref_slice %arg5[%dma_wait3A_48] : memref<160xi32, #tpu.memory_space<vmem>> -> memref<16xi32, #tpu.memory_space<vmem>>
      %dma_wait3A_50 = arith.constant 0 : i32
      %dma_wait3A_51 = arith.constant 0 : i32
      %dma_wait3A_52 = tpu.memref_slice %arg2[%dma_wait3A_50, %dma_wait3A_51] : memref<100000x2048xf32, #tpu.memory_space<hbm>> -> memref<100000x2048xf32, #tpu.memory_space<hbm>>
      tpu.wait_indirect_dma semaphore(%arg9 : memref<!tpu.dma_semaphore, #tpu.memory_space<semaphore_mem>>) src(%dma_wait3A_52 : memref<100000x2048xf32, #tpu.memory_space<hbm>>) dst(%arg7 : memref<16x2048xf32, #tpu.memory_space<vmem>>)
      %add3A_53 = arith.constant 1 : i32
      %add3A_54 = arith.addi %mul3A_21, %add3A_53 : i32
      %mul3A_55 = arith.constant 16 : i32
      %mul3A_56 = arith.muli %add3A_54, %mul3A_55 : i32
      %add3A_57 = arith.addi %mul3A_2, %mul3A_56 : i32
      %dma_start3A_58 = arith.constant 0 : i32
      %dma_start3A_59 = tpu.memref_slice %arg4[%add3A_57, %dma_start3A_58] : memref<5120x2048xf32, #tpu.memory_space<hbm>> -> memref<16x2048xf32, #tpu.memory_space<hbm>>
      %dma_start3A_60 = arith.constant 0 : i32
      %dma_start3A_61 = tpu.memref_slice %arg4[%add3A_57, %dma_start3A_60] : memref<5120x2048xf32, #tpu.memory_space<hbm>> -> memref<16x2048xf32, #tpu.memory_space<hbm>>
      tpu.enqueue_dma source(%arg7 : memref<16x2048xf32, #tpu.memory_space<vmem>>) target(%dma_start3A_61 : memref<16x2048xf32, #tpu.memory_space<hbm>>) target_semaphore(%arg11 : memref<!tpu.dma_semaphore, #tpu.memory_space<semaphore_mem>>)
    }
    %scan3A_11 = arith.constant 5 : i32
    %dma_wait3A = arith.constant 0 : i32
    %dma_wait3A_12 = tpu.memref_slice %arg4[%mul3A_2, %dma_wait3A] : memref<5120x2048xf32, #tpu.memory_space<hbm>> -> memref<16x2048xf32, #tpu.memory_space<hbm>>
    %dma_wait3A_13 = arith.constant 0 : i32
    %dma_wait3A_14 = tpu.memref_slice %arg4[%mul3A_2, %dma_wait3A_13] : memref<5120x2048xf32, #tpu.memory_space<hbm>> -> memref<16x2048xf32, #tpu.memory_space<hbm>>
    tpu.wait_dma2 semaphore(%arg10 : memref<!tpu.dma_semaphore, #tpu.memory_space<semaphore_mem>>) src(%arg6 : memref<16x2048xf32, #tpu.memory_space<vmem>>) dst(%dma_wait3A_14 : memref<16x2048xf32, #tpu.memory_space<hbm>>)
    %dma_wait3A_15 = arith.constant 0 : i32
    %dma_wait3A_16 = tpu.memref_slice %arg4[%mul3A_2, %dma_wait3A_15] : memref<5120x2048xf32, #tpu.memory_space<hbm>> -> memref<16x2048xf32, #tpu.memory_space<hbm>>
    %dma_wait3A_17 = arith.constant 0 : i32
    %dma_wait3A_18 = tpu.memref_slice %arg4[%mul3A_2, %dma_wait3A_17] : memref<5120x2048xf32, #tpu.memory_space<hbm>> -> memref<16x2048xf32, #tpu.memory_space<hbm>>
    tpu.wait_dma2 semaphore(%arg11 : memref<!tpu.dma_semaphore, #tpu.memory_space<semaphore_mem>>) src(%arg7 : memref<16x2048xf32, #tpu.memory_space<vmem>>) dst(%dma_wait3A_18 : memref<16x2048xf32, #tpu.memory_space<hbm>>)
    return
  }
}

#map = affine_map<(d0, d1) -> (0, 0)>
#map1 = affine_map<(d0, d1) -> (0)>
module attributes {stable_mosaic.version = 14 : i64} {
  func.func @_sc_gather(%arg0: i32, %arg1: i32, %arg2: memref<100000x2048xf32, #tpu.memory_space<hbm>>, %arg3: memref<5120xi32, #tpu.memory_space<hbm>>, %arg4: memref<5120x2048xf32, #tpu.memory_space<hbm>>, %arg5: memref<160xi32, #tpu.memory_space<vmem>>, %arg6: memref<16x2048xf32, #tpu.memory_space<vmem>>, %arg7: memref<16x2048xf32, #tpu.memory_space<vmem>>, %arg8: memref<!tpu.dma_semaphore, #tpu.memory_space<semaphore_mem>>, %arg9: memref<!tpu.dma_semaphore, #tpu.memory_space<semaphore_mem>>, %arg10: memref<!tpu.dma_semaphore, #tpu.memory_space<semaphore_mem>>, %arg11: memref<!tpu.dma_semaphore, #tpu.memory_space<semaphore_mem>>) attributes {dimension_semantics = [#tpu.dimension_semantics<core_parallel>, #tpu.dimension_semantics<subcore_parallel>], iteration_bounds = array<i64: 2, 16>, scalar_prefetch = 0 : i64, scratch_operands = 7 : i64, tpu.core_type = #tpu.core_type<sc_vector_subcore>, window_params = [{transform_indices = #map}, {transform_indices = #map1}, {transform_indices = #map}]} {
    %mul3A = arith.constant 2 : i32
    %mul3A_0 = arith.muli %arg1, %mul3A : i32
    %add3A = arith.addi %mul3A_0, %arg0 : i32
    %mul3A_1 = arith.constant 160 : i32
    %mul3A_2 = arith.muli %add3A, %mul3A_1 : i32
    "tpu.region"() ({
      %run_scoped3A = tpu.sem_alloc : memref<!tpu.dma_semaphore, #tpu.memory_space<semaphore_mem>>
      %dma_start3A_19 = tpu.memref_slice %arg3[%mul3A_2] : memref<5120xi32, #tpu.memory_space<hbm>> -> memref<160xi32, #tpu.memory_space<hbm>>
      %dma_start3A_20 = tpu.memref_slice %arg3[%mul3A_2] : memref<5120xi32, #tpu.memory_space<hbm>> -> memref<160xi32, #tpu.memory_space<hbm>>
      tpu.enqueue_dma source(%dma_start3A_20 : memref<160xi32, #tpu.memory_space<hbm>>) target(%arg5 : memref<160xi32, #tpu.memory_space<vmem>>) target_semaphore(%run_scoped3A : memref<!tpu.dma_semaphore, #tpu.memory_space<semaphore_mem>>)
      %dma_wait3A_21 = tpu.memref_slice %arg3[%mul3A_2] : memref<5120xi32, #tpu.memory_space<hbm>> -> memref<160xi32, #tpu.memory_space<hbm>>
      %dma_wait3A_22 = tpu.memref_slice %arg3[%mul3A_2] : memref<5120xi32, #tpu.memory_space<hbm>> -> memref<160xi32, #tpu.memory_space<hbm>>
      tpu.wait_dma2 semaphore(%run_scoped3A : memref<!tpu.dma_semaphore, #tpu.memory_space<semaphore_mem>>) src(%dma_wait3A_22 : memref<160xi32, #tpu.memory_space<hbm>>) dst(%arg5 : memref<160xi32, #tpu.memory_space<vmem>>)
      tpu.yield
    }) : () -> ()
    %dma_start3A = arith.constant 0 : i32
    %dma_start3A_3 = tpu.memref_slice %arg5[%dma_start3A] : memref<160xi32, #tpu.memory_space<vmem>> -> memref<16xi32, #tpu.memory_space<vmem>>
    %dma_start3A_4 = arith.constant 0 : i32
    %dma_start3A_5 = arith.constant 0 : i32
    %dma_start3A_6 = tpu.memref_slice %arg2[%dma_start3A_4, %dma_start3A_5] : memref<100000x2048xf32, #tpu.memory_space<hbm>> -> memref<100000x2048xf32, #tpu.memory_space<hbm>>
    tpu.enqueue_indirect_dma source(%dma_start3A_6 : memref<100000x2048xf32, #tpu.memory_space<hbm>>) target(%arg6 : memref<16x2048xf32, #tpu.memory_space<vmem>>) offsets(%dma_start3A_3 : memref<16xi32, #tpu.memory_space<vmem>>) semaphore(%arg8 : memref<!tpu.dma_semaphore, #tpu.memory_space<semaphore_mem>>)
    %scan3A = arith.constant 0 : i32
    %scan3A_7 = arith.constant 0 : i32
    %scan3A_8 = arith.constant 5 : i32
    %scan3A_9 = arith.addi %scan3A_7, %scan3A_8 : i32
    %scan3A_10 = arith.constant 1 : i32
    scf.for %scan3A_19 = %scan3A_7 to %scan3A_9 step %scan3A_10  : i32 {
      %mul3A_20 = arith.constant 2 : i32
      %mul3A_21 = arith.muli %mul3A_20, %scan3A_19 : i32
      %gt3A = arith.constant 0 : i32
      %gt3A_22 = arith.cmpi sgt, %scan3A_19, %gt3A : i32
      %convert_element_type3A = arith.extui %gt3A_22 : i1 to i32
      %cond3A = arith.constant 0 : i32
      %cond3A_23 = arith.cmpi ne, %convert_element_type3A, %cond3A : i32
      scf.if %cond3A_23 {
        %dma_wait3A_62 = arith.constant 0 : i32
        %dma_wait3A_63 = tpu.memref_slice %arg4[%mul3A_2, %dma_wait3A_62] : memref<5120x2048xf32, #tpu.memory_space<hbm>> -> memref<16x2048xf32, #tpu.memory_space<hbm>>
        %dma_wait3A_64 = arith.constant 0 : i32
        %dma_wait3A_65 = tpu.memref_slice %arg4[%mul3A_2, %dma_wait3A_64] : memref<5120x2048xf32, #tpu.memory_space<hbm>> -> memref<16x2048xf32, #tpu.memory_space<hbm>>
        tpu.wait_dma2 semaphore(%arg11 : memref<!tpu.dma_semaphore, #tpu.memory_space<semaphore_mem>>) src(%arg7 : memref<16x2048xf32, #tpu.memory_space<vmem>>) dst(%dma_wait3A_65 : memref<16x2048xf32, #tpu.memory_space<hbm>>)
      } else {
      }
      %add3A_24 = arith.constant 1 : i32
      %add3A_25 = arith.addi %mul3A_21, %add3A_24 : i32
      %mul3A_26 = arith.constant 16 : i32
      %mul3A_27 = arith.muli %add3A_25, %mul3A_26 : i32
      %dma_start3A_28 = tpu.memref_slice %arg5[%mul3A_27] : memref<160xi32, #tpu.memory_space<vmem>> -> memref<16xi32, #tpu.memory_space<vmem>>
      %dma_start3A_29 = arith.constant 0 : i32
      %dma_start3A_30 = arith.constant 0 : i32
      %dma_start3A_31 = tpu.memref_slice %arg2[%dma_start3A_29, %dma_start3A_30] : memref<100000x2048xf32, #tpu.memory_space<hbm>> -> memref<100000x2048xf32, #tpu.memory_space<hbm>>
      tpu.enqueue_indirect_dma source(%dma_start3A_31 : memref<100000x2048xf32, #tpu.memory_space<hbm>>) target(%arg7 : memref<16x2048xf32, #tpu.memory_space<vmem>>) offsets(%dma_start3A_28 : memref<16xi32, #tpu.memory_space<vmem>>) semaphore(%arg9 : memref<!tpu.dma_semaphore, #tpu.memory_space<semaphore_mem>>)
      %dma_wait3A_32 = arith.constant 0 : i32
      %dma_wait3A_33 = tpu.memref_slice %arg5[%dma_wait3A_32] : memref<160xi32, #tpu.memory_space<vmem>> -> memref<16xi32, #tpu.memory_space<vmem>>
      %dma_wait3A_34 = arith.constant 0 : i32
      %dma_wait3A_35 = arith.constant 0 : i32
      %dma_wait3A_36 = tpu.memref_slice %arg2[%dma_wait3A_34, %dma_wait3A_35] : memref<100000x2048xf32, #tpu.memory_space<hbm>> -> memref<100000x2048xf32, #tpu.memory_space<hbm>>
      tpu.wait_indirect_dma semaphore(%arg8 : memref<!tpu.dma_semaphore, #tpu.memory_space<semaphore_mem>>) src(%dma_wait3A_36 : memref<100000x2048xf32, #tpu.memory_space<hbm>>) dst(%arg6 : memref<16x2048xf32, #tpu.memory_space<vmem>>)
      %mul3A_37 = arith.constant 16 : i32
      %mul3A_38 = arith.muli %mul3A_21, %mul3A_37 : i32
      %add3A_39 = arith.addi %mul3A_2, %mul3A_38 : i32
      %dma_start3A_40 = arith.constant 0 : i32
      %dma_start3A_41 = tpu.memref_slice %arg4[%add3A_39, %dma_start3A_40] : memref<5120x2048xf32, #tpu.memory_space<hbm>> -> memref<16x2048xf32, #tpu.memory_space<hbm>>
      %dma_start3A_42 = arith.constant 0 : i32
      %dma_start3A_43 = tpu.memref_slice %arg4[%add3A_39, %dma_start3A_42] : memref<5120x2048xf32, #tpu.memory_space<hbm>> -> memref<16x2048xf32, #tpu.memory_space<hbm>>
      tpu.enqueue_dma source(%arg6 : memref<16x2048xf32, #tpu.memory_space<vmem>>) target(%dma_start3A_43 : memref<16x2048xf32, #tpu.memory_space<hbm>>) target_semaphore(%arg10 : memref<!tpu.dma_semaphore, #tpu.memory_space<semaphore_mem>>)
      %lt3A = arith.constant 4 : i32
      %lt3A_44 = arith.cmpi slt, %scan3A_19, %lt3A : i32
      %convert_element_type3A_45 = arith.extui %lt3A_44 : i1 to i32
      %cond3A_46 = arith.constant 0 : i32
      %cond3A_47 = arith.cmpi ne, %convert_element_type3A_45, %cond3A_46 : i32
      scf.if %cond3A_47 {
        %dma_wait3A_62 = arith.constant 0 : i32
        %dma_wait3A_63 = tpu.memref_slice %arg4[%mul3A_2, %dma_wait3A_62] : memref<5120x2048xf32, #tpu.memory_space<hbm>> -> memref<16x2048xf32, #tpu.memory_space<hbm>>
        %dma_wait3A_64 = arith.constant 0 : i32
        %dma_wait3A_65 = tpu.memref_slice %arg4[%mul3A_2, %dma_wait3A_64] : memref<5120x2048xf32, #tpu.memory_space<hbm>> -> memref<16x2048xf32, #tpu.memory_space<hbm>>
        tpu.wait_dma2 semaphore(%arg10 : memref<!tpu.dma_semaphore, #tpu.memory_space<semaphore_mem>>) src(%arg6 : memref<16x2048xf32, #tpu.memory_space<vmem>>) dst(%dma_wait3A_65 : memref<16x2048xf32, #tpu.memory_space<hbm>>)
        %add3A_66 = arith.constant 2 : i32
        %add3A_67 = arith.addi %mul3A_21, %add3A_66 : i32
        %mul3A_68 = arith.constant 16 : i32
        %mul3A_69 = arith.muli %add3A_67, %mul3A_68 : i32
        %dma_start3A_70 = tpu.memref_slice %arg5[%mul3A_69] : memref<160xi32, #tpu.memory_space<vmem>> -> memref<16xi32, #tpu.memory_space<vmem>>
        %dma_start3A_71 = arith.constant 0 : i32
        %dma_start3A_72 = arith.constant 0 : i32
        %dma_start3A_73 = tpu.memref_slice %arg2[%dma_start3A_71, %dma_start3A_72] : memref<100000x2048xf32, #tpu.memory_space<hbm>> -> memref<100000x2048xf32, #tpu.memory_space<hbm>>
        tpu.enqueue_indirect_dma source(%dma_start3A_73 : memref<100000x2048xf32, #tpu.memory_space<hbm>>) target(%arg6 : memref<16x2048xf32, #tpu.memory_space<vmem>>) offsets(%dma_start3A_70 : memref<16xi32, #tpu.memory_space<vmem>>) semaphore(%arg8 : memref<!tpu.dma_semaphore, #tpu.memory_space<semaphore_mem>>)
      } else {
      }
      %dma_wait3A_48 = arith.constant 0 : i32
      %dma_wait3A_49 = tpu.memref_slice %arg5[%dma_wait3A_48] : memref<160xi32, #tpu.memory_space<vmem>> -> memref<16xi32, #tpu.memory_space<vmem>>
      %dma_wait3A_50 = arith.constant 0 : i32
      %dma_wait3A_51 = arith.constant 0 : i32
      %dma_wait3A_52 = tpu.memref_slice %arg2[%dma_wait3A_50, %dma_wait3A_51] : memref<100000x2048xf32, #tpu.memory_space<hbm>> -> memref<100000x2048xf32, #tpu.memory_space<hbm>>
      tpu.wait_indirect_dma semaphore(%arg9 : memref<!tpu.dma_semaphore, #tpu.memory_space<semaphore_mem>>) src(%dma_wait3A_52 : memref<100000x2048xf32, #tpu.memory_space<hbm>>) dst(%arg7 : memref<16x2048xf32, #tpu.memory_space<vmem>>)
      %add3A_53 = arith.constant 1 : i32
      %add3A_54 = arith.addi %mul3A_21, %add3A_53 : i32
      %mul3A_55 = arith.constant 16 : i32
      %mul3A_56 = arith.muli %add3A_54, %mul3A_55 : i32
      %add3A_57 = arith.addi %mul3A_2, %mul3A_56 : i32
      %dma_start3A_58 = arith.constant 0 : i32
      %dma_start3A_59 = tpu.memref_slice %arg4[%add3A_57, %dma_start3A_58] : memref<5120x2048xf32, #tpu.memory_space<hbm>> -> memref<16x2048xf32, #tpu.memory_space<hbm>>
      %dma_start3A_60 = arith.constant 0 : i32
      %dma_start3A_61 = tpu.memref_slice %arg4[%add3A_57, %dma_start3A_60] : memref<5120x2048xf32, #tpu.memory_space<hbm>> -> memref<16x2048xf32, #tpu.memory_space<hbm>>
      tpu.enqueue_dma source(%arg7 : memref<16x2048xf32, #tpu.memory_space<vmem>>) target(%dma_start3A_61 : memref<16x2048xf32, #tpu.memory_space<hbm>>) target_semaphore(%arg11 : memref<!tpu.dma_semaphore, #tpu.memory_space<semaphore_mem>>)
    }
    %scan3A_11 = arith.constant 5 : i32
    %dma_wait3A = arith.constant 0 : i32
    %dma_wait3A_12 = tpu.memref_slice %arg4[%mul3A_2, %dma_wait3A] : memref<5120x2048xf32, #tpu.memory_space<hbm>> -> memref<16x2048xf32, #tpu.memory_space<hbm>>
    %dma_wait3A_13 = arith.constant 0 : i32
    %dma_wait3A_14 = tpu.memref_slice %arg4[%mul3A_2, %dma_wait3A_13] : memref<5120x2048xf32, #tpu.memory_space<hbm>> -> memref<16x2048xf32, #tpu.memory_space<hbm>>
    tpu.wait_dma2 semaphore(%arg10 : memref<!tpu.dma_semaphore, #tpu.memory_space<semaphore_mem>>) src(%arg6 : memref<16x2048xf32, #tpu.memory_space<vmem>>) dst(%dma_wait3A_14 : memref<16x2048xf32, #tpu.memory_space<hbm>>)
    %dma_wait3A_15 = arith.constant 0 : i32
    %dma_wait3A_16 = tpu.memref_slice %arg4[%mul3A_2, %dma_wait3A_15] : memref<5120x2048xf32, #tpu.memory_space<hbm>> -> memref<16x2048xf32, #tpu.memory_space<hbm>>
    %dma_wait3A_17 = arith.constant 0 : i32
    %dma_wait3A_18 = tpu.memref_slice %arg4[%mul3A_2, %dma_wait3A_17] : memref<5120x2048xf32, #tpu.memory_space<hbm>> -> memref<16x2048xf32, #tpu.memory_space<hbm>>
    tpu.wait_dma2 semaphore(%arg11 : memref<!tpu.dma_semaphore, #tpu.memory_space<semaphore_mem>>) src(%arg7 : memref<16x2048xf32, #tpu.memory_space<vmem>>) dst(%dma_wait3A_18 : memref<16x2048xf32, #tpu.memory_space<hbm>>)
    return
  }
}

module attributes {stable_mosaic.version = 14 : i64} {
  func.func @_mlp_body(%arg0: i32, %arg1: memref<1x256x2048xf32, #tpu.memory_space<vmem>>, %arg2: memref<1x256x2048xf32, #tpu.memory_space<vmem>>, %arg3: memref<1x256x2048xf32, #tpu.memory_space<vmem>>, %arg4: memref<1x256x2048xf32, #tpu.memory_space<vmem>>, %arg5: memref<1x256x2048xf32, #tpu.memory_space<vmem>>, %arg6: memref<2048x256xf32, #tpu.memory_space<vmem>>, %arg7: memref<1x256xf32, #tpu.memory_space<vmem>>, %arg8: memref<256x256xf32, #tpu.memory_space<vmem>>, %arg9: memref<1x256xf32, #tpu.memory_space<vmem>>, %arg10: memref<4096x1280xf32, #tpu.memory_space<any>>, %arg11: memref<256x1280xf32, #tpu.memory_space<vmem>>) attributes {dimension_semantics = [#tpu.dimension_semantics<arbitrary>], iteration_bounds = array<i64: 4>, scalar_prefetch = 0 : i64, scratch_operands = 0 : i64, tpu.core_type = #tpu.core_type<tc>, window_params = [{transform_indices = @transform_0, window_bounds = array<i64: 1, 256, 2048>}, {transform_indices = @transform_1, window_bounds = array<i64: 1, 256, 2048>}, {transform_indices = @transform_2, window_bounds = array<i64: 1, 256, 2048>}, {transform_indices = @transform_3, window_bounds = array<i64: 1, 256, 2048>}, {transform_indices = @transform_4, window_bounds = array<i64: 1, 256, 2048>}, {pipeline_mode = #tpu.pipeline_mode<synchronous>, transform_indices = @transform_5, window_bounds = array<i64: 2048, 256>}, {pipeline_mode = #tpu.pipeline_mode<synchronous>, transform_indices = @transform_6, window_bounds = array<i64: 1, 256>}, {pipeline_mode = #tpu.pipeline_mode<synchronous>, transform_indices = @transform_7, window_bounds = array<i64: 256, 256>}, {pipeline_mode = #tpu.pipeline_mode<synchronous>, transform_indices = @transform_8, window_bounds = array<i64: 1, 256>}, {}, {transform_indices = @transform_10, window_bounds = array<i64: 256, 1280>}]} {
    %get3A = arith.constant 0 : index
    %get3A_0 = arith.constant 0 : index
    %get3A_1 = vector.load %arg6[%get3A, %get3A_0] : memref<2048x256xf32, #tpu.memory_space<vmem>>, vector<2048x256xf32>
    %get3A_2 = arith.constant 0 : index
    %get3A_3 = arith.constant 0 : index
    %get3A_4 = vector.load %arg8[%get3A_2, %get3A_3] : memref<256x256xf32, #tpu.memory_space<vmem>>, vector<256x256xf32>
    %get3A_5 = arith.constant 0 : index
    %get3A_6 = arith.constant 0 : index
    %get3A_7 = vector.load %arg7[%get3A_5, %get3A_6] : memref<1x256xf32, #tpu.memory_space<vmem>>, vector<1x256xf32>
    %get3A_8 = arith.constant 0 : index
    %get3A_9 = arith.constant 0 : index
    %get3A_10 = vector.load %arg9[%get3A_8, %get3A_9] : memref<1x256xf32, #tpu.memory_space<vmem>>, vector<1x256xf32>
    %get3A_11 = arith.constant 0 : index
    %get3A_12 = arith.constant 0 : index
    %get3A_13 = arith.constant 0 : index
    %get3A_14 = vector.load %arg1[%get3A_11, %get3A_12, %get3A_13] : memref<1x256x2048xf32, #tpu.memory_space<vmem>>, vector<1x256x2048xf32>
    %get3A_15 = vector.shape_cast %get3A_14 : vector<1x256x2048xf32> to vector<256x2048xf32>
    %dot_general3A = arith.constant dense<0.000000e+00> : vector<256x256xf32>
    %dot_general3A_16 = tpu.matmul %get3A_15, %get3A_1, %dot_general3A {dimension_numbers = #tpu.dot_dimension_numbers<[1], [0], [0], [1], [0, 0, 1, 1], [], []>, transpose_lhs_hint = false} : vector<256x2048xf32>, vector<2048x256xf32>, vector<256x256xf32> -> vector<256x256xf32>
    %add3A = vector.broadcast %get3A_7 : vector<1x256xf32> to vector<256x256xf32>
    %add3A_17 = arith.addf %dot_general3A_16, %add3A : vector<256x256xf32>
    %logistic3A = arith.negf %add3A_17 : vector<256x256xf32>
    %logistic3A_18 = math.exp %logistic3A : vector<256x256xf32>
    %logistic3A_19 = arith.constant 1.000000e+00 : f32
    %logistic3A_20 = vector.broadcast %logistic3A_19 : f32 to vector<256x256xf32>
    %logistic3A_21 = arith.addf %logistic3A_20, %logistic3A_18 : vector<256x256xf32>
    %logistic3A_22 = arith.divf %logistic3A_20, %logistic3A_21 : vector<256x256xf32>
    %mul3A = arith.mulf %add3A_17, %logistic3A_22 : vector<256x256xf32>
    %dot_general3A_23 = arith.constant dense<0.000000e+00> : vector<256x256xf32>
    %dot_general3A_24 = tpu.matmul %mul3A, %get3A_4, %dot_general3A_23 {dimension_numbers = #tpu.dot_dimension_numbers<[1], [0], [0], [1], [0, 0, 1, 1], [], []>, transpose_lhs_hint = false} : vector<256x256xf32>, vector<256x256xf32>, vector<256x256xf32> -> vector<256x256xf32>
    %add3A_25 = vector.broadcast %get3A_10 : vector<1x256xf32> to vector<256x256xf32>
    %add3A_26 = arith.addf %dot_general3A_24, %add3A_25 : vector<256x256xf32>
    %swap3A = arith.constant 0 : index
    %swap3A_27 = arith.constant 0 : index
    %swap3A_28 = vector.load %arg11[%swap3A, %swap3A_27] : memref<256x1280xf32, #tpu.memory_space<vmem>>, vector<256x256xf32>
    tpu.vector_store %arg11[%swap3A, %swap3A_27], %add3A_26 {strides = array<i32>} : memref<256x1280xf32, #tpu.memory_space<vmem>>, vector<256x256xf32>,
    %get3A_29 = arith.constant 0 : index
    %get3A_30 = arith.constant 0 : index
    %get3A_31 = arith.constant 0 : index
    %get3A_32 = vector.load %arg2[%get3A_29, %get3A_30, %get3A_31] : memref<1x256x2048xf32, #tpu.memory_space<vmem>>, vector<1x256x2048xf32>
    %get3A_33 = vector.shape_cast %get3A_32 : vector<1x256x2048xf32> to vector<256x2048xf32>
    %dot_general3A_34 = arith.constant dense<0.000000e+00> : vector<256x256xf32>
    %dot_general3A_35 = tpu.matmul %get3A_33, %get3A_1, %dot_general3A_34 {dimension_numbers = #tpu.dot_dimension_numbers<[1], [0], [0], [1], [0, 0, 1, 1], [], []>, transpose_lhs_hint = false} : vector<256x2048xf32>, vector<2048x256xf32>, vector<256x256xf32> -> vector<256x256xf32>
    %add3A_36 = vector.broadcast %get3A_7 : vector<1x256xf32> to vector<256x256xf32>
    %add3A_37 = arith.addf %dot_general3A_35, %add3A_36 : vector<256x256xf32>
    %logistic3A_38 = arith.negf %add3A_37 : vector<256x256xf32>
    %logistic3A_39 = math.exp %logistic3A_38 : vector<256x256xf32>
    %logistic3A_40 = arith.constant 1.000000e+00 : f32
    %logistic3A_41 = vector.broadcast %logistic3A_40 : f32 to vector<256x256xf32>
    %logistic3A_42 = arith.addf %logistic3A_41, %logistic3A_39 : vector<256x256xf32>
    %logistic3A_43 = arith.divf %logistic3A_41, %logistic3A_42 : vector<256x256xf32>
    %mul3A_44 = arith.mulf %add3A_37, %logistic3A_43 : vector<256x256xf32>
    %dot_general3A_45 = arith.constant dense<0.000000e+00> : vector<256x256xf32>
    %dot_general3A_46 = tpu.matmul %mul3A_44, %get3A_4, %dot_general3A_45 {dimension_numbers = #tpu.dot_dimension_numbers<[1], [0], [0], [1], [0, 0, 1, 1], [], []>, transpose_lhs_hint = false} : vector<256x256xf32>, vector<256x256xf32>, vector<256x256xf32> -> vector<256x256xf32>
    %add3A_47 = vector.broadcast %get3A_10 : vector<1x256xf32> to vector<256x256xf32>
    %add3A_48 = arith.addf %dot_general3A_46, %add3A_47 : vector<256x256xf32>
    %swap3A_49 = arith.constant 0 : index
    %swap3A_50 = arith.constant 256 : index
    %swap3A_51 = vector.load %arg11[%swap3A_49, %swap3A_50] : memref<256x1280xf32, #tpu.memory_space<vmem>>, vector<256x256xf32>
    tpu.vector_store %arg11[%swap3A_49, %swap3A_50], %add3A_48 {strides = array<i32>} : memref<256x1280xf32, #tpu.memory_space<vmem>>, vector<256x256xf32>,
    %get3A_52 = arith.constant 0 : index
    %get3A_53 = arith.constant 0 : index
    %get3A_54 = arith.constant 0 : index
    %get3A_55 = vector.load %arg3[%get3A_52, %get3A_53, %get3A_54] : memref<1x256x2048xf32, #tpu.memory_space<vmem>>, vector<1x256x2048xf32>
    %get3A_56 = vector.shape_cast %get3A_55 : vector<1x256x2048xf32> to vector<256x2048xf32>
    %dot_general3A_57 = arith.constant dense<0.000000e+00> : vector<256x256xf32>
    %dot_general3A_58 = tpu.matmul %get3A_56, %get3A_1, %dot_general3A_57 {dimension_numbers = #tpu.dot_dimension_numbers<[1], [0], [0], [1], [0, 0, 1, 1], [], []>, transpose_lhs_hint = false} : vector<256x2048xf32>, vector<2048x256xf32>, vector<256x256xf32> -> vector<256x256xf32>
    %add3A_59 = vector.broadcast %get3A_7 : vector<1x256xf32> to vector<256x256xf32>
    %add3A_60 = arith.addf %dot_general3A_58, %add3A_59 : vector<256x256xf32>
    %logistic3A_61 = arith.negf %add3A_60 : vector<256x256xf32>
    %logistic3A_62 = math.exp %logistic3A_61 : vector<256x256xf32>
    %logistic3A_63 = arith.constant 1.000000e+00 : f32
    %logistic3A_64 = vector.broadcast %logistic3A_63 : f32 to vector<256x256xf32>
    %logistic3A_65 = arith.addf %logistic3A_64, %logistic3A_62 : vector<256x256xf32>
    %logistic3A_66 = arith.divf %logistic3A_64, %logistic3A_65 : vector<256x256xf32>
    %mul3A_67 = arith.mulf %add3A_60, %logistic3A_66 : vector<256x256xf32>
    %dot_general3A_68 = arith.constant dense<0.000000e+00> : vector<256x256xf32>
    %dot_general3A_69 = tpu.matmul %mul3A_67, %get3A_4, %dot_general3A_68 {dimension_numbers = #tpu.dot_dimension_numbers<[1], [0], [0], [1], [0, 0, 1, 1], [], []>, transpose_lhs_hint = false} : vector<256x256xf32>, vector<256x256xf32>, vector<256x256xf32> -> vector<256x256xf32>
    %add3A_70 = vector.broadcast %get3A_10 : vector<1x256xf32> to vector<256x256xf32>
    %add3A_71 = arith.addf %dot_general3A_69, %add3A_70 : vector<256x256xf32>
    %swap3A_72 = arith.constant 0 : index
    %swap3A_73 = arith.constant 512 : index
    %swap3A_74 = vector.load %arg11[%swap3A_72, %swap3A_73] : memref<256x1280xf32, #tpu.memory_space<vmem>>, vector<256x256xf32>
    tpu.vector_store %arg11[%swap3A_72, %swap3A_73], %add3A_71 {strides = array<i32>} : memref<256x1280xf32, #tpu.memory_space<vmem>>, vector<256x256xf32>,
    %get3A_75 = arith.constant 0 : index
    %get3A_76 = arith.constant 0 : index
    %get3A_77 = arith.constant 0 : index
    %get3A_78 = vector.load %arg4[%get3A_75, %get3A_76, %get3A_77] : memref<1x256x2048xf32, #tpu.memory_space<vmem>>, vector<1x256x2048xf32>
    %get3A_79 = vector.shape_cast %get3A_78 : vector<1x256x2048xf32> to vector<256x2048xf32>
    %dot_general3A_80 = arith.constant dense<0.000000e+00> : vector<256x256xf32>
    %dot_general3A_81 = tpu.matmul %get3A_79, %get3A_1, %dot_general3A_80 {dimension_numbers = #tpu.dot_dimension_numbers<[1], [0], [0], [1], [0, 0, 1, 1], [], []>, transpose_lhs_hint = false} : vector<256x2048xf32>, vector<2048x256xf32>, vector<256x256xf32> -> vector<256x256xf32>
    %add3A_82 = vector.broadcast %get3A_7 : vector<1x256xf32> to vector<256x256xf32>
    %add3A_83 = arith.addf %dot_general3A_81, %add3A_82 : vector<256x256xf32>
    %logistic3A_84 = arith.negf %add3A_83 : vector<256x256xf32>
    %logistic3A_85 = math.exp %logistic3A_84 : vector<256x256xf32>
    %logistic3A_86 = arith.constant 1.000000e+00 : f32
    %logistic3A_87 = vector.broadcast %logistic3A_86 : f32 to vector<256x256xf32>
    %logistic3A_88 = arith.addf %logistic3A_87, %logistic3A_85 : vector<256x256xf32>
    %logistic3A_89 = arith.divf %logistic3A_87, %logistic3A_88 : vector<256x256xf32>
    %mul3A_90 = arith.mulf %add3A_83, %logistic3A_89 : vector<256x256xf32>
    %dot_general3A_91 = arith.constant dense<0.000000e+00> : vector<256x256xf32>
    %dot_general3A_92 = tpu.matmul %mul3A_90, %get3A_4, %dot_general3A_91 {dimension_numbers = #tpu.dot_dimension_numbers<[1], [0], [0], [1], [0, 0, 1, 1], [], []>, transpose_lhs_hint = false} : vector<256x256xf32>, vector<256x256xf32>, vector<256x256xf32> -> vector<256x256xf32>
    %add3A_93 = vector.broadcast %get3A_10 : vector<1x256xf32> to vector<256x256xf32>
    %add3A_94 = arith.addf %dot_general3A_92, %add3A_93 : vector<256x256xf32>
    %swap3A_95 = arith.constant 0 : index
    %swap3A_96 = arith.constant 768 : index
    %swap3A_97 = vector.load %arg11[%swap3A_95, %swap3A_96] : memref<256x1280xf32, #tpu.memory_space<vmem>>, vector<256x256xf32>
    tpu.vector_store %arg11[%swap3A_95, %swap3A_96], %add3A_94 {strides = array<i32>} : memref<256x1280xf32, #tpu.memory_space<vmem>>, vector<256x256xf32>,
    %get3A_98 = arith.constant 0 : index
    %get3A_99 = arith.constant 0 : index
    %get3A_100 = arith.constant 0 : index
    %get3A_101 = vector.load %arg5[%get3A_98, %get3A_99, %get3A_100] : memref<1x256x2048xf32, #tpu.memory_space<vmem>>, vector<1x256x2048xf32>
    %get3A_102 = vector.shape_cast %get3A_101 : vector<1x256x2048xf32> to vector<256x2048xf32>
    %dot_general3A_103 = arith.constant dense<0.000000e+00> : vector<256x256xf32>
    %dot_general3A_104 = tpu.matmul %get3A_102, %get3A_1, %dot_general3A_103 {dimension_numbers = #tpu.dot_dimension_numbers<[1], [0], [0], [1], [0, 0, 1, 1], [], []>, transpose_lhs_hint = false} : vector<256x2048xf32>, vector<2048x256xf32>, vector<256x256xf32> -> vector<256x256xf32>
    %add3A_105 = vector.broadcast %get3A_7 : vector<1x256xf32> to vector<256x256xf32>
    %add3A_106 = arith.addf %dot_general3A_104, %add3A_105 : vector<256x256xf32>
    %logistic3A_107 = arith.negf %add3A_106 : vector<256x256xf32>
    %logistic3A_108 = math.exp %logistic3A_107 : vector<256x256xf32>
    %logistic3A_109 = arith.constant 1.000000e+00 : f32
    %logistic3A_110 = vector.broadcast %logistic3A_109 : f32 to vector<256x256xf32>
    %logistic3A_111 = arith.addf %logistic3A_110, %logistic3A_108 : vector<256x256xf32>
    %logistic3A_112 = arith.divf %logistic3A_110, %logistic3A_111 : vector<256x256xf32>
    %mul3A_113 = arith.mulf %add3A_106, %logistic3A_112 : vector<256x256xf32>
    %dot_general3A_114 = arith.constant dense<0.000000e+00> : vector<256x256xf32>
    %dot_general3A_115 = tpu.matmul %mul3A_113, %get3A_4, %dot_general3A_114 {dimension_numbers = #tpu.dot_dimension_numbers<[1], [0], [0], [1], [0, 0, 1, 1], [], []>, transpose_lhs_hint = false} : vector<256x256xf32>, vector<256x256xf32>, vector<256x256xf32> -> vector<256x256xf32>
    %add3A_116 = vector.broadcast %get3A_10 : vector<1x256xf32> to vector<256x256xf32>
    %add3A_117 = arith.addf %dot_general3A_115, %add3A_116 : vector<256x256xf32>
    %swap3A_118 = arith.constant 0 : index
    %swap3A_119 = arith.constant 1024 : index
    %swap3A_120 = vector.load %arg11[%swap3A_118, %swap3A_119] : memref<256x1280xf32, #tpu.memory_space<vmem>>, vector<256x256xf32>
    tpu.vector_store %arg11[%swap3A_118, %swap3A_119], %add3A_117 {strides = array<i32>} : memref<256x1280xf32, #tpu.memory_space<vmem>>, vector<256x256xf32>,
    return
  }
  func.func @transform_0(%arg0: i32) -> (i32, i32, i32) {
    %c0_i32 = arith.constant 0 : i32
    %c0_i32_0 = arith.constant 0 : i32
    %c0_i32_1 = arith.constant 0 : i32
    return %c0_i32, %arg0, %c0_i32_0 : i32, i32, i32
  }
  func.func @transform_1(%arg0: i32) -> (i32, i32, i32) {
    %c1_i32 = arith.constant 1 : i32
    %c0_i32 = arith.constant 0 : i32
    %c0_i32_0 = arith.constant 0 : i32
    return %c1_i32, %arg0, %c0_i32 : i32, i32, i32
  }
  func.func @transform_2(%arg0: i32) -> (i32, i32, i32) {
    %c2_i32 = arith.constant 2 : i32
    %c0_i32 = arith.constant 0 : i32
    %c0_i32_0 = arith.constant 0 : i32
    return %c2_i32, %arg0, %c0_i32 : i32, i32, i32
  }
  func.func @transform_3(%arg0: i32) -> (i32, i32, i32) {
    %c3_i32 = arith.constant 3 : i32
    %c0_i32 = arith.constant 0 : i32
    %c0_i32_0 = arith.constant 0 : i32
    return %c3_i32, %arg0, %c0_i32 : i32, i32, i32
  }
  func.func @transform_4(%arg0: i32) -> (i32, i32, i32) {
    %c4_i32 = arith.constant 4 : i32
    %c0_i32 = arith.constant 0 : i32
    %c0_i32_0 = arith.constant 0 : i32
    return %c4_i32, %arg0, %c0_i32 : i32, i32, i32
  }
  func.func @transform_5(%arg0: i32) -> (i32, i32) {
    %c0_i32 = arith.constant 0 : i32
    %c0_i32_0 = arith.constant 0 : i32
    %c0_i32_1 = arith.constant 0 : i32
    return %c0_i32, %c0_i32_0 : i32, i32
  }
  func.func @transform_6(%arg0: i32) -> (i32, i32) {
    %c0_i32 = arith.constant 0 : i32
    %c0_i32_0 = arith.constant 0 : i32
    %c0_i32_1 = arith.constant 0 : i32
    return %c0_i32, %c0_i32_0 : i32, i32
  }
  func.func @transform_7(%arg0: i32) -> (i32, i32) {
    %c0_i32 = arith.constant 0 : i32
    %c0_i32_0 = arith.constant 0 : i32
    %c0_i32_1 = arith.constant 0 : i32
    return %c0_i32, %c0_i32_0 : i32, i32
  }
  func.func @transform_8(%arg0: i32) -> (i32, i32) {
    %c0_i32 = arith.constant 0 : i32
    %c0_i32_0 = arith.constant 0 : i32
    %c0_i32_1 = arith.constant 0 : i32
    return %c0_i32, %c0_i32_0 : i32, i32
  }
  func.func @transform_10(%arg0: i32) -> (i32, i32) {
    %add3A = arith.constant 8 : i32
    %add3A_0 = arith.addi %add3A, %arg0 : i32
    %c0_i32 = arith.constant 0 : i32
    %c0_i32_1 = arith.constant 0 : i32
    return %add3A_0, %c0_i32 : i32, i32
  }
}

module attributes {stable_mosaic.version = 14 : i64} {
  func.func @_mlp_body(%arg0: i32, %arg1: memref<1x256x2048xf32, #tpu.memory_space<vmem>>, %arg2: memref<1x256x2048xf32, #tpu.memory_space<vmem>>, %arg3: memref<1x256x2048xf32, #tpu.memory_space<vmem>>, %arg4: memref<1x256x2048xf32, #tpu.memory_space<vmem>>, %arg5: memref<1x256x2048xf32, #tpu.memory_space<vmem>>, %arg6: memref<2048x256xf32, #tpu.memory_space<vmem>>, %arg7: memref<1x256xf32, #tpu.memory_space<vmem>>, %arg8: memref<256x256xf32, #tpu.memory_space<vmem>>, %arg9: memref<1x256xf32, #tpu.memory_space<vmem>>, %arg10: memref<256x1280xf32, #tpu.memory_space<vmem>>) attributes {dimension_semantics = [#tpu.dimension_semantics<arbitrary>], iteration_bounds = array<i64: 4>, scalar_prefetch = 0 : i64, scratch_operands = 0 : i64, tpu.core_type = #tpu.core_type<tc>, window_params = [{transform_indices = @transform_0, window_bounds = array<i64: 1, 256, 2048>}, {transform_indices = @transform_1, window_bounds = array<i64: 1, 256, 2048>}, {transform_indices = @transform_2, window_bounds = array<i64: 1, 256, 2048>}, {transform_indices = @transform_3, window_bounds = array<i64: 1, 256, 2048>}, {transform_indices = @transform_4, window_bounds = array<i64: 1, 256, 2048>}, {pipeline_mode = #tpu.pipeline_mode<synchronous>, transform_indices = @transform_5, window_bounds = array<i64: 2048, 256>}, {pipeline_mode = #tpu.pipeline_mode<synchronous>, transform_indices = @transform_6, window_bounds = array<i64: 1, 256>}, {pipeline_mode = #tpu.pipeline_mode<synchronous>, transform_indices = @transform_7, window_bounds = array<i64: 256, 256>}, {pipeline_mode = #tpu.pipeline_mode<synchronous>, transform_indices = @transform_8, window_bounds = array<i64: 1, 256>}, {transform_indices = @transform_9, window_bounds = array<i64: 256, 1280>}]} {
    %get3A = arith.constant 0 : index
    %get3A_0 = arith.constant 0 : index
    %get3A_1 = vector.load %arg6[%get3A, %get3A_0] : memref<2048x256xf32, #tpu.memory_space<vmem>>, vector<2048x256xf32>
    %get3A_2 = arith.constant 0 : index
    %get3A_3 = arith.constant 0 : index
    %get3A_4 = vector.load %arg8[%get3A_2, %get3A_3] : memref<256x256xf32, #tpu.memory_space<vmem>>, vector<256x256xf32>
    %get3A_5 = arith.constant 0 : index
    %get3A_6 = arith.constant 0 : index
    %get3A_7 = vector.load %arg7[%get3A_5, %get3A_6] : memref<1x256xf32, #tpu.memory_space<vmem>>, vector<1x256xf32>
    %get3A_8 = arith.constant 0 : index
    %get3A_9 = arith.constant 0 : index
    %get3A_10 = vector.load %arg9[%get3A_8, %get3A_9] : memref<1x256xf32, #tpu.memory_space<vmem>>, vector<1x256xf32>
    %get3A_11 = arith.constant 0 : index
    %get3A_12 = arith.constant 0 : index
    %get3A_13 = arith.constant 0 : index
    %get3A_14 = vector.load %arg1[%get3A_11, %get3A_12, %get3A_13] : memref<1x256x2048xf32, #tpu.memory_space<vmem>>, vector<1x256x2048xf32>
    %get3A_15 = vector.shape_cast %get3A_14 : vector<1x256x2048xf32> to vector<256x2048xf32>
    %dot_general3A = arith.constant dense<0.000000e+00> : vector<256x256xf32>
    %dot_general3A_16 = tpu.matmul %get3A_15, %get3A_1, %dot_general3A {dimension_numbers = #tpu.dot_dimension_numbers<[1], [0], [0], [1], [0, 0, 1, 1], [], []>, transpose_lhs_hint = false} : vector<256x2048xf32>, vector<2048x256xf32>, vector<256x256xf32> -> vector<256x256xf32>
    %add3A = vector.broadcast %get3A_7 : vector<1x256xf32> to vector<256x256xf32>
    %add3A_17 = arith.addf %dot_general3A_16, %add3A : vector<256x256xf32>
    %logistic3A = arith.negf %add3A_17 : vector<256x256xf32>
    %logistic3A_18 = math.exp %logistic3A : vector<256x256xf32>
    %logistic3A_19 = arith.constant 1.000000e+00 : f32
    %logistic3A_20 = vector.broadcast %logistic3A_19 : f32 to vector<256x256xf32>
    %logistic3A_21 = arith.addf %logistic3A_20, %logistic3A_18 : vector<256x256xf32>
    %logistic3A_22 = arith.divf %logistic3A_20, %logistic3A_21 : vector<256x256xf32>
    %mul3A = arith.mulf %add3A_17, %logistic3A_22 : vector<256x256xf32>
    %dot_general3A_23 = arith.constant dense<0.000000e+00> : vector<256x256xf32>
    %dot_general3A_24 = tpu.matmul %mul3A, %get3A_4, %dot_general3A_23 {dimension_numbers = #tpu.dot_dimension_numbers<[1], [0], [0], [1], [0, 0, 1, 1], [], []>, transpose_lhs_hint = false} : vector<256x256xf32>, vector<256x256xf32>, vector<256x256xf32> -> vector<256x256xf32>
    %add3A_25 = vector.broadcast %get3A_10 : vector<1x256xf32> to vector<256x256xf32>
    %add3A_26 = arith.addf %dot_general3A_24, %add3A_25 : vector<256x256xf32>
    %swap3A = arith.constant 0 : index
    %swap3A_27 = arith.constant 0 : index
    %swap3A_28 = vector.load %arg10[%swap3A, %swap3A_27] : memref<256x1280xf32, #tpu.memory_space<vmem>>, vector<256x256xf32>
    tpu.vector_store %arg10[%swap3A, %swap3A_27], %add3A_26 {strides = array<i32>} : memref<256x1280xf32, #tpu.memory_space<vmem>>, vector<256x256xf32>,
    %get3A_29 = arith.constant 0 : index
    %get3A_30 = arith.constant 0 : index
    %get3A_31 = arith.constant 0 : index
    %get3A_32 = vector.load %arg2[%get3A_29, %get3A_30, %get3A_31] : memref<1x256x2048xf32, #tpu.memory_space<vmem>>, vector<1x256x2048xf32>
    %get3A_33 = vector.shape_cast %get3A_32 : vector<1x256x2048xf32> to vector<256x2048xf32>
    %dot_general3A_34 = arith.constant dense<0.000000e+00> : vector<256x256xf32>
    %dot_general3A_35 = tpu.matmul %get3A_33, %get3A_1, %dot_general3A_34 {dimension_numbers = #tpu.dot_dimension_numbers<[1], [0], [0], [1], [0, 0, 1, 1], [], []>, transpose_lhs_hint = false} : vector<256x2048xf32>, vector<2048x256xf32>, vector<256x256xf32> -> vector<256x256xf32>
    %add3A_36 = vector.broadcast %get3A_7 : vector<1x256xf32> to vector<256x256xf32>
    %add3A_37 = arith.addf %dot_general3A_35, %add3A_36 : vector<256x256xf32>
    %logistic3A_38 = arith.negf %add3A_37 : vector<256x256xf32>
    %logistic3A_39 = math.exp %logistic3A_38 : vector<256x256xf32>
    %logistic3A_40 = arith.constant 1.000000e+00 : f32
    %logistic3A_41 = vector.broadcast %logistic3A_40 : f32 to vector<256x256xf32>
    %logistic3A_42 = arith.addf %logistic3A_41, %logistic3A_39 : vector<256x256xf32>
    %logistic3A_43 = arith.divf %logistic3A_41, %logistic3A_42 : vector<256x256xf32>
    %mul3A_44 = arith.mulf %add3A_37, %logistic3A_43 : vector<256x256xf32>
    %dot_general3A_45 = arith.constant dense<0.000000e+00> : vector<256x256xf32>
    %dot_general3A_46 = tpu.matmul %mul3A_44, %get3A_4, %dot_general3A_45 {dimension_numbers = #tpu.dot_dimension_numbers<[1], [0], [0], [1], [0, 0, 1, 1], [], []>, transpose_lhs_hint = false} : vector<256x256xf32>, vector<256x256xf32>, vector<256x256xf32> -> vector<256x256xf32>
    %add3A_47 = vector.broadcast %get3A_10 : vector<1x256xf32> to vector<256x256xf32>
    %add3A_48 = arith.addf %dot_general3A_46, %add3A_47 : vector<256x256xf32>
    %swap3A_49 = arith.constant 0 : index
    %swap3A_50 = arith.constant 256 : index
    %swap3A_51 = vector.load %arg10[%swap3A_49, %swap3A_50] : memref<256x1280xf32, #tpu.memory_space<vmem>>, vector<256x256xf32>
    tpu.vector_store %arg10[%swap3A_49, %swap3A_50], %add3A_48 {strides = array<i32>} : memref<256x1280xf32, #tpu.memory_space<vmem>>, vector<256x256xf32>,
    %get3A_52 = arith.constant 0 : index
    %get3A_53 = arith.constant 0 : index
    %get3A_54 = arith.constant 0 : index
    %get3A_55 = vector.load %arg3[%get3A_52, %get3A_53, %get3A_54] : memref<1x256x2048xf32, #tpu.memory_space<vmem>>, vector<1x256x2048xf32>
    %get3A_56 = vector.shape_cast %get3A_55 : vector<1x256x2048xf32> to vector<256x2048xf32>
    %dot_general3A_57 = arith.constant dense<0.000000e+00> : vector<256x256xf32>
    %dot_general3A_58 = tpu.matmul %get3A_56, %get3A_1, %dot_general3A_57 {dimension_numbers = #tpu.dot_dimension_numbers<[1], [0], [0], [1], [0, 0, 1, 1], [], []>, transpose_lhs_hint = false} : vector<256x2048xf32>, vector<2048x256xf32>, vector<256x256xf32> -> vector<256x256xf32>
    %add3A_59 = vector.broadcast %get3A_7 : vector<1x256xf32> to vector<256x256xf32>
    %add3A_60 = arith.addf %dot_general3A_58, %add3A_59 : vector<256x256xf32>
    %logistic3A_61 = arith.negf %add3A_60 : vector<256x256xf32>
    %logistic3A_62 = math.exp %logistic3A_61 : vector<256x256xf32>
    %logistic3A_63 = arith.constant 1.000000e+00 : f32
    %logistic3A_64 = vector.broadcast %logistic3A_63 : f32 to vector<256x256xf32>
    %logistic3A_65 = arith.addf %logistic3A_64, %logistic3A_62 : vector<256x256xf32>
    %logistic3A_66 = arith.divf %logistic3A_64, %logistic3A_65 : vector<256x256xf32>
    %mul3A_67 = arith.mulf %add3A_60, %logistic3A_66 : vector<256x256xf32>
    %dot_general3A_68 = arith.constant dense<0.000000e+00> : vector<256x256xf32>
    %dot_general3A_69 = tpu.matmul %mul3A_67, %get3A_4, %dot_general3A_68 {dimension_numbers = #tpu.dot_dimension_numbers<[1], [0], [0], [1], [0, 0, 1, 1], [], []>, transpose_lhs_hint = false} : vector<256x256xf32>, vector<256x256xf32>, vector<256x256xf32> -> vector<256x256xf32>
    %add3A_70 = vector.broadcast %get3A_10 : vector<1x256xf32> to vector<256x256xf32>
    %add3A_71 = arith.addf %dot_general3A_69, %add3A_70 : vector<256x256xf32>
    %swap3A_72 = arith.constant 0 : index
    %swap3A_73 = arith.constant 512 : index
    %swap3A_74 = vector.load %arg10[%swap3A_72, %swap3A_73] : memref<256x1280xf32, #tpu.memory_space<vmem>>, vector<256x256xf32>
    tpu.vector_store %arg10[%swap3A_72, %swap3A_73], %add3A_71 {strides = array<i32>} : memref<256x1280xf32, #tpu.memory_space<vmem>>, vector<256x256xf32>,
    %get3A_75 = arith.constant 0 : index
    %get3A_76 = arith.constant 0 : index
    %get3A_77 = arith.constant 0 : index
    %get3A_78 = vector.load %arg4[%get3A_75, %get3A_76, %get3A_77] : memref<1x256x2048xf32, #tpu.memory_space<vmem>>, vector<1x256x2048xf32>
    %get3A_79 = vector.shape_cast %get3A_78 : vector<1x256x2048xf32> to vector<256x2048xf32>
    %dot_general3A_80 = arith.constant dense<0.000000e+00> : vector<256x256xf32>
    %dot_general3A_81 = tpu.matmul %get3A_79, %get3A_1, %dot_general3A_80 {dimension_numbers = #tpu.dot_dimension_numbers<[1], [0], [0], [1], [0, 0, 1, 1], [], []>, transpose_lhs_hint = false} : vector<256x2048xf32>, vector<2048x256xf32>, vector<256x256xf32> -> vector<256x256xf32>
    %add3A_82 = vector.broadcast %get3A_7 : vector<1x256xf32> to vector<256x256xf32>
    %add3A_83 = arith.addf %dot_general3A_81, %add3A_82 : vector<256x256xf32>
    %logistic3A_84 = arith.negf %add3A_83 : vector<256x256xf32>
    %logistic3A_85 = math.exp %logistic3A_84 : vector<256x256xf32>
    %logistic3A_86 = arith.constant 1.000000e+00 : f32
    %logistic3A_87 = vector.broadcast %logistic3A_86 : f32 to vector<256x256xf32>
    %logistic3A_88 = arith.addf %logistic3A_87, %logistic3A_85 : vector<256x256xf32>
    %logistic3A_89 = arith.divf %logistic3A_87, %logistic3A_88 : vector<256x256xf32>
    %mul3A_90 = arith.mulf %add3A_83, %logistic3A_89 : vector<256x256xf32>
    %dot_general3A_91 = arith.constant dense<0.000000e+00> : vector<256x256xf32>
    %dot_general3A_92 = tpu.matmul %mul3A_90, %get3A_4, %dot_general3A_91 {dimension_numbers = #tpu.dot_dimension_numbers<[1], [0], [0], [1], [0, 0, 1, 1], [], []>, transpose_lhs_hint = false} : vector<256x256xf32>, vector<256x256xf32>, vector<256x256xf32> -> vector<256x256xf32>
    %add3A_93 = vector.broadcast %get3A_10 : vector<1x256xf32> to vector<256x256xf32>
    %add3A_94 = arith.addf %dot_general3A_92, %add3A_93 : vector<256x256xf32>
    %swap3A_95 = arith.constant 0 : index
    %swap3A_96 = arith.constant 768 : index
    %swap3A_97 = vector.load %arg10[%swap3A_95, %swap3A_96] : memref<256x1280xf32, #tpu.memory_space<vmem>>, vector<256x256xf32>
    tpu.vector_store %arg10[%swap3A_95, %swap3A_96], %add3A_94 {strides = array<i32>} : memref<256x1280xf32, #tpu.memory_space<vmem>>, vector<256x256xf32>,
    %get3A_98 = arith.constant 0 : index
    %get3A_99 = arith.constant 0 : index
    %get3A_100 = arith.constant 0 : index
    %get3A_101 = vector.load %arg5[%get3A_98, %get3A_99, %get3A_100] : memref<1x256x2048xf32, #tpu.memory_space<vmem>>, vector<1x256x2048xf32>
    %get3A_102 = vector.shape_cast %get3A_101 : vector<1x256x2048xf32> to vector<256x2048xf32>
    %dot_general3A_103 = arith.constant dense<0.000000e+00> : vector<256x256xf32>
    %dot_general3A_104 = tpu.matmul %get3A_102, %get3A_1, %dot_general3A_103 {dimension_numbers = #tpu.dot_dimension_numbers<[1], [0], [0], [1], [0, 0, 1, 1], [], []>, transpose_lhs_hint = false} : vector<256x2048xf32>, vector<2048x256xf32>, vector<256x256xf32> -> vector<256x256xf32>
    %add3A_105 = vector.broadcast %get3A_7 : vector<1x256xf32> to vector<256x256xf32>
    %add3A_106 = arith.addf %dot_general3A_104, %add3A_105 : vector<256x256xf32>
    %logistic3A_107 = arith.negf %add3A_106 : vector<256x256xf32>
    %logistic3A_108 = math.exp %logistic3A_107 : vector<256x256xf32>
    %logistic3A_109 = arith.constant 1.000000e+00 : f32
    %logistic3A_110 = vector.broadcast %logistic3A_109 : f32 to vector<256x256xf32>
    %logistic3A_111 = arith.addf %logistic3A_110, %logistic3A_108 : vector<256x256xf32>
    %logistic3A_112 = arith.divf %logistic3A_110, %logistic3A_111 : vector<256x256xf32>
    %mul3A_113 = arith.mulf %add3A_106, %logistic3A_112 : vector<256x256xf32>
    %dot_general3A_114 = arith.constant dense<0.000000e+00> : vector<256x256xf32>
    %dot_general3A_115 = tpu.matmul %mul3A_113, %get3A_4, %dot_general3A_114 {dimension_numbers = #tpu.dot_dimension_numbers<[1], [0], [0], [1], [0, 0, 1, 1], [], []>, transpose_lhs_hint = false} : vector<256x256xf32>, vector<256x256xf32>, vector<256x256xf32> -> vector<256x256xf32>
    %add3A_116 = vector.broadcast %get3A_10 : vector<1x256xf32> to vector<256x256xf32>
    %add3A_117 = arith.addf %dot_general3A_115, %add3A_116 : vector<256x256xf32>
    %swap3A_118 = arith.constant 0 : index
    %swap3A_119 = arith.constant 1024 : index
    %swap3A_120 = vector.load %arg10[%swap3A_118, %swap3A_119] : memref<256x1280xf32, #tpu.memory_space<vmem>>, vector<256x256xf32>
    tpu.vector_store %arg10[%swap3A_118, %swap3A_119], %add3A_117 {strides = array<i32>} : memref<256x1280xf32, #tpu.memory_space<vmem>>, vector<256x256xf32>,
    return
  }
  func.func @transform_0(%arg0: i32) -> (i32, i32, i32) {
    %c0_i32 = arith.constant 0 : i32
    %c0_i32_0 = arith.constant 0 : i32
    %c0_i32_1 = arith.constant 0 : i32
    return %c0_i32, %arg0, %c0_i32_0 : i32, i32, i32
  }
  func.func @transform_1(%arg0: i32) -> (i32, i32, i32) {
    %c1_i32 = arith.constant 1 : i32
    %c0_i32 = arith.constant 0 : i32
    %c0_i32_0 = arith.constant 0 : i32
    return %c1_i32, %arg0, %c0_i32 : i32, i32, i32
  }
  func.func @transform_2(%arg0: i32) -> (i32, i32, i32) {
    %c2_i32 = arith.constant 2 : i32
    %c0_i32 = arith.constant 0 : i32
    %c0_i32_0 = arith.constant 0 : i32
    return %c2_i32, %arg0, %c0_i32 : i32, i32, i32
  }
  func.func @transform_3(%arg0: i32) -> (i32, i32, i32) {
    %c3_i32 = arith.constant 3 : i32
    %c0_i32 = arith.constant 0 : i32
    %c0_i32_0 = arith.constant 0 : i32
    return %c3_i32, %arg0, %c0_i32 : i32, i32, i32
  }
  func.func @transform_4(%arg0: i32) -> (i32, i32, i32) {
    %c4_i32 = arith.constant 4 : i32
    %c0_i32 = arith.constant 0 : i32
    %c0_i32_0 = arith.constant 0 : i32
    return %c4_i32, %arg0, %c0_i32 : i32, i32, i32
  }
  func.func @transform_5(%arg0: i32) -> (i32, i32) {
    %c0_i32 = arith.constant 0 : i32
    %c0_i32_0 = arith.constant 0 : i32
    %c0_i32_1 = arith.constant 0 : i32
    return %c0_i32, %c0_i32_0 : i32, i32
  }
  func.func @transform_6(%arg0: i32) -> (i32, i32) {
    %c0_i32 = arith.constant 0 : i32
    %c0_i32_0 = arith.constant 0 : i32
    %c0_i32_1 = arith.constant 0 : i32
    return %c0_i32, %c0_i32_0 : i32, i32
  }
  func.func @transform_7(%arg0: i32) -> (i32, i32) {
    %c0_i32 = arith.constant 0 : i32
    %c0_i32_0 = arith.constant 0 : i32
    %c0_i32_1 = arith.constant 0 : i32
    return %c0_i32, %c0_i32_0 : i32, i32
  }
  func.func @transform_8(%arg0: i32) -> (i32, i32) {
    %c0_i32 = arith.constant 0 : i32
    %c0_i32_0 = arith.constant 0 : i32
    %c0_i32_1 = arith.constant 0 : i32
    return %c0_i32, %c0_i32_0 : i32, i32
  }
  func.func @transform_9(%arg0: i32) -> (i32, i32) {
    %add3A = arith.constant 0 : i32
    %add3A_0 = arith.addi %add3A, %arg0 : i32
    %c0_i32 = arith.constant 0 : i32
    %c0_i32_1 = arith.constant 0 : i32
    return %add3A_0, %c0_i32 : i32, i32
  }
}

module attributes {stable_mosaic.version = 14 : i64} {
  func.func @_mlp_body(%arg0: i32, %arg1: memref<1x256x2048xf32, #tpu.memory_space<vmem>>, %arg2: memref<1x256x2048xf32, #tpu.memory_space<vmem>>, %arg3: memref<1x256x2048xf32, #tpu.memory_space<vmem>>, %arg4: memref<1x256x2048xf32, #tpu.memory_space<vmem>>, %arg5: memref<1x256x2048xf32, #tpu.memory_space<vmem>>, %arg6: memref<2048x256xf32, #tpu.memory_space<vmem>>, %arg7: memref<1x256xf32, #tpu.memory_space<vmem>>, %arg8: memref<256x256xf32, #tpu.memory_space<vmem>>, %arg9: memref<1x256xf32, #tpu.memory_space<vmem>>, %arg10: memref<4096x1280xf32, #tpu.memory_space<any>>, %arg11: memref<256x1280xf32, #tpu.memory_space<vmem>>) attributes {dimension_semantics = [#tpu.dimension_semantics<arbitrary>], iteration_bounds = array<i64: 4>, scalar_prefetch = 0 : i64, scratch_operands = 0 : i64, tpu.core_type = #tpu.core_type<tc>, window_params = [{transform_indices = @transform_0, window_bounds = array<i64: 1, 256, 2048>}, {transform_indices = @transform_1, window_bounds = array<i64: 1, 256, 2048>}, {transform_indices = @transform_2, window_bounds = array<i64: 1, 256, 2048>}, {transform_indices = @transform_3, window_bounds = array<i64: 1, 256, 2048>}, {transform_indices = @transform_4, window_bounds = array<i64: 1, 256, 2048>}, {pipeline_mode = #tpu.pipeline_mode<synchronous>, transform_indices = @transform_5, window_bounds = array<i64: 2048, 256>}, {pipeline_mode = #tpu.pipeline_mode<synchronous>, transform_indices = @transform_6, window_bounds = array<i64: 1, 256>}, {pipeline_mode = #tpu.pipeline_mode<synchronous>, transform_indices = @transform_7, window_bounds = array<i64: 256, 256>}, {pipeline_mode = #tpu.pipeline_mode<synchronous>, transform_indices = @transform_8, window_bounds = array<i64: 1, 256>}, {}, {transform_indices = @transform_10, window_bounds = array<i64: 256, 1280>}]} {
    %get3A = arith.constant 0 : index
    %get3A_0 = arith.constant 0 : index
    %get3A_1 = vector.load %arg6[%get3A, %get3A_0] : memref<2048x256xf32, #tpu.memory_space<vmem>>, vector<2048x256xf32>
    %get3A_2 = arith.constant 0 : index
    %get3A_3 = arith.constant 0 : index
    %get3A_4 = vector.load %arg8[%get3A_2, %get3A_3] : memref<256x256xf32, #tpu.memory_space<vmem>>, vector<256x256xf32>
    %get3A_5 = arith.constant 0 : index
    %get3A_6 = arith.constant 0 : index
    %get3A_7 = vector.load %arg7[%get3A_5, %get3A_6] : memref<1x256xf32, #tpu.memory_space<vmem>>, vector<1x256xf32>
    %get3A_8 = arith.constant 0 : index
    %get3A_9 = arith.constant 0 : index
    %get3A_10 = vector.load %arg9[%get3A_8, %get3A_9] : memref<1x256xf32, #tpu.memory_space<vmem>>, vector<1x256xf32>
    %get3A_11 = arith.constant 0 : index
    %get3A_12 = arith.constant 0 : index
    %get3A_13 = arith.constant 0 : index
    %get3A_14 = vector.load %arg1[%get3A_11, %get3A_12, %get3A_13] : memref<1x256x2048xf32, #tpu.memory_space<vmem>>, vector<1x256x2048xf32>
    %get3A_15 = vector.shape_cast %get3A_14 : vector<1x256x2048xf32> to vector<256x2048xf32>
    %dot_general3A = arith.constant dense<0.000000e+00> : vector<256x256xf32>
    %dot_general3A_16 = tpu.matmul %get3A_15, %get3A_1, %dot_general3A {dimension_numbers = #tpu.dot_dimension_numbers<[1], [0], [0], [1], [0, 0, 1, 1], [], []>, transpose_lhs_hint = false} : vector<256x2048xf32>, vector<2048x256xf32>, vector<256x256xf32> -> vector<256x256xf32>
    %add3A = vector.broadcast %get3A_7 : vector<1x256xf32> to vector<256x256xf32>
    %add3A_17 = arith.addf %dot_general3A_16, %add3A : vector<256x256xf32>
    %logistic3A = arith.negf %add3A_17 : vector<256x256xf32>
    %logistic3A_18 = math.exp %logistic3A : vector<256x256xf32>
    %logistic3A_19 = arith.constant 1.000000e+00 : f32
    %logistic3A_20 = vector.broadcast %logistic3A_19 : f32 to vector<256x256xf32>
    %logistic3A_21 = arith.addf %logistic3A_20, %logistic3A_18 : vector<256x256xf32>
    %logistic3A_22 = arith.divf %logistic3A_20, %logistic3A_21 : vector<256x256xf32>
    %mul3A = arith.mulf %add3A_17, %logistic3A_22 : vector<256x256xf32>
    %dot_general3A_23 = arith.constant dense<0.000000e+00> : vector<256x256xf32>
    %dot_general3A_24 = tpu.matmul %mul3A, %get3A_4, %dot_general3A_23 {dimension_numbers = #tpu.dot_dimension_numbers<[1], [0], [0], [1], [0, 0, 1, 1], [], []>, transpose_lhs_hint = false} : vector<256x256xf32>, vector<256x256xf32>, vector<256x256xf32> -> vector<256x256xf32>
    %add3A_25 = vector.broadcast %get3A_10 : vector<1x256xf32> to vector<256x256xf32>
    %add3A_26 = arith.addf %dot_general3A_24, %add3A_25 : vector<256x256xf32>
    %swap3A = arith.constant 0 : index
    %swap3A_27 = arith.constant 0 : index
    %swap3A_28 = vector.load %arg11[%swap3A, %swap3A_27] : memref<256x1280xf32, #tpu.memory_space<vmem>>, vector<256x256xf32>
    tpu.vector_store %arg11[%swap3A, %swap3A_27], %add3A_26 {strides = array<i32>} : memref<256x1280xf32, #tpu.memory_space<vmem>>, vector<256x256xf32>,
    %get3A_29 = arith.constant 0 : index
    %get3A_30 = arith.constant 0 : index
    %get3A_31 = arith.constant 0 : index
    %get3A_32 = vector.load %arg2[%get3A_29, %get3A_30, %get3A_31] : memref<1x256x2048xf32, #tpu.memory_space<vmem>>, vector<1x256x2048xf32>
    %get3A_33 = vector.shape_cast %get3A_32 : vector<1x256x2048xf32> to vector<256x2048xf32>
    %dot_general3A_34 = arith.constant dense<0.000000e+00> : vector<256x256xf32>
    %dot_general3A_35 = tpu.matmul %get3A_33, %get3A_1, %dot_general3A_34 {dimension_numbers = #tpu.dot_dimension_numbers<[1], [0], [0], [1], [0, 0, 1, 1], [], []>, transpose_lhs_hint = false} : vector<256x2048xf32>, vector<2048x256xf32>, vector<256x256xf32> -> vector<256x256xf32>
    %add3A_36 = vector.broadcast %get3A_7 : vector<1x256xf32> to vector<256x256xf32>
    %add3A_37 = arith.addf %dot_general3A_35, %add3A_36 : vector<256x256xf32>
    %logistic3A_38 = arith.negf %add3A_37 : vector<256x256xf32>
    %logistic3A_39 = math.exp %logistic3A_38 : vector<256x256xf32>
    %logistic3A_40 = arith.constant 1.000000e+00 : f32
    %logistic3A_41 = vector.broadcast %logistic3A_40 : f32 to vector<256x256xf32>
    %logistic3A_42 = arith.addf %logistic3A_41, %logistic3A_39 : vector<256x256xf32>
    %logistic3A_43 = arith.divf %logistic3A_41, %logistic3A_42 : vector<256x256xf32>
    %mul3A_44 = arith.mulf %add3A_37, %logistic3A_43 : vector<256x256xf32>
    %dot_general3A_45 = arith.constant dense<0.000000e+00> : vector<256x256xf32>
    %dot_general3A_46 = tpu.matmul %mul3A_44, %get3A_4, %dot_general3A_45 {dimension_numbers = #tpu.dot_dimension_numbers<[1], [0], [0], [1], [0, 0, 1, 1], [], []>, transpose_lhs_hint = false} : vector<256x256xf32>, vector<256x256xf32>, vector<256x256xf32> -> vector<256x256xf32>
    %add3A_47 = vector.broadcast %get3A_10 : vector<1x256xf32> to vector<256x256xf32>
    %add3A_48 = arith.addf %dot_general3A_46, %add3A_47 : vector<256x256xf32>
    %swap3A_49 = arith.constant 0 : index
    %swap3A_50 = arith.constant 256 : index
    %swap3A_51 = vector.load %arg11[%swap3A_49, %swap3A_50] : memref<256x1280xf32, #tpu.memory_space<vmem>>, vector<256x256xf32>
    tpu.vector_store %arg11[%swap3A_49, %swap3A_50], %add3A_48 {strides = array<i32>} : memref<256x1280xf32, #tpu.memory_space<vmem>>, vector<256x256xf32>,
    %get3A_52 = arith.constant 0 : index
    %get3A_53 = arith.constant 0 : index
    %get3A_54 = arith.constant 0 : index
    %get3A_55 = vector.load %arg3[%get3A_52, %get3A_53, %get3A_54] : memref<1x256x2048xf32, #tpu.memory_space<vmem>>, vector<1x256x2048xf32>
    %get3A_56 = vector.shape_cast %get3A_55 : vector<1x256x2048xf32> to vector<256x2048xf32>
    %dot_general3A_57 = arith.constant dense<0.000000e+00> : vector<256x256xf32>
    %dot_general3A_58 = tpu.matmul %get3A_56, %get3A_1, %dot_general3A_57 {dimension_numbers = #tpu.dot_dimension_numbers<[1], [0], [0], [1], [0, 0, 1, 1], [], []>, transpose_lhs_hint = false} : vector<256x2048xf32>, vector<2048x256xf32>, vector<256x256xf32> -> vector<256x256xf32>
    %add3A_59 = vector.broadcast %get3A_7 : vector<1x256xf32> to vector<256x256xf32>
    %add3A_60 = arith.addf %dot_general3A_58, %add3A_59 : vector<256x256xf32>
    %logistic3A_61 = arith.negf %add3A_60 : vector<256x256xf32>
    %logistic3A_62 = math.exp %logistic3A_61 : vector<256x256xf32>
    %logistic3A_63 = arith.constant 1.000000e+00 : f32
    %logistic3A_64 = vector.broadcast %logistic3A_63 : f32 to vector<256x256xf32>
    %logistic3A_65 = arith.addf %logistic3A_64, %logistic3A_62 : vector<256x256xf32>
    %logistic3A_66 = arith.divf %logistic3A_64, %logistic3A_65 : vector<256x256xf32>
    %mul3A_67 = arith.mulf %add3A_60, %logistic3A_66 : vector<256x256xf32>
    %dot_general3A_68 = arith.constant dense<0.000000e+00> : vector<256x256xf32>
    %dot_general3A_69 = tpu.matmul %mul3A_67, %get3A_4, %dot_general3A_68 {dimension_numbers = #tpu.dot_dimension_numbers<[1], [0], [0], [1], [0, 0, 1, 1], [], []>, transpose_lhs_hint = false} : vector<256x256xf32>, vector<256x256xf32>, vector<256x256xf32> -> vector<256x256xf32>
    %add3A_70 = vector.broadcast %get3A_10 : vector<1x256xf32> to vector<256x256xf32>
    %add3A_71 = arith.addf %dot_general3A_69, %add3A_70 : vector<256x256xf32>
    %swap3A_72 = arith.constant 0 : index
    %swap3A_73 = arith.constant 512 : index
    %swap3A_74 = vector.load %arg11[%swap3A_72, %swap3A_73] : memref<256x1280xf32, #tpu.memory_space<vmem>>, vector<256x256xf32>
    tpu.vector_store %arg11[%swap3A_72, %swap3A_73], %add3A_71 {strides = array<i32>} : memref<256x1280xf32, #tpu.memory_space<vmem>>, vector<256x256xf32>,
    %get3A_75 = arith.constant 0 : index
    %get3A_76 = arith.constant 0 : index
    %get3A_77 = arith.constant 0 : index
    %get3A_78 = vector.load %arg4[%get3A_75, %get3A_76, %get3A_77] : memref<1x256x2048xf32, #tpu.memory_space<vmem>>, vector<1x256x2048xf32>
    %get3A_79 = vector.shape_cast %get3A_78 : vector<1x256x2048xf32> to vector<256x2048xf32>
    %dot_general3A_80 = arith.constant dense<0.000000e+00> : vector<256x256xf32>
    %dot_general3A_81 = tpu.matmul %get3A_79, %get3A_1, %dot_general3A_80 {dimension_numbers = #tpu.dot_dimension_numbers<[1], [0], [0], [1], [0, 0, 1, 1], [], []>, transpose_lhs_hint = false} : vector<256x2048xf32>, vector<2048x256xf32>, vector<256x256xf32> -> vector<256x256xf32>
    %add3A_82 = vector.broadcast %get3A_7 : vector<1x256xf32> to vector<256x256xf32>
    %add3A_83 = arith.addf %dot_general3A_81, %add3A_82 : vector<256x256xf32>
    %logistic3A_84 = arith.negf %add3A_83 : vector<256x256xf32>
    %logistic3A_85 = math.exp %logistic3A_84 : vector<256x256xf32>
    %logistic3A_86 = arith.constant 1.000000e+00 : f32
    %logistic3A_87 = vector.broadcast %logistic3A_86 : f32 to vector<256x256xf32>
    %logistic3A_88 = arith.addf %logistic3A_87, %logistic3A_85 : vector<256x256xf32>
    %logistic3A_89 = arith.divf %logistic3A_87, %logistic3A_88 : vector<256x256xf32>
    %mul3A_90 = arith.mulf %add3A_83, %logistic3A_89 : vector<256x256xf32>
    %dot_general3A_91 = arith.constant dense<0.000000e+00> : vector<256x256xf32>
    %dot_general3A_92 = tpu.matmul %mul3A_90, %get3A_4, %dot_general3A_91 {dimension_numbers = #tpu.dot_dimension_numbers<[1], [0], [0], [1], [0, 0, 1, 1], [], []>, transpose_lhs_hint = false} : vector<256x256xf32>, vector<256x256xf32>, vector<256x256xf32> -> vector<256x256xf32>
    %add3A_93 = vector.broadcast %get3A_10 : vector<1x256xf32> to vector<256x256xf32>
    %add3A_94 = arith.addf %dot_general3A_92, %add3A_93 : vector<256x256xf32>
    %swap3A_95 = arith.constant 0 : index
    %swap3A_96 = arith.constant 768 : index
    %swap3A_97 = vector.load %arg11[%swap3A_95, %swap3A_96] : memref<256x1280xf32, #tpu.memory_space<vmem>>, vector<256x256xf32>
    tpu.vector_store %arg11[%swap3A_95, %swap3A_96], %add3A_94 {strides = array<i32>} : memref<256x1280xf32, #tpu.memory_space<vmem>>, vector<256x256xf32>,
    %get3A_98 = arith.constant 0 : index
    %get3A_99 = arith.constant 0 : index
    %get3A_100 = arith.constant 0 : index
    %get3A_101 = vector.load %arg5[%get3A_98, %get3A_99, %get3A_100] : memref<1x256x2048xf32, #tpu.memory_space<vmem>>, vector<1x256x2048xf32>
    %get3A_102 = vector.shape_cast %get3A_101 : vector<1x256x2048xf32> to vector<256x2048xf32>
    %dot_general3A_103 = arith.constant dense<0.000000e+00> : vector<256x256xf32>
    %dot_general3A_104 = tpu.matmul %get3A_102, %get3A_1, %dot_general3A_103 {dimension_numbers = #tpu.dot_dimension_numbers<[1], [0], [0], [1], [0, 0, 1, 1], [], []>, transpose_lhs_hint = false} : vector<256x2048xf32>, vector<2048x256xf32>, vector<256x256xf32> -> vector<256x256xf32>
    %add3A_105 = vector.broadcast %get3A_7 : vector<1x256xf32> to vector<256x256xf32>
    %add3A_106 = arith.addf %dot_general3A_104, %add3A_105 : vector<256x256xf32>
    %logistic3A_107 = arith.negf %add3A_106 : vector<256x256xf32>
    %logistic3A_108 = math.exp %logistic3A_107 : vector<256x256xf32>
    %logistic3A_109 = arith.constant 1.000000e+00 : f32
    %logistic3A_110 = vector.broadcast %logistic3A_109 : f32 to vector<256x256xf32>
    %logistic3A_111 = arith.addf %logistic3A_110, %logistic3A_108 : vector<256x256xf32>
    %logistic3A_112 = arith.divf %logistic3A_110, %logistic3A_111 : vector<256x256xf32>
    %mul3A_113 = arith.mulf %add3A_106, %logistic3A_112 : vector<256x256xf32>
    %dot_general3A_114 = arith.constant dense<0.000000e+00> : vector<256x256xf32>
    %dot_general3A_115 = tpu.matmul %mul3A_113, %get3A_4, %dot_general3A_114 {dimension_numbers = #tpu.dot_dimension_numbers<[1], [0], [0], [1], [0, 0, 1, 1], [], []>, transpose_lhs_hint = false} : vector<256x256xf32>, vector<256x256xf32>, vector<256x256xf32> -> vector<256x256xf32>
    %add3A_116 = vector.broadcast %get3A_10 : vector<1x256xf32> to vector<256x256xf32>
    %add3A_117 = arith.addf %dot_general3A_115, %add3A_116 : vector<256x256xf32>
    %swap3A_118 = arith.constant 0 : index
    %swap3A_119 = arith.constant 1024 : index
    %swap3A_120 = vector.load %arg11[%swap3A_118, %swap3A_119] : memref<256x1280xf32, #tpu.memory_space<vmem>>, vector<256x256xf32>
    tpu.vector_store %arg11[%swap3A_118, %swap3A_119], %add3A_117 {strides = array<i32>} : memref<256x1280xf32, #tpu.memory_space<vmem>>, vector<256x256xf32>,
    return
  }
  func.func @transform_0(%arg0: i32) -> (i32, i32, i32) {
    %c0_i32 = arith.constant 0 : i32
    %c0_i32_0 = arith.constant 0 : i32
    %c0_i32_1 = arith.constant 0 : i32
    return %c0_i32, %arg0, %c0_i32_0 : i32, i32, i32
  }
  func.func @transform_1(%arg0: i32) -> (i32, i32, i32) {
    %c1_i32 = arith.constant 1 : i32
    %c0_i32 = arith.constant 0 : i32
    %c0_i32_0 = arith.constant 0 : i32
    return %c1_i32, %arg0, %c0_i32 : i32, i32, i32
  }
  func.func @transform_2(%arg0: i32) -> (i32, i32, i32) {
    %c2_i32 = arith.constant 2 : i32
    %c0_i32 = arith.constant 0 : i32
    %c0_i32_0 = arith.constant 0 : i32
    return %c2_i32, %arg0, %c0_i32 : i32, i32, i32
  }
  func.func @transform_3(%arg0: i32) -> (i32, i32, i32) {
    %c3_i32 = arith.constant 3 : i32
    %c0_i32 = arith.constant 0 : i32
    %c0_i32_0 = arith.constant 0 : i32
    return %c3_i32, %arg0, %c0_i32 : i32, i32, i32
  }
  func.func @transform_4(%arg0: i32) -> (i32, i32, i32) {
    %c4_i32 = arith.constant 4 : i32
    %c0_i32 = arith.constant 0 : i32
    %c0_i32_0 = arith.constant 0 : i32
    return %c4_i32, %arg0, %c0_i32 : i32, i32, i32
  }
  func.func @transform_5(%arg0: i32) -> (i32, i32) {
    %c0_i32 = arith.constant 0 : i32
    %c0_i32_0 = arith.constant 0 : i32
    %c0_i32_1 = arith.constant 0 : i32
    return %c0_i32, %c0_i32_0 : i32, i32
  }
  func.func @transform_6(%arg0: i32) -> (i32, i32) {
    %c0_i32 = arith.constant 0 : i32
    %c0_i32_0 = arith.constant 0 : i32
    %c0_i32_1 = arith.constant 0 : i32
    return %c0_i32, %c0_i32_0 : i32, i32
  }
  func.func @transform_7(%arg0: i32) -> (i32, i32) {
    %c0_i32 = arith.constant 0 : i32
    %c0_i32_0 = arith.constant 0 : i32
    %c0_i32_1 = arith.constant 0 : i32
    return %c0_i32, %c0_i32_0 : i32, i32
  }
  func.func @transform_8(%arg0: i32) -> (i32, i32) {
    %c0_i32 = arith.constant 0 : i32
    %c0_i32_0 = arith.constant 0 : i32
    %c0_i32_1 = arith.constant 0 : i32
    return %c0_i32, %c0_i32_0 : i32, i32
  }
  func.func @transform_10(%arg0: i32) -> (i32, i32) {
    %add3A = arith.constant 4 : i32
    %add3A_0 = arith.addi %add3A, %arg0 : i32
    %c0_i32 = arith.constant 0 : i32
    %c0_i32_1 = arith.constant 0 : i32
    return %add3A_0, %c0_i32 : i32, i32
  }
}

module attributes {stable_mosaic.version = 14 : i64} {
  func.func @_mlp_body(%arg0: i32, %arg1: memref<1x256x2048xf32, #tpu.memory_space<vmem>>, %arg2: memref<1x256x2048xf32, #tpu.memory_space<vmem>>, %arg3: memref<1x256x2048xf32, #tpu.memory_space<vmem>>, %arg4: memref<1x256x2048xf32, #tpu.memory_space<vmem>>, %arg5: memref<1x256x2048xf32, #tpu.memory_space<vmem>>, %arg6: memref<2048x256xf32, #tpu.memory_space<vmem>>, %arg7: memref<1x256xf32, #tpu.memory_space<vmem>>, %arg8: memref<256x256xf32, #tpu.memory_space<vmem>>, %arg9: memref<1x256xf32, #tpu.memory_space<vmem>>, %arg10: memref<4096x1280xf32, #tpu.memory_space<any>>, %arg11: memref<256x1280xf32, #tpu.memory_space<vmem>>) attributes {dimension_semantics = [#tpu.dimension_semantics<arbitrary>], iteration_bounds = array<i64: 4>, scalar_prefetch = 0 : i64, scratch_operands = 0 : i64, tpu.core_type = #tpu.core_type<tc>, window_params = [{transform_indices = @transform_0, window_bounds = array<i64: 1, 256, 2048>}, {transform_indices = @transform_1, window_bounds = array<i64: 1, 256, 2048>}, {transform_indices = @transform_2, window_bounds = array<i64: 1, 256, 2048>}, {transform_indices = @transform_3, window_bounds = array<i64: 1, 256, 2048>}, {transform_indices = @transform_4, window_bounds = array<i64: 1, 256, 2048>}, {pipeline_mode = #tpu.pipeline_mode<synchronous>, transform_indices = @transform_5, window_bounds = array<i64: 2048, 256>}, {pipeline_mode = #tpu.pipeline_mode<synchronous>, transform_indices = @transform_6, window_bounds = array<i64: 1, 256>}, {pipeline_mode = #tpu.pipeline_mode<synchronous>, transform_indices = @transform_7, window_bounds = array<i64: 256, 256>}, {pipeline_mode = #tpu.pipeline_mode<synchronous>, transform_indices = @transform_8, window_bounds = array<i64: 1, 256>}, {}, {transform_indices = @transform_10, window_bounds = array<i64: 256, 1280>}]} {
    %get3A = arith.constant 0 : index
    %get3A_0 = arith.constant 0 : index
    %get3A_1 = vector.load %arg6[%get3A, %get3A_0] : memref<2048x256xf32, #tpu.memory_space<vmem>>, vector<2048x256xf32>
    %get3A_2 = arith.constant 0 : index
    %get3A_3 = arith.constant 0 : index
    %get3A_4 = vector.load %arg8[%get3A_2, %get3A_3] : memref<256x256xf32, #tpu.memory_space<vmem>>, vector<256x256xf32>
    %get3A_5 = arith.constant 0 : index
    %get3A_6 = arith.constant 0 : index
    %get3A_7 = vector.load %arg7[%get3A_5, %get3A_6] : memref<1x256xf32, #tpu.memory_space<vmem>>, vector<1x256xf32>
    %get3A_8 = arith.constant 0 : index
    %get3A_9 = arith.constant 0 : index
    %get3A_10 = vector.load %arg9[%get3A_8, %get3A_9] : memref<1x256xf32, #tpu.memory_space<vmem>>, vector<1x256xf32>
    %get3A_11 = arith.constant 0 : index
    %get3A_12 = arith.constant 0 : index
    %get3A_13 = arith.constant 0 : index
    %get3A_14 = vector.load %arg1[%get3A_11, %get3A_12, %get3A_13] : memref<1x256x2048xf32, #tpu.memory_space<vmem>>, vector<1x256x2048xf32>
    %get3A_15 = vector.shape_cast %get3A_14 : vector<1x256x2048xf32> to vector<256x2048xf32>
    %dot_general3A = arith.constant dense<0.000000e+00> : vector<256x256xf32>
    %dot_general3A_16 = tpu.matmul %get3A_15, %get3A_1, %dot_general3A {dimension_numbers = #tpu.dot_dimension_numbers<[1], [0], [0], [1], [0, 0, 1, 1], [], []>, transpose_lhs_hint = false} : vector<256x2048xf32>, vector<2048x256xf32>, vector<256x256xf32> -> vector<256x256xf32>
    %add3A = vector.broadcast %get3A_7 : vector<1x256xf32> to vector<256x256xf32>
    %add3A_17 = arith.addf %dot_general3A_16, %add3A : vector<256x256xf32>
    %logistic3A = arith.negf %add3A_17 : vector<256x256xf32>
    %logistic3A_18 = math.exp %logistic3A : vector<256x256xf32>
    %logistic3A_19 = arith.constant 1.000000e+00 : f32
    %logistic3A_20 = vector.broadcast %logistic3A_19 : f32 to vector<256x256xf32>
    %logistic3A_21 = arith.addf %logistic3A_20, %logistic3A_18 : vector<256x256xf32>
    %logistic3A_22 = arith.divf %logistic3A_20, %logistic3A_21 : vector<256x256xf32>
    %mul3A = arith.mulf %add3A_17, %logistic3A_22 : vector<256x256xf32>
    %dot_general3A_23 = arith.constant dense<0.000000e+00> : vector<256x256xf32>
    %dot_general3A_24 = tpu.matmul %mul3A, %get3A_4, %dot_general3A_23 {dimension_numbers = #tpu.dot_dimension_numbers<[1], [0], [0], [1], [0, 0, 1, 1], [], []>, transpose_lhs_hint = false} : vector<256x256xf32>, vector<256x256xf32>, vector<256x256xf32> -> vector<256x256xf32>
    %add3A_25 = vector.broadcast %get3A_10 : vector<1x256xf32> to vector<256x256xf32>
    %add3A_26 = arith.addf %dot_general3A_24, %add3A_25 : vector<256x256xf32>
    %swap3A = arith.constant 0 : index
    %swap3A_27 = arith.constant 0 : index
    %swap3A_28 = vector.load %arg11[%swap3A, %swap3A_27] : memref<256x1280xf32, #tpu.memory_space<vmem>>, vector<256x256xf32>
    tpu.vector_store %arg11[%swap3A, %swap3A_27], %add3A_26 {strides = array<i32>} : memref<256x1280xf32, #tpu.memory_space<vmem>>, vector<256x256xf32>,
    %get3A_29 = arith.constant 0 : index
    %get3A_30 = arith.constant 0 : index
    %get3A_31 = arith.constant 0 : index
    %get3A_32 = vector.load %arg2[%get3A_29, %get3A_30, %get3A_31] : memref<1x256x2048xf32, #tpu.memory_space<vmem>>, vector<1x256x2048xf32>
    %get3A_33 = vector.shape_cast %get3A_32 : vector<1x256x2048xf32> to vector<256x2048xf32>
    %dot_general3A_34 = arith.constant dense<0.000000e+00> : vector<256x256xf32>
    %dot_general3A_35 = tpu.matmul %get3A_33, %get3A_1, %dot_general3A_34 {dimension_numbers = #tpu.dot_dimension_numbers<[1], [0], [0], [1], [0, 0, 1, 1], [], []>, transpose_lhs_hint = false} : vector<256x2048xf32>, vector<2048x256xf32>, vector<256x256xf32> -> vector<256x256xf32>
    %add3A_36 = vector.broadcast %get3A_7 : vector<1x256xf32> to vector<256x256xf32>
    %add3A_37 = arith.addf %dot_general3A_35, %add3A_36 : vector<256x256xf32>
    %logistic3A_38 = arith.negf %add3A_37 : vector<256x256xf32>
    %logistic3A_39 = math.exp %logistic3A_38 : vector<256x256xf32>
    %logistic3A_40 = arith.constant 1.000000e+00 : f32
    %logistic3A_41 = vector.broadcast %logistic3A_40 : f32 to vector<256x256xf32>
    %logistic3A_42 = arith.addf %logistic3A_41, %logistic3A_39 : vector<256x256xf32>
    %logistic3A_43 = arith.divf %logistic3A_41, %logistic3A_42 : vector<256x256xf32>
    %mul3A_44 = arith.mulf %add3A_37, %logistic3A_43 : vector<256x256xf32>
    %dot_general3A_45 = arith.constant dense<0.000000e+00> : vector<256x256xf32>
    %dot_general3A_46 = tpu.matmul %mul3A_44, %get3A_4, %dot_general3A_45 {dimension_numbers = #tpu.dot_dimension_numbers<[1], [0], [0], [1], [0, 0, 1, 1], [], []>, transpose_lhs_hint = false} : vector<256x256xf32>, vector<256x256xf32>, vector<256x256xf32> -> vector<256x256xf32>
    %add3A_47 = vector.broadcast %get3A_10 : vector<1x256xf32> to vector<256x256xf32>
    %add3A_48 = arith.addf %dot_general3A_46, %add3A_47 : vector<256x256xf32>
    %swap3A_49 = arith.constant 0 : index
    %swap3A_50 = arith.constant 256 : index
    %swap3A_51 = vector.load %arg11[%swap3A_49, %swap3A_50] : memref<256x1280xf32, #tpu.memory_space<vmem>>, vector<256x256xf32>
    tpu.vector_store %arg11[%swap3A_49, %swap3A_50], %add3A_48 {strides = array<i32>} : memref<256x1280xf32, #tpu.memory_space<vmem>>, vector<256x256xf32>,
    %get3A_52 = arith.constant 0 : index
    %get3A_53 = arith.constant 0 : index
    %get3A_54 = arith.constant 0 : index
    %get3A_55 = vector.load %arg3[%get3A_52, %get3A_53, %get3A_54] : memref<1x256x2048xf32, #tpu.memory_space<vmem>>, vector<1x256x2048xf32>
    %get3A_56 = vector.shape_cast %get3A_55 : vector<1x256x2048xf32> to vector<256x2048xf32>
    %dot_general3A_57 = arith.constant dense<0.000000e+00> : vector<256x256xf32>
    %dot_general3A_58 = tpu.matmul %get3A_56, %get3A_1, %dot_general3A_57 {dimension_numbers = #tpu.dot_dimension_numbers<[1], [0], [0], [1], [0, 0, 1, 1], [], []>, transpose_lhs_hint = false} : vector<256x2048xf32>, vector<2048x256xf32>, vector<256x256xf32> -> vector<256x256xf32>
    %add3A_59 = vector.broadcast %get3A_7 : vector<1x256xf32> to vector<256x256xf32>
    %add3A_60 = arith.addf %dot_general3A_58, %add3A_59 : vector<256x256xf32>
    %logistic3A_61 = arith.negf %add3A_60 : vector<256x256xf32>
    %logistic3A_62 = math.exp %logistic3A_61 : vector<256x256xf32>
    %logistic3A_63 = arith.constant 1.000000e+00 : f32
    %logistic3A_64 = vector.broadcast %logistic3A_63 : f32 to vector<256x256xf32>
    %logistic3A_65 = arith.addf %logistic3A_64, %logistic3A_62 : vector<256x256xf32>
    %logistic3A_66 = arith.divf %logistic3A_64, %logistic3A_65 : vector<256x256xf32>
    %mul3A_67 = arith.mulf %add3A_60, %logistic3A_66 : vector<256x256xf32>
    %dot_general3A_68 = arith.constant dense<0.000000e+00> : vector<256x256xf32>
    %dot_general3A_69 = tpu.matmul %mul3A_67, %get3A_4, %dot_general3A_68 {dimension_numbers = #tpu.dot_dimension_numbers<[1], [0], [0], [1], [0, 0, 1, 1], [], []>, transpose_lhs_hint = false} : vector<256x256xf32>, vector<256x256xf32>, vector<256x256xf32> -> vector<256x256xf32>
    %add3A_70 = vector.broadcast %get3A_10 : vector<1x256xf32> to vector<256x256xf32>
    %add3A_71 = arith.addf %dot_general3A_69, %add3A_70 : vector<256x256xf32>
    %swap3A_72 = arith.constant 0 : index
    %swap3A_73 = arith.constant 512 : index
    %swap3A_74 = vector.load %arg11[%swap3A_72, %swap3A_73] : memref<256x1280xf32, #tpu.memory_space<vmem>>, vector<256x256xf32>
    tpu.vector_store %arg11[%swap3A_72, %swap3A_73], %add3A_71 {strides = array<i32>} : memref<256x1280xf32, #tpu.memory_space<vmem>>, vector<256x256xf32>,
    %get3A_75 = arith.constant 0 : index
    %get3A_76 = arith.constant 0 : index
    %get3A_77 = arith.constant 0 : index
    %get3A_78 = vector.load %arg4[%get3A_75, %get3A_76, %get3A_77] : memref<1x256x2048xf32, #tpu.memory_space<vmem>>, vector<1x256x2048xf32>
    %get3A_79 = vector.shape_cast %get3A_78 : vector<1x256x2048xf32> to vector<256x2048xf32>
    %dot_general3A_80 = arith.constant dense<0.000000e+00> : vector<256x256xf32>
    %dot_general3A_81 = tpu.matmul %get3A_79, %get3A_1, %dot_general3A_80 {dimension_numbers = #tpu.dot_dimension_numbers<[1], [0], [0], [1], [0, 0, 1, 1], [], []>, transpose_lhs_hint = false} : vector<256x2048xf32>, vector<2048x256xf32>, vector<256x256xf32> -> vector<256x256xf32>
    %add3A_82 = vector.broadcast %get3A_7 : vector<1x256xf32> to vector<256x256xf32>
    %add3A_83 = arith.addf %dot_general3A_81, %add3A_82 : vector<256x256xf32>
    %logistic3A_84 = arith.negf %add3A_83 : vector<256x256xf32>
    %logistic3A_85 = math.exp %logistic3A_84 : vector<256x256xf32>
    %logistic3A_86 = arith.constant 1.000000e+00 : f32
    %logistic3A_87 = vector.broadcast %logistic3A_86 : f32 to vector<256x256xf32>
    %logistic3A_88 = arith.addf %logistic3A_87, %logistic3A_85 : vector<256x256xf32>
    %logistic3A_89 = arith.divf %logistic3A_87, %logistic3A_88 : vector<256x256xf32>
    %mul3A_90 = arith.mulf %add3A_83, %logistic3A_89 : vector<256x256xf32>
    %dot_general3A_91 = arith.constant dense<0.000000e+00> : vector<256x256xf32>
    %dot_general3A_92 = tpu.matmul %mul3A_90, %get3A_4, %dot_general3A_91 {dimension_numbers = #tpu.dot_dimension_numbers<[1], [0], [0], [1], [0, 0, 1, 1], [], []>, transpose_lhs_hint = false} : vector<256x256xf32>, vector<256x256xf32>, vector<256x256xf32> -> vector<256x256xf32>
    %add3A_93 = vector.broadcast %get3A_10 : vector<1x256xf32> to vector<256x256xf32>
    %add3A_94 = arith.addf %dot_general3A_92, %add3A_93 : vector<256x256xf32>
    %swap3A_95 = arith.constant 0 : index
    %swap3A_96 = arith.constant 768 : index
    %swap3A_97 = vector.load %arg11[%swap3A_95, %swap3A_96] : memref<256x1280xf32, #tpu.memory_space<vmem>>, vector<256x256xf32>
    tpu.vector_store %arg11[%swap3A_95, %swap3A_96], %add3A_94 {strides = array<i32>} : memref<256x1280xf32, #tpu.memory_space<vmem>>, vector<256x256xf32>,
    %get3A_98 = arith.constant 0 : index
    %get3A_99 = arith.constant 0 : index
    %get3A_100 = arith.constant 0 : index
    %get3A_101 = vector.load %arg5[%get3A_98, %get3A_99, %get3A_100] : memref<1x256x2048xf32, #tpu.memory_space<vmem>>, vector<1x256x2048xf32>
    %get3A_102 = vector.shape_cast %get3A_101 : vector<1x256x2048xf32> to vector<256x2048xf32>
    %dot_general3A_103 = arith.constant dense<0.000000e+00> : vector<256x256xf32>
    %dot_general3A_104 = tpu.matmul %get3A_102, %get3A_1, %dot_general3A_103 {dimension_numbers = #tpu.dot_dimension_numbers<[1], [0], [0], [1], [0, 0, 1, 1], [], []>, transpose_lhs_hint = false} : vector<256x2048xf32>, vector<2048x256xf32>, vector<256x256xf32> -> vector<256x256xf32>
    %add3A_105 = vector.broadcast %get3A_7 : vector<1x256xf32> to vector<256x256xf32>
    %add3A_106 = arith.addf %dot_general3A_104, %add3A_105 : vector<256x256xf32>
    %logistic3A_107 = arith.negf %add3A_106 : vector<256x256xf32>
    %logistic3A_108 = math.exp %logistic3A_107 : vector<256x256xf32>
    %logistic3A_109 = arith.constant 1.000000e+00 : f32
    %logistic3A_110 = vector.broadcast %logistic3A_109 : f32 to vector<256x256xf32>
    %logistic3A_111 = arith.addf %logistic3A_110, %logistic3A_108 : vector<256x256xf32>
    %logistic3A_112 = arith.divf %logistic3A_110, %logistic3A_111 : vector<256x256xf32>
    %mul3A_113 = arith.mulf %add3A_106, %logistic3A_112 : vector<256x256xf32>
    %dot_general3A_114 = arith.constant dense<0.000000e+00> : vector<256x256xf32>
    %dot_general3A_115 = tpu.matmul %mul3A_113, %get3A_4, %dot_general3A_114 {dimension_numbers = #tpu.dot_dimension_numbers<[1], [0], [0], [1], [0, 0, 1, 1], [], []>, transpose_lhs_hint = false} : vector<256x256xf32>, vector<256x256xf32>, vector<256x256xf32> -> vector<256x256xf32>
    %add3A_116 = vector.broadcast %get3A_10 : vector<1x256xf32> to vector<256x256xf32>
    %add3A_117 = arith.addf %dot_general3A_115, %add3A_116 : vector<256x256xf32>
    %swap3A_118 = arith.constant 0 : index
    %swap3A_119 = arith.constant 1024 : index
    %swap3A_120 = vector.load %arg11[%swap3A_118, %swap3A_119] : memref<256x1280xf32, #tpu.memory_space<vmem>>, vector<256x256xf32>
    tpu.vector_store %arg11[%swap3A_118, %swap3A_119], %add3A_117 {strides = array<i32>} : memref<256x1280xf32, #tpu.memory_space<vmem>>, vector<256x256xf32>,
    return
  }
  func.func @transform_0(%arg0: i32) -> (i32, i32, i32) {
    %c0_i32 = arith.constant 0 : i32
    %c0_i32_0 = arith.constant 0 : i32
    %c0_i32_1 = arith.constant 0 : i32
    return %c0_i32, %arg0, %c0_i32_0 : i32, i32, i32
  }
  func.func @transform_1(%arg0: i32) -> (i32, i32, i32) {
    %c1_i32 = arith.constant 1 : i32
    %c0_i32 = arith.constant 0 : i32
    %c0_i32_0 = arith.constant 0 : i32
    return %c1_i32, %arg0, %c0_i32 : i32, i32, i32
  }
  func.func @transform_2(%arg0: i32) -> (i32, i32, i32) {
    %c2_i32 = arith.constant 2 : i32
    %c0_i32 = arith.constant 0 : i32
    %c0_i32_0 = arith.constant 0 : i32
    return %c2_i32, %arg0, %c0_i32 : i32, i32, i32
  }
  func.func @transform_3(%arg0: i32) -> (i32, i32, i32) {
    %c3_i32 = arith.constant 3 : i32
    %c0_i32 = arith.constant 0 : i32
    %c0_i32_0 = arith.constant 0 : i32
    return %c3_i32, %arg0, %c0_i32 : i32, i32, i32
  }
  func.func @transform_4(%arg0: i32) -> (i32, i32, i32) {
    %c4_i32 = arith.constant 4 : i32
    %c0_i32 = arith.constant 0 : i32
    %c0_i32_0 = arith.constant 0 : i32
    return %c4_i32, %arg0, %c0_i32 : i32, i32, i32
  }
  func.func @transform_5(%arg0: i32) -> (i32, i32) {
    %c0_i32 = arith.constant 0 : i32
    %c0_i32_0 = arith.constant 0 : i32
    %c0_i32_1 = arith.constant 0 : i32
    return %c0_i32, %c0_i32_0 : i32, i32
  }
  func.func @transform_6(%arg0: i32) -> (i32, i32) {
    %c0_i32 = arith.constant 0 : i32
    %c0_i32_0 = arith.constant 0 : i32
    %c0_i32_1 = arith.constant 0 : i32
    return %c0_i32, %c0_i32_0 : i32, i32
  }
  func.func @transform_7(%arg0: i32) -> (i32, i32) {
    %c0_i32 = arith.constant 0 : i32
    %c0_i32_0 = arith.constant 0 : i32
    %c0_i32_1 = arith.constant 0 : i32
    return %c0_i32, %c0_i32_0 : i32, i32
  }
  func.func @transform_8(%arg0: i32) -> (i32, i32) {
    %c0_i32 = arith.constant 0 : i32
    %c0_i32_0 = arith.constant 0 : i32
    %c0_i32_1 = arith.constant 0 : i32
    return %c0_i32, %c0_i32_0 : i32, i32
  }
  func.func @transform_10(%arg0: i32) -> (i32, i32) {
    %add3A = arith.constant 12 : i32
    %add3A_0 = arith.addi %add3A, %arg0 : i32
    %c0_i32 = arith.constant 0 : i32
    %c0_i32_1 = arith.constant 0 : i32
    return %add3A_0, %c0_i32 : i32, i32
  }
}

</mosaic_0001>

<sc_bundles>
// kernel: kernel.10.cloned.1.call-start
scs
__scs_entry_jumppad:
0x0: {  	(pc) =	sbr.rel $0x88, $3  }
0x1: {  	(tag) =	ssettag $0x0;
	lr =	simm.s32 $0x1  }
0x2: {  	[smem:$0x3F9B] =	sst lr;
	_ =	strace $0xD0000000  }
0x3: {  	_ = 	snop  }
0x4: {  	_ = 	snop  }
0x5: {  	_ = 	snop  }
0x6: {  	_ = 	snop  }
0x7: {  	_ = 	snop  }
__scs_overlays_trampoline_lowered:
0x8: {  	[smem:$0x3FAA] =	sst s0  }
0x9: {  	[smem:$0x3FAB] =	sst s1  }
0xa: {  	[smem:$0x3FAC] =	sst s2  }
0xb: {  	[smem:$0x3FAD] =	sst s3  }
0xc: {  	[smem:$0x3FAE] =	sst s4  }
0xd: {  	[smem:$0x3FAF] =	sst s5  }
0xe: {  	[smem:$0x3FB0] =	sst s6  }
0xf: {  	[smem:$0x3FB1] =	sst s7  }
0x10: {  	[smem:$0x3FB2] =	sst s8  }
0x11: {  	[smem:$0x3FB3] =	sst s9;
	s0 =	simm.s32 @!p0 $0x0  }
0x12: {  	s1 =	sld [smem:$0x3F99];
	s0 =	simm.s32 @p0 $0x1  }
0x13: {  	[smem:$0x3FB4] =	sst s0;
	s0 =	simm.s32 @!p1 $0x0  }
0x14: {  	s2 =	sld [smem:$0x3F98];
	s0 =	simm.s32 @p1 $0x1  }
0x15: {  	[smem:$0x3FB5] =	sst s0;
	s0 =	simm.s32 @!p2 $0x0  }
0x16: {  	s3 =	sld [smem:$0x3FDB];
	s0 =	simm.s32 @p2 $0x1  }
0x17: {  	s4 =	simm.s32 $0x1BF5;
	[smem:$0x3FB7] =	sst s0  }
0x18: {  	s0 =	sld [smem:$0x3F9A];
	_ =	swait.ge [sflag:s4], $0x0  }
0x19: {  	s7 =	sld [smem:$0x3F9B]  }
0x1a: {  	s8 =	sadd.s32 $0xFFFFE003, lr  }
0x1b: {  	s9 =	sadd.s32 $0xFFFFFEF7, lr;
	s5 =	simm.s32 $0xFFFFFFFF;
	p2 =	slt.u32 s8, $0xFFFFF086  }
0x1c: {  	p1 =	slt.u32 s9, $0xF7A;
	s5 =	simm.s32 @!p2 $0x0  }
0x1d: {  	s5 =	simm.s32 @p1 $0x1;
	p0 =	seq.s32 s7, s2  }
0x1e: {  	s7 =	smul.u32 @!p0 $0xF7A, s2;
	p2 =	seq.s32 @!p0 s5, $0x0  }
0x1f: {  	s9 =	smul.u32 $0xF7A, s1;
	s8 =	simm.s32 @!p0 $0x1BF5;
	p2 =	por !p2, p0  }
0x20: {  	[sflag:s8] =	ssyncset.s32 @!p0 $0xFFFFF086;
	s6 =	sadd.s32 @!p0 s3, s7;
	s7 =	simm.s32 @!p0 $0x108  }
0x21: {  	s3 =	sadd.s32 s3, s9;
	s6 =	sadd.s32 @!p0 $0x88, s6;
	s7 =	simm.s32 @p2 $0x1082  }
0x22: {  	[simem:s7], [sflag:s8] =	dma.local @!p0 [hbm:s6], $0xF7A  }
0x23: {  	s9 =	sor.u32 $0xD0000000, s2;
	s6 =	simm.s32 $0x108;
	_ =	swait.ge @!p0 [sflag:s8], $0x0  }
0x24: {  	s3 =	sadd.s32 $0x88, s3;
	s6 =	simm.s32 @!p1 $0x1082;
	[sflag:s4] =	ssyncset.s32 $0xFFFFF086  }
0x25: {  	[simem:s6], [sflag:s4] =	dma.local [hbm:s3], $0xF7A  }
0x26: {  	[smem:$0x3F9B] =	sst s1;
	(tag) =	ssettag s2;
	_ =	strace s9  }
0x27: {  	s1 =	sld [smem:$0x3FAB]  }
0x28: {  	s2 =	sld [smem:$0x3FAC]  }
0x29: {  	s4 =	sld [smem:$0x3FAE]  }
0x2a: {  	p0 =	seq.s32 s5, $0x0;
	s5 =	sld [smem:$0x3FAF]  }
0x2b: {  	s6 =	sld [smem:$0x3FB0]  }
0x2c: {  	s7 =	sld [smem:$0x3FB1]  }
0x2d: {  	s3 =	simm.s32 $0x108;
	s8 =	sld [smem:$0x3FB2]  }
0x2e: {  	s3 =	simm.s32 @!p0 $0x1082;
	s9 =	sld [smem:$0x3FB3]  }
0x2f: {  	lr =	sadd.s32 s0, s3;
	s0 =	sld [smem:$0x3FAA]  }
0x30: {  	s3 =	sld [smem:$0x3FAD]  }
0x31: {  	[smem:$0x3FB6] =	sst s10  }
0x32: {  	s10 =	sld [smem:$0x3FB4];
	_ =	sdelay $0x3  }
0x33: {  	p0 =	seq.s32 s10, $0x1;
	s10 =	sld [smem:$0x3FB6];
	_ =	sdelay $0x3  }
0x34: {  	[smem:$0x3FB6] =	sst s10  }
0x35: {  	s10 =	sld [smem:$0x3FB5];
	_ =	sdelay $0x3  }
0x36: {  	p1 =	seq.s32 s10, $0x1;
	s10 =	sld [smem:$0x3FB6];
	_ =	sdelay $0x3  }
0x37: {  	[smem:$0x3FB6] =	sst s10  }
0x38: {  	s10 =	sld [smem:$0x3FB7]  }
0x39: {  	_ = 	snop;
	(pc) =	sbr.ind lr, $3  }
0x3a: {  	_ = 	snop  }
0x3b: {  	_ = 	snop  }
0x3c: {  	p2 =	seq.s32 s10, $0x1;
	s10 =	sld [smem:$0x3FB6]  }
0x3d: {  	_ =	shalt  }
0x3e: {  	_ =	shalt  }
0x3f: {  	_ =	shalt  }
0x40: {  	_ =	shalt  }
0x41: {  	_ =	shalt  }
0x42: {  	_ =	shalt  }
0x43: {  	_ =	shalt  }
0x44: {  	_ =	shalt  }
0x45: {  	_ =	shalt  }
0x46: {  	_ =	shalt  }
0x47: {  	_ =	shalt  }
0x48: {  	_ =	shalt  }
0x49: {  	_ =	shalt  }
0x4a: {  	_ =	shalt  }
0x4b: {  	_ =	shalt  }
0x4c: {  	_ =	shalt  }
0x4d: {  	_ =	shalt  }
0x4e: {  	_ =	shalt  }
0x4f: {  	_ =	shalt  }
0x50: {  	_ =	shalt  }
0x51: {  	_ =	shalt  }
0x52: {  	_ =	shalt  }
0x53: {  	_ =	shalt  }
0x54: {  	_ =	shalt  }
0x55: {  	_ =	shalt  }
0x56: {  	_ =	shalt  }
0x57: {  	_ =	shalt  }
0x58: {  	_ =	shalt  }
0x59: {  	_ =	shalt  }
0x5a: {  	_ =	shalt  }
0x5b: {  	_ =	shalt  }
0x5c: {  	_ =	shalt  }
0x5d: {  	_ =	shalt  }
0x5e: {  	_ =	shalt  }
0x5f: {  	_ =	shalt  }
0x60: {  	_ =	shalt  }
0x61: {  	_ =	shalt  }
0x62: {  	_ =	shalt  }
0x63: {  	_ =	shalt  }
0x64: {  	_ =	shalt  }
0x65: {  	_ =	shalt  }
0x66: {  	_ =	shalt  }
0x67: {  	_ =	shalt  }
0x68: {  	_ =	shalt  }
0x69: {  	_ =	shalt  }
0x6a: {  	_ =	shalt  }
0x6b: {  	_ =	shalt  }
0x6c: {  	_ =	shalt  }
0x6d: {  	_ =	shalt  }
0x6e: {  	_ =	shalt  }
0x6f: {  	_ =	shalt  }
0x70: {  	_ =	shalt  }
0x71: {  	_ =	shalt  }
0x72: {  	_ =	shalt  }
0x73: {  	_ =	shalt  }
0x74: {  	_ =	shalt  }
0x75: {  	_ =	shalt  }
0x76: {  	_ =	shalt  }
0x77: {  	_ =	shalt  }
0x78: {  	_ =	shalt  }
0x79: {  	_ =	shalt  }
0x7a: {  	_ =	shalt  }
0x7b: {  	_ =	shalt  }
0x7c: {  	_ =	shalt  }
0x7d: {  	_ =	shalt  }
0x7e: {  	_ =	shalt  }
0x7f: {  	_ =	shalt  }
0x80: {  	_ =	shalt  }
0x81: {  	_ =	shalt  }
0x82: {  	_ =	shalt  }
0x83: {  	_ =	shalt  }
0x84: {  	_ =	shalt  }
0x85: {  	_ =	shalt  }
0x86: {  	_ =	shalt  }
0x87: {  	_ =	shalt  }
.Lfunc_end0:
.L_simem_size_0:
called_computation_lowered:
.L_overlay_start_0:
0x88: {  	s2 =	sld [smem:$0x3FD9]  }
0x89: {  	s3 =	sld [smem:$0x3FFE];
	_ =	sdelay $0x1  }
0x8a: {  	s1 =	srdreg.scid  }
0x8b: {  	s0 =	sand.u32 $0x1, s1  }
0x8c: {  	s17 =	sshll.u32 s0, $0xA;
	s2 =	sadd.s32 s3, s2  }
0x8d: {  	s2 =	sadd.s32 s2, s17  }
0x8e: {  	[smem:$0x3FC2] =	sst s2  }
0x8f: {  	_ = 	snop  }
0x90: {  	s2 =	sld [smem:$0x3FC8];
	(tm) =	ssettm $0x1  }
0x91: {  	s18 =	sld [smem:$0x3FFB];
	_ =	sdelay $0x3  }
0x92: {  	_ =	strace s18  }
0x93: {  	s3 =	sld [smem:$0x3FFC];
	_ =	sdelay $0x3  }
0x94: {  	_ =	strace s3  }
0x95: {  	s3 =	sld [smem:$0x3FFD];
	_ =	sdelay $0x3  }
0x96: {  	_ =	strace s3  }
0x97: {  	_ =	strace $0x8FFFFFFF  }
0x98: {  	s19 =	sld [smem:$0x3FDB];
	_ =	sdelay $0x1  }
0x99: {  	s4 =	simm.s32 $_scs_section_size  }
0x9a: {  	s5 =	simm.s32 $_size__tile_overlayer_lowered;
	s6 =	simm.s32 $_tile_overlayer_lowered  }
0x9b: {  	s22 =	simm.s32 $0x1BFF;
	s21 =	sshll.u32 s6, $0x1;
	s3 =	sadd.s32 s4, s19  }
0x9c: {  	s7 =	simm.s32 $0x0;
	s20 =	sshll.u32 s5, $0x1;
	s5 =	sadd.s32 s21, s3  }
0x9d: {  	[timem:s7], [sflag:s22] =	dma.local [hbm:s5], s20  }
0x9e: {  	_ =	swait.ge [sflag:s22], s20  }
0x9f: {  	s4 =	ssub.s32 $0x0, s20;
	[sflag:s22] =	ssyncset.done $0x0  }
0xa0: {  	[sflag:s22] =	ssyncadd.s32 s4;
	_ =	sdelay $0x1  }
0xa1: {  	s23 =	simm.s32 $0x1B8B  }
0xa2: {  	_ =	swait.ge [sflag:s23], $0x1  }
0xa3: {  	[sflag:s23] =	ssyncset.done $0x0  }
0xa4: {  	s25 =	simm.s32 $0x1B8E;
	s24 =	sld [smem:$0x3FFE];
	[sflag:s23] =	ssyncadd.s32 $0xFFFFFFFF  }
0xa5: {  	s26 =	simm.s32 $execute0_lowered;
	[smem:$0x3FD2] =	sst s25  }
0xa6: {  	s5 =	sshll.u32 s26, $0x1;
	_ =	strace $0x80000046;
	[dreg:$0x1] =	wrdreg $0xFFFFFFFF  }
0xa7: {  	s28 =	simm.s32 $_size_execute0_lowered;
	s3 =	sadd.s32 s3, s5;
	[dreg:$0x0] =	wrdreg $0x0  }
0xa8: {  	s5 =	sshll.u32 s28, $0x1;
	[dreg:$0x2] =	wrdreg s3  }
0xa9: {  	[dreg:$0x3] =	wrdreg s5  }
0xaa: {  	[dreg:$0x4] =	wrdreg $0xC0  }
0xab: {  	_ =	task [dreg:s7], $0x5FFFF  }
0xac: {  	[dreg:$0x1] =	wrdreg $0xFFFFFFFF  }
0xad: {  	[dreg:$0x0] =	wrdreg $0x60  }
0xae: {  	[dreg:$0x2] =	wrdreg s2  }
0xaf: {  	[dreg:$0x3] =	wrdreg s24  }
0xb0: {  	[dreg:$0x4] =	wrdreg $0x9  }
0xb1: {  	_ =	task.clear_ibuf [dreg:s7], $0x5FFFF;
	_ =	strace $0x90000046  }
0xb2: {  	s29 =	simm.s32 $0x9;
	_ =	strace $0x80000048  }
0xb3: {  	_ =	swait.ge [sflag:s29], $0x1  }
0xb4: {  	[sflag:s29] =	ssyncadd.s32 $0xFFFFFFFF  }
0xb5: {  	_ =	strace $0x90000048  }
0xb6: {  	_ =	sfence  }
0xb7: {  	s30 =	sld [smem:$0x0];
	_ =	sdelay $0x2  }
0xb8: {  	s31 =	sshll.u32 s1, $0xD;
	s1 =	sshrl.u32 s1, $0x2  }
0xb9: {  	s3 =	sand.u32 $0x4000, s31;
	s1 =	sadd.s32 s1, s30  }
0xba: {  	s0 =	sor.u32 s3, s0;
	s1 =	sshll.u32 s1, $0x11  }
0xbb: {  	s0 =	sor.u32 s1, s0  }
0xbc: {  	s0 =	sadd.s32 $0x8F2B, s0  }
0xbd: {  	[sflag:s0] =	ssyncadd.remote.s32 $0x1  }
0xbe: {  	_ =	sfence.sel $0xFFFF  }
0xbf: {  	[dreg:$0x0] =	wrdreg $0xFFFFFFFF;
	(pc) =	sbr.abs _section_cstart, $3  }
0xc0: {  	[dreg:$0x1] =	wrdreg $0xFFFFFFFF  }
0xc1: {  	_ =	task.clear_ibuf [dreg:s7], $0x2FFFF;
	_ =	strace $0x9FFFFFFF  }
0xc2: {  	(tm) =	ssettm $0x7FFFFFFF  }
0xc3: {  	_ =	shalt  }
tec
execute0_lowered:
.L_overlay_start_1:
0x0: {  	(tag) =	ssettag $0x1  }
0x1: {  	s0 =	srdreg.scid  }
0x2: {  	s10 =	stileid.u32;
	s2 =	rddreg [dreg:$0x0]  }
0x3: {  	s4 =	rddreg [dreg:$0x1];
	s3 =	simm.s32 $0x0;
	s13 =	simm.s32 $0x9100  }
0x4: {  	s14 =	simm.s32 $0x9900;
	s15 =	simm.s32 $0xA100;
	s16 =	simm.s32 $0xA900  }
0x5: {  	s17 =	simm.s32 $0xB100;
	s18 =	simm.s32 $0xB900;
	s19 =	simm.s32 $0xC100  }
0x6: {  	s20 =	simm.s32 $0xC900;
	s21 =	simm.s32 $0xD100;
	[smem:$0x7FF] =	sst s3  }
0x7: {  	s22 =	simm.s32 $0xD900;
	_ =	strace $0x80000047;
	[dreg:$0x6] =	wrdreg s13  }
0x8: {  	s23 =	simm.s32 $0xE100;
	s24 =	simm.s32 $0xE900;
	[dreg:$0x7] =	wrdreg s14  }
0x9: {  	s28 =	simm.s32 $0x6900;
	s29 =	simm.s32 $0x7100;
	[dreg:$0x8] =	wrdreg s15  }
0xa: {  	s30 =	simm.s32 $0x7900;
	s31 =	simm.s32 $0x8100;
	[dreg:$0x9] =	wrdreg s16  }
0xb: {  	s0 =	sand.u32 $0x1, s0;
	s1 =	sshll.u32 s10, $0x1;
	[dreg:$0xa] =	wrdreg s17  }
0xc: {  	s7 =	smul.u32 $0xA0000, s10;
	s9 =	sadd.s32 $0x2C00, s4;
	[dreg:$0xb] =	wrdreg s18  }
0xd: {  	s25 =	smul.u32 $0x14000, s10;
	s11 =	sadd.s32 $0x700, s2;
	[dreg:$0xc] =	wrdreg s19  }
0xe: {  	s1 =	sor.u32 s0, s1;
	s8 =	smul.u32 $0x50000, s0;
	[dreg:$0xd] =	wrdreg s20  }
0xf: {  	s5 =	ssub.s32 $0x2, s0;
	s0 =	smul.u32 $0xA000, s0;
	[dreg:$0xe] =	wrdreg s21  }
0x10: {  	s13 =	simm.s32 $0x5;
	s14 =	simm.s32 $0x100;
	[dreg:$0xf] =	wrdreg s22  }
0x11: {  	s22 =	simm.s32 $0x4100;
	[dreg:$0x10] =	wrdreg s23;
	s23 =	simm.s32 $0x4900  }
0x12: {  	[dreg:$0x11] =	wrdreg s24;
	s24 =	simm.s32 $0x5100;
	s15 =	simm.s32 $0x3  }
0x13: {  	s16 =	simm.s32 $0x4;
	s17 =	simm.s32 $0x0;
	s6 =	sshrl.u32 s5, $0x1  }
0x14: {  	s1 =	smul.u32 $0xA0, s1;
	s12 =	ssub.s32 s5, s6;
	s5 =	sadd.s32 $0x100, s2  }
0x15: {  	s6 =	sadd.s32 $0x200, s2;
	s8 =	sadd.s32 s8, s7;
	s7 =	sadd.s32 $0x300, s2  }
0x16: {  	s1 =	sshrl.u32 s1, $0x3;
	s26 =	sshrl.u32 s8, $0x3;
	s8 =	sadd.s32 $0x400, s2  }
0x17: {  	s12 =	smax.u32 s12, $0x1;
	s1 =	sadd.s32 s1, s4;
	s10 =	sadd.s32 s26, s9  }
0x18: {  	s26 =	simm.s32 $0xF900;
	s4 =	sadd.s32 $0x2800, s1;
	s1 =	sadd.s32 s25, s9  }
0x19: {  	s9 =	sadd.s32 $0x500, s2;
	[dreg:$0x3] =	wrdreg s10;
	s10 =	sadd.s32 $0x600, s2  }
0x1a: {  	s25 =	simm.s32 $0xF100;
	[dreg:$0x13] =	wrdreg s26;
	s26 =	simm.s32 $0x6100  }
0x1b: {  	v2 =	vlaneseq.u32;
	s0 =	sadd.s32 s0, s1;
	s1 =	simm.s32 $0x8900;
	[dreg:$0x12] =	wrdreg s25  }
0x1c: {  	vm0 =	vmmov $0xffff;
	v1 =	vshrl.u32 v2, $0x3;
	s25 =	simm.s32 $0x5900;
	s0 =	sadd.s32 $0x1000, s0;
	[dreg:$0x5] =	wrdreg s1  }
0x1d: {  	v0 =	vand.u32 $0x7, v2;
	v2 =	vor.u32 $0x8, v2;
	v1 =	vmul.u32 $0x8, v1;
	s1 =	simm.s32 $0x1;
	[dreg:$0x4] =	wrdreg s0;
	s0 =	simm.s32 $0x2  }
.LBB2_1:
0x1e: {  	[tilespmem:s3], [sflag:$0x5] =	stream.linear.gather [hbm4b:s4+s3], $0xA0, $0x38;
	[tilespmem:$0x10100] =	vst v63  }
0x1f: {  	_ =	swait.ge [sflag:s13], $0xA0  }
0x20: {  	[sflag:s13] =	ssyncset.done $0x0  }
0x21: {  	[sflag:s13] =	ssyncadd.s32 $0xFFFFFF60  }
0x22: {  	v3 =	vld [tilespmem:$0x0];
	_ =	sdelay $0x4  }
0x23: {  	v4 =	vshll.u32 v3, $0x4  }
0x24: {  	v3 =	vand.u32 $0x7, v3;
	v4 =	vand.u32 $0xFFFFFF80, v4  }
0x25: {  	v3 =	vor.u32 v3, v4  }
0x26: {  	v4 =	vperm.xlane v3, v0;
	_ =	sdelay $0x1  }
0x27: {  	v4 =	vadd.s32 v1, v4;
	_ =	sdelay $0x4  }
0x28: {  	[tilespmem:s14], [sflag:$0x1] =	stream.indirect_vreg.gather [hbm4b:s2+s3], $0x80, v4, vm0, $0xb8;
	[tilespmem:$0x10100] =	vst v63  }
0x29: {  	s18 =	simm.s32 $0x900  }
0x2a: {  	[tilespmem:s18], [sflag:$0x1] =	stream.indirect_vreg.gather [hbm4b:s5+s3], $0x80, v4, vm0, $0xb8;
	[tilespmem:$0x10100] =	vst v63  }
0x2b: {  	s19 =	simm.s32 $0x1100  }
0x2c: {  	[tilespmem:s19], [sflag:$0x1] =	stream.indirect_vreg.gather [hbm4b:s6+s3], $0x80, v4, vm0, $0xb8;
	[tilespmem:$0x10100] =	vst v63  }
0x2d: {  	s20 =	simm.s32 $0x1900  }
0x2e: {  	[tilespmem:s20], [sflag:$0x1] =	stream.indirect_vreg.gather [hbm4b:s7+s3], $0x80, v4, vm0, $0xb8;
	[tilespmem:$0x10100] =	vst v63  }
0x2f: {  	s21 =	simm.s32 $0x2100  }
0x30: {  	[tilespmem:s21], [sflag:$0x1] =	stream.indirect_vreg.gather [hbm4b:s8+s3], $0x80, v4, vm0, $0xb8;
	[tilespmem:$0x10100] =	vst v63  }
0x31: {  	v3 =	vperm.xlane v3, v2;
	s19 =	simm.s32 $0x2900  }
0x32: {  	[tilespmem:s19], [sflag:$0x1] =	stream.indirect_vreg.gather [hbm4b:s9+s3], $0x80, v4, vm0, $0xb8;
	[tilespmem:$0x10100] =	vst v63  }
0x33: {  	v3 =	vadd.s32 v1, v3;
	s20 =	simm.s32 $0x3100  }
0x34: {  	[tilespmem:s20], [sflag:$0x1] =	stream.indirect_vreg.gather [hbm4b:s10+s3], $0x80, v4, vm0, $0xb8;
	[tilespmem:$0x10100] =	vst v63  }
0x35: {  	s21 =	simm.s32 $0x3900  }
0x36: {  	[tilespmem:s21], [sflag:$0x1] =	stream.indirect_vreg.gather [hbm4b:s11+s3], $0x80, v4, vm0, $0xb8;
	[tilespmem:$0x10100] =	vst v63  }
0x37: {  	_ = 	snop  }
0x38: {  	[tilespmem:s22], [sflag:$0x1] =	stream.indirect_vreg.gather [hbm4b:s2+s3], $0x80, v3, vm0, $0xb8;
	[tilespmem:$0x10100] =	vst v63  }
0x39: {  	_ = 	snop  }
0x3a: {  	[tilespmem:s23], [sflag:$0x1] =	stream.indirect_vreg.gather [hbm4b:s5+s3], $0x80, v3, vm0, $0xb8;
	[tilespmem:$0x10100] =	vst v63  }
0x3b: {  	_ = 	snop  }
0x3c: {  	[tilespmem:s24], [sflag:$0x1] =	stream.indirect_vreg.gather [hbm4b:s6+s3], $0x80, v3, vm0, $0xb8;
	[tilespmem:$0x10100] =	vst v63  }
0x3d: {  	_ = 	snop  }
0x3e: {  	[tilespmem:s25], [sflag:$0x1] =	stream.indirect_vreg.gather [hbm4b:s7+s3], $0x80, v3, vm0, $0xb8;
	[tilespmem:$0x10100] =	vst v63  }
0x3f: {  	_ = 	snop  }
0x40: {  	[tilespmem:s26], [sflag:$0x1] =	stream.indirect_vreg.gather [hbm4b:s8+s3], $0x80, v3, vm0, $0xb8;
	[tilespmem:$0x10100] =	vst v63  }
0x41: {  	_ = 	snop  }
0x42: {  	[tilespmem:s28], [sflag:$0x1] =	stream.indirect_vreg.gather [hbm4b:s9+s3], $0x80, v3, vm0, $0xb8;
	[tilespmem:$0x10100] =	vst v63  }
0x43: {  	_ = 	snop  }
0x44: {  	[tilespmem:s29], [sflag:$0x1] =	stream.indirect_vreg.gather [hbm4b:s10+s3], $0x80, v3, vm0, $0xb8;
	[tilespmem:$0x10100] =	vst v63  }
0x45: {  	s18 =	simm.s32 $0x20;
	s19 =	simm.s32 $0x0  }
0x46: {  	[tilespmem:s30], [sflag:$0x1] =	stream.indirect_vreg.gather [hbm4b:s11+s3], $0x80, v3, vm0, $0xb8;
	[tilespmem:$0x10100] =	vst v63  }
.LBB2_2:
0x47: {  	p0 =	seq.s32 s19, $0x0  }
0x48: {  	s20 =	simm.s32 @!p0 $0x4  }
0x49: {  	_ =	swait.ge @!p0 [sflag:s20], $0x8000  }
0x4a: {  	[sflag:s20] =	ssyncset.done @!p0 $0x0  }
0x4b: {  	[sflag:s20] =	ssyncadd.s32 @!p0 $0xFFFF8000  }
0x4c: {  	v3 =	vld [tilespmem:s18+$0xFFFFFFF0];
	_ =	sdelay $0x4  }
0x4d: {  	v4 =	vshll.u32 v3, $0x4  }
0x4e: {  	v3 =	vand.u32 $0x7, v3;
	v4 =	vand.u32 $0xFFFFFF80, v4  }
0x4f: {  	v3 =	vor.u32 v3, v4  }
0x50: {  	v4 =	vperm.xlane v3, v0;
	_ =	sdelay $0x1  }
0x51: {  	v4 =	vadd.s32 v1, v4;
	_ =	sdelay $0x4  }
0x52: {  	[tilespmem:s31], [sflag:$0x2] =	stream.indirect_vreg.gather [hbm4b:s2+s3], $0x80, v4, vm0, $0xb8;
	[tilespmem:$0x10100] =	vst v63  }
0x53: {  	s20 =	rddreg [dreg:$0x5]  }
0x54: {  	[tilespmem:s20], [sflag:$0x2] =	stream.indirect_vreg.gather [hbm4b:s5+s3], $0x80, v4, vm0, $0xb8;
	[tilespmem:$0x10100] =	vst v63  }
0x55: {  	s21 =	rddreg [dreg:$0x6]  }
0x56: {  	[tilespmem:s21], [sflag:$0x2] =	stream.indirect_vreg.gather [hbm4b:s6+s3], $0x80, v4, vm0, $0xb8;
	[tilespmem:$0x10100] =	vst v63  }
0x57: {  	s20 =	rddreg [dreg:$0x7]  }
0x58: {  	[tilespmem:s20], [sflag:$0x2] =	stream.indirect_vreg.gather [hbm4b:s7+s3], $0x80, v4, vm0, $0xb8;
	[tilespmem:$0x10100] =	vst v63  }
0x59: {  	s21 =	rddreg [dreg:$0x8]  }
0x5a: {  	[tilespmem:s21], [sflag:$0x2] =	stream.indirect_vreg.gather [hbm4b:s8+s3], $0x80, v4, vm0, $0xb8;
	[tilespmem:$0x10100] =	vst v63  }
0x5b: {  	v3 =	vperm.xlane v3, v2;
	s20 =	rddreg [dreg:$0x9]  }
0x5c: {  	[tilespmem:s20], [sflag:$0x2] =	stream.indirect_vreg.gather [hbm4b:s9+s3], $0x80, v4, vm0, $0xb8;
	[tilespmem:$0x10100] =	vst v63  }
0x5d: {  	v3 =	vadd.s32 v1, v3;
	s21 =	rddreg [dreg:$0xa]  }
0x5e: {  	[tilespmem:s21], [sflag:$0x2] =	stream.indirect_vreg.gather [hbm4b:s10+s3], $0x80, v4, vm0, $0xb8;
	[tilespmem:$0x10100] =	vst v63  }
0x5f: {  	s20 =	rddreg [dreg:$0xb]  }
0x60: {  	[tilespmem:s20], [sflag:$0x2] =	stream.indirect_vreg.gather [hbm4b:s11+s3], $0x80, v4, vm0, $0xb8;
	[tilespmem:$0x10100] =	vst v63  }
0x61: {  	s21 =	rddreg [dreg:$0xc]  }
0x62: {  	[tilespmem:s21], [sflag:$0x2] =	stream.indirect_vreg.gather [hbm4b:s2+s3], $0x80, v3, vm0, $0xb8;
	[tilespmem:$0x10100] =	vst v63  }
0x63: {  	s20 =	rddreg [dreg:$0xd]  }
0x64: {  	[tilespmem:s20], [sflag:$0x2] =	stream.indirect_vreg.gather [hbm4b:s5+s3], $0x80, v3, vm0, $0xb8;
	[tilespmem:$0x10100] =	vst v63  }
0x65: {  	s21 =	rddreg [dreg:$0xe]  }
0x66: {  	[tilespmem:s21], [sflag:$0x2] =	stream.indirect_vreg.gather [hbm4b:s6+s3], $0x80, v3, vm0, $0xb8;
	[tilespmem:$0x10100] =	vst v63  }
0x67: {  	s20 =	rddreg [dreg:$0xf]  }
0x68: {  	[tilespmem:s20], [sflag:$0x2] =	stream.indirect_vreg.gather [hbm4b:s7+s3], $0x80, v3, vm0, $0xb8;
	[tilespmem:$0x10100] =	vst v63  }
0x69: {  	s21 =	rddreg [dreg:$0x10]  }
0x6a: {  	[tilespmem:s21], [sflag:$0x2] =	stream.indirect_vreg.gather [hbm4b:s8+s3], $0x80, v3, vm0, $0xb8;
	[tilespmem:$0x10100] =	vst v63  }
0x6b: {  	s20 =	rddreg [dreg:$0x11]  }
0x6c: {  	[tilespmem:s20], [sflag:$0x2] =	stream.indirect_vreg.gather [hbm4b:s9+s3], $0x80, v3, vm0, $0xb8;
	[tilespmem:$0x10100] =	vst v63  }
0x6d: {  	s21 =	rddreg [dreg:$0x12]  }
0x6e: {  	[tilespmem:s21], [sflag:$0x2] =	stream.indirect_vreg.gather [hbm4b:s10+s3], $0x80, v3, vm0, $0xb8;
	[tilespmem:$0x10100] =	vst v63  }
0x6f: {  	s20 =	rddreg [dreg:$0x13]  }
0x70: {  	[tilespmem:s20], [sflag:$0x2] =	stream.indirect_vreg.gather [hbm4b:s11+s3], $0x80, v3, vm0, $0xb8;
	[tilespmem:$0x10100] =	vst v63  }
0x71: {  	_ =	swait.ge [sflag:s1], $0x8000  }
0x72: {  	s21 =	rddreg [dreg:$0x3];
	[sflag:s1] =	ssyncset.done $0x0  }
0x73: {  	p0 =	seq.s32 s19, $0x8000;
	[sflag:s1] =	ssyncadd.s32 $0xFFFF8000;
	s20 =	sadd.s32 s19, s21  }
0x74: {  	[hbm4b:s20+s3] =	stream.linear.scatter [tilespmem:s14], [sflag:$0x3], $0x8000, $0x38;
	[tilespmem:$0x10100] =	vst v63  }
0x75: {  	s20 =	simm.s32 @!p0 $0x3  }
0x76: {  	_ =	swait.ge @!p0 [sflag:s20], $0x8000  }
0x77: {  	[sflag:s20] =	ssyncset.done @!p0 $0x0  }
0x78: {  	[sflag:s20] =	ssyncadd.s32 @!p0 $0xFFFF8000  }
0x79: {  	v3 =	vld @!p0 [tilespmem:s18+$0x0];
	_ =	sdelay $0x4  }
0x7a: {  	v4 =	vshll.u32 @!p0 v3, $0x4  }
0x7b: {  	v5 =	vlaneseq.u32 @!p0;
	v3 =	vand.u32 @!p0 $0x7, v3;
	v4 =	vand.u32 @!p0 $0xFFFFFF80, v4  }
0x7c: {  	v6 =	vshrl.u32 @!p0 v5, $0x3;
	v3 =	vor.u32 @!p0 v3, v4;
	v4 =	vand.u32 @!p0 $0x7, v5  }
0x7d: {  	v6 =	vmul.u32 @!p0 $0x8, v6;
	v4 =	vperm.xlane @!p0 v3, v4;
	_ =	sdelay $0x1  }
0x7e: {  	v4 =	vadd.s32 @!p0 v6, v4;
	_ =	sdelay $0x3  }
0x7f: {  	vm1 =	vmmov @!p0 $0xffff;
	s21 =	simm.s32 @!p0 $0x100;
	s20 =	simm.s32 @!p0 $0x0  }
0x80: {  	[tilespmem:s21], [sflag:$0x1] =	stream.indirect_vreg.gather @!p0 [hbm4b:s2+s20], $0x80, v4, vm1, $0xb8;
	[tilespmem:$0x10100] =	vst v63  }
0x81: {  	s21 =	simm.s32 @!p0 $0x900  }
0x82: {  	[tilespmem:s21], [sflag:$0x1] =	stream.indirect_vreg.gather @!p0 [hbm4b:s5+s20], $0x80, v4, vm1, $0xb8;
	[tilespmem:$0x10100] =	vst v63  }
0x83: {  	s21 =	simm.s32 @!p0 $0x1100  }
0x84: {  	[tilespmem:s21], [sflag:$0x1] =	stream.indirect_vreg.gather @!p0 [hbm4b:s6+s20], $0x80, v4, vm1, $0xb8;
	[tilespmem:$0x10100] =	vst v63  }
0x85: {  	s21 =	simm.s32 @!p0 $0x1900  }
0x86: {  	[tilespmem:s21], [sflag:$0x1] =	stream.indirect_vreg.gather @!p0 [hbm4b:s7+s20], $0x80, v4, vm1, $0xb8;
	[tilespmem:$0x10100] =	vst v63  }
0x87: {  	s21 =	simm.s32 @!p0 $0x2100  }
0x88: {  	v5 =	vor.u32 @!p0 $0x8, v5;
	[tilespmem:s21], [sflag:$0x1] =	stream.indirect_vreg.gather @!p0 [hbm4b:s8+s20], $0x80, v4, vm1, $0xb8;
	[tilespmem:$0x10100] =	vst v63  }
0x89: {  	v3 =	vperm.xlane @!p0 v3, v5;
	s21 =	simm.s32 @!p0 $0x2900  }
0x8a: {  	[tilespmem:s21], [sflag:$0x1] =	stream.indirect_vreg.gather @!p0 [hbm4b:s9+s20], $0x80, v4, vm1, $0xb8;
	[tilespmem:$0x10100] =	vst v63  }
0x8b: {  	v3 =	vadd.s32 @!p0 v6, v3;
	s21 =	simm.s32 @!p0 $0x3100  }
0x8c: {  	[tilespmem:s21], [sflag:$0x1] =	stream.indirect_vreg.gather @!p0 [hbm4b:s10+s20], $0x80, v4, vm1, $0xb8;
	[tilespmem:$0x10100] =	vst v63  }
0x8d: {  	s21 =	simm.s32 @!p0 $0x3900  }
0x8e: {  	[tilespmem:s21], [sflag:$0x1] =	stream.indirect_vreg.gather @!p0 [hbm4b:s11+s20], $0x80, v4, vm1, $0xb8;
	[tilespmem:$0x10100] =	vst v63  }
0x8f: {  	s21 =	simm.s32 @!p0 $0x4100  }
0x90: {  	[tilespmem:s21], [sflag:$0x1] =	stream.indirect_vreg.gather @!p0 [hbm4b:s2+s20], $0x80, v3, vm1, $0xb8;
	[tilespmem:$0x10100] =	vst v63  }
0x91: {  	s21 =	simm.s32 @!p0 $0x4900  }
0x92: {  	[tilespmem:s21], [sflag:$0x1] =	stream.indirect_vreg.gather @!p0 [hbm4b:s5+s20], $0x80, v3, vm1, $0xb8;
	[tilespmem:$0x10100] =	vst v63  }
0x93: {  	s21 =	simm.s32 @!p0 $0x5100  }
0x94: {  	[tilespmem:s21], [sflag:$0x1] =	stream.indirect_vreg.gather @!p0 [hbm4b:s6+s20], $0x80, v3, vm1, $0xb8;
	[tilespmem:$0x10100] =	vst v63  }
0x95: {  	s21 =	simm.s32 @!p0 $0x5900  }
0x96: {  	[tilespmem:s21], [sflag:$0x1] =	stream.indirect_vreg.gather @!p0 [hbm4b:s7+s20], $0x80, v3, vm1, $0xb8;
	[tilespmem:$0x10100] =	vst v63  }
0x97: {  	s21 =	simm.s32 @!p0 $0x6100  }
0x98: {  	[tilespmem:s21], [sflag:$0x1] =	stream.indirect_vreg.gather @!p0 [hbm4b:s8+s20], $0x80, v3, vm1, $0xb8;
	[tilespmem:$0x10100] =	vst v63  }
0x99: {  	s21 =	simm.s32 @!p0 $0x6900  }
0x9a: {  	[tilespmem:s21], [sflag:$0x1] =	stream.indirect_vreg.gather @!p0 [hbm4b:s9+s20], $0x80, v3, vm1, $0xb8;
	[tilespmem:$0x10100] =	vst v63  }
0x9b: {  	s21 =	simm.s32 @!p0 $0x7100  }
0x9c: {  	[tilespmem:s21], [sflag:$0x1] =	stream.indirect_vreg.gather @!p0 [hbm4b:s10+s20], $0x80, v3, vm1, $0xb8;
	[tilespmem:$0x10100] =	vst v63  }
0x9d: {  	s21 =	simm.s32 @!p0 $0x7900  }
0x9e: {  	[tilespmem:s21], [sflag:$0x1] =	stream.indirect_vreg.gather @!p0 [hbm4b:s11+s20], $0x80, v3, vm1, $0xb8;
	[tilespmem:$0x10100] =	vst v63  }
0x9f: {  	_ =	swait.ge [sflag:s0], $0x8000  }
0xa0: {  	s21 =	rddreg [dreg:$0x4]  }
0xa1: {  	s20 =	sadd.s32 s19, s21;
	s19 =	sadd.s32 $0x2000, s19  }
0xa2: {  	p0 =	sne.s32 s19, $0xA000  }
.Ltmp0:
0xa3: {  	_ = 	snop;
	(pc) =	sbr.rel @p0 .LBB2_2-.Ltmp0, $4  }
0xa4: {  	_ = 	snop  }
0xa5: {  	[sflag:s0] =	ssyncset.done $0x0  }
0xa6: {  	s18 =	sadd.s32 $0x20, s18;
	[sflag:s0] =	ssyncadd.s32 $0xFFFF8000  }
0xa7: {  	[hbm4b:s20+s3] =	stream.linear.scatter [tilespmem:s31], [sflag:$0x4], $0x8000, $0x38;
	[tilespmem:$0x10100] =	vst v63  }
0xa8: {  	s17 =	sadd.s32 $0x1, s17  }
0xa9: {  	_ =	swait.ge [sflag:s15], $0x8000;
	p0 =	sne.s32 s17, s12  }
.Ltmp1:
0xaa: {  	[sflag:s15] =	ssyncset.done $0x0;
	(pc) =	sbr.rel @p0 .LBB2_1-.Ltmp1, $4  }
0xab: {  	[sflag:s15] =	ssyncadd.s32 $0xFFFF8000  }
0xac: {  	_ =	swait.ge [sflag:s16], $0x8000  }
0xad: {  	[sflag:s16] =	ssyncset.done $0x0  }
0xae: {  	[sflag:s16] =	ssyncadd.s32 $0xFFFF8000  }
0xaf: {  	_ =	sfence.sel $0x180000  }
0xb0: {  	[bflag:$0x0] =	sbarrier.arrive $0xFFFF  }
0xb1: {  	_ =	strace $0x90000047  }
0xb2: {  	s0 =	stileid.u32;
	[bflag:$0x2] =	sbarrier.arrive $0xFFFF  }
0xb3: {  	p0 =	sne.s32 s0, $0x0;
	s0 =	rddreg [dreg:$0x2]  }
0xb4: {  	s0 =	sadd.s32 @!p0 $0x100000, s0  }
0xb5: {  	[sflag:s0] =	ssyncadd.tile.s32 @!p0 $0x1;
	_ =	shalt  }
.Lfunc_end2:
_tile_overlayer_lowered:
.L_overlay_start_2:
0xb6: {  	(tag) =	ssettag $0x2  }
0xb7: {  	s0 =	rddreg [dreg:$0x0];
	s2 =	stileid.u32  }
0xb8: {  	s1 =	rddreg [dreg:$0x1];
	p0 =	sne.s32 s2, $0x0  }
0xb9: {  	s3 =	rddreg [dreg:$0x2];
	[bflag:$0x3] =	sbarrier.arrive $0xFFFF;
	s2 =	simm.s32 @!p0 $0x1C05  }
0xba: {  	[timem:s3], [sflag:s2] =	dma.local @!p0 [hbm:s0], s1  }
0xbb: {  	s0 =	simm.s32 @!p0 $0x5  }
0xbc: {  	_ =	swait.ge @!p0 [sflag:s0], s1  }
0xbd: {  	s1 =	ssub.s32 @!p0 $0x0, s1;
	[sflag:s0] =	ssyncset.done @!p0 $0x0  }
0xbe: {  	[sflag:s0] =	ssyncadd.s32 @!p0 s1  }
0xbf: {  	[bflag:$0x3] =	sbarrier.arrive $0xFFFF  }
0xc0: {  	_ =	shalt  }

// kernel: kernel.13.cloned.1.call-start
scs
__scs_entry_jumppad:
0x0: {  	(pc) =	sbr.rel $0x88, $3  }
0x1: {  	(tag) =	ssettag $0x0;
	lr =	simm.s32 $0x1  }
0x2: {  	[smem:$0x3F9B] =	sst lr;
	_ =	strace $0xD0000000  }
0x3: {  	_ = 	snop  }
0x4: {  	_ = 	snop  }
0x5: {  	_ = 	snop  }
0x6: {  	_ = 	snop  }
0x7: {  	_ = 	snop  }
__scs_overlays_trampoline_lowered:
0x8: {  	[smem:$0x3FAA] =	sst s0  }
0x9: {  	[smem:$0x3FAB] =	sst s1  }
0xa: {  	[smem:$0x3FAC] =	sst s2  }
0xb: {  	[smem:$0x3FAD] =	sst s3  }
0xc: {  	[smem:$0x3FAE] =	sst s4  }
0xd: {  	[smem:$0x3FAF] =	sst s5  }
0xe: {  	[smem:$0x3FB0] =	sst s6  }
0xf: {  	[smem:$0x3FB1] =	sst s7  }
0x10: {  	[smem:$0x3FB2] =	sst s8  }
0x11: {  	[smem:$0x3FB3] =	sst s9;
	s0 =	simm.s32 @!p0 $0x0  }
0x12: {  	s1 =	sld [smem:$0x3F99];
	s0 =	simm.s32 @p0 $0x1  }
0x13: {  	[smem:$0x3FB4] =	sst s0;
	s0 =	simm.s32 @!p1 $0x0  }
0x14: {  	s2 =	sld [smem:$0x3F98];
	s0 =	simm.s32 @p1 $0x1  }
0x15: {  	[smem:$0x3FB5] =	sst s0;
	s0 =	simm.s32 @!p2 $0x0  }
0x16: {  	s3 =	sld [smem:$0x3FDB];
	s0 =	simm.s32 @p2 $0x1  }
0x17: {  	s4 =	simm.s32 $0x1BF5;
	[smem:$0x3FB7] =	sst s0  }
0x18: {  	s0 =	sld [smem:$0x3F9A];
	_ =	swait.ge [sflag:s4], $0x0  }
0x19: {  	s7 =	sld [smem:$0x3F9B]  }
0x1a: {  	s8 =	sadd.s32 $0xFFFFE003, lr  }
0x1b: {  	s9 =	sadd.s32 $0xFFFFFEF7, lr;
	s5 =	simm.s32 $0xFFFFFFFF;
	p2 =	slt.u32 s8, $0xFFFFF086  }
0x1c: {  	p1 =	slt.u32 s9, $0xF7A;
	s5 =	simm.s32 @!p2 $0x0  }
0x1d: {  	s5 =	simm.s32 @p1 $0x1;
	p0 =	seq.s32 s7, s2  }
0x1e: {  	s7 =	smul.u32 @!p0 $0xF7A, s2;
	p2 =	seq.s32 @!p0 s5, $0x0  }
0x1f: {  	s9 =	smul.u32 $0xF7A, s1;
	s8 =	simm.s32 @!p0 $0x1BF5;
	p2 =	por !p2, p0  }
0x20: {  	[sflag:s8] =	ssyncset.s32 @!p0 $0xFFFFF086;
	s6 =	sadd.s32 @!p0 s3, s7;
	s7 =	simm.s32 @!p0 $0x108  }
0x21: {  	s3 =	sadd.s32 s3, s9;
	s6 =	sadd.s32 @!p0 $0x88, s6;
	s7 =	simm.s32 @p2 $0x1082  }
0x22: {  	[simem:s7], [sflag:s8] =	dma.local @!p0 [hbm:s6], $0xF7A  }
0x23: {  	s9 =	sor.u32 $0xD0000000, s2;
	s6 =	simm.s32 $0x108;
	_ =	swait.ge @!p0 [sflag:s8], $0x0  }
0x24: {  	s3 =	sadd.s32 $0x88, s3;
	s6 =	simm.s32 @!p1 $0x1082;
	[sflag:s4] =	ssyncset.s32 $0xFFFFF086  }
0x25: {  	[simem:s6], [sflag:s4] =	dma.local [hbm:s3], $0xF7A  }
0x26: {  	[smem:$0x3F9B] =	sst s1;
	(tag) =	ssettag s2;
	_ =	strace s9  }
0x27: {  	s1 =	sld [smem:$0x3FAB]  }
0x28: {  	s2 =	sld [smem:$0x3FAC]  }
0x29: {  	s4 =	sld [smem:$0x3FAE]  }
0x2a: {  	p0 =	seq.s32 s5, $0x0;
	s5 =	sld [smem:$0x3FAF]  }
0x2b: {  	s6 =	sld [smem:$0x3FB0]  }
0x2c: {  	s7 =	sld [smem:$0x3FB1]  }
0x2d: {  	s3 =	simm.s32 $0x108;
	s8 =	sld [smem:$0x3FB2]  }
0x2e: {  	s3 =	simm.s32 @!p0 $0x1082;
	s9 =	sld [smem:$0x3FB3]  }
0x2f: {  	lr =	sadd.s32 s0, s3;
	s0 =	sld [smem:$0x3FAA]  }
0x30: {  	s3 =	sld [smem:$0x3FAD]  }
0x31: {  	[smem:$0x3FB6] =	sst s10  }
0x32: {  	s10 =	sld [smem:$0x3FB4];
	_ =	sdelay $0x3  }
0x33: {  	p0 =	seq.s32 s10, $0x1;
	s10 =	sld [smem:$0x3FB6];
	_ =	sdelay $0x3  }
0x34: {  	[smem:$0x3FB6] =	sst s10  }
0x35: {  	s10 =	sld [smem:$0x3FB5];
	_ =	sdelay $0x3  }
0x36: {  	p1 =	seq.s32 s10, $0x1;
	s10 =	sld [smem:$0x3FB6];
	_ =	sdelay $0x3  }
0x37: {  	[smem:$0x3FB6] =	sst s10  }
0x38: {  	s10 =	sld [smem:$0x3FB7]  }
0x39: {  	_ = 	snop;
	(pc) =	sbr.ind lr, $3  }
0x3a: {  	_ = 	snop  }
0x3b: {  	_ = 	snop  }
0x3c: {  	p2 =	seq.s32 s10, $0x1;
	s10 =	sld [smem:$0x3FB6]  }
0x3d: {  	_ =	shalt  }
0x3e: {  	_ =	shalt  }
0x3f: {  	_ =	shalt  }
0x40: {  	_ =	shalt  }
0x41: {  	_ =	shalt  }
0x42: {  	_ =	shalt  }
0x43: {  	_ =	shalt  }
0x44: {  	_ =	shalt  }
0x45: {  	_ =	shalt  }
0x46: {  	_ =	shalt  }
0x47: {  	_ =	shalt  }
0x48: {  	_ =	shalt  }
0x49: {  	_ =	shalt  }
0x4a: {  	_ =	shalt  }
0x4b: {  	_ =	shalt  }
0x4c: {  	_ =	shalt  }
0x4d: {  	_ =	shalt  }
0x4e: {  	_ =	shalt  }
0x4f: {  	_ =	shalt  }
0x50: {  	_ =	shalt  }
0x51: {  	_ =	shalt  }
0x52: {  	_ =	shalt  }
0x53: {  	_ =	shalt  }
0x54: {  	_ =	shalt  }
0x55: {  	_ =	shalt  }
0x56: {  	_ =	shalt  }
0x57: {  	_ =	shalt  }
0x58: {  	_ =	shalt  }
0x59: {  	_ =	shalt  }
0x5a: {  	_ =	shalt  }
0x5b: {  	_ =	shalt  }
0x5c: {  	_ =	shalt  }
0x5d: {  	_ =	shalt  }
0x5e: {  	_ =	shalt  }
0x5f: {  	_ =	shalt  }
0x60: {  	_ =	shalt  }
0x61: {  	_ =	shalt  }
0x62: {  	_ =	shalt  }
0x63: {  	_ =	shalt  }
0x64: {  	_ =	shalt  }
0x65: {  	_ =	shalt  }
0x66: {  	_ =	shalt  }
0x67: {  	_ =	shalt  }
0x68: {  	_ =	shalt  }
0x69: {  	_ =	shalt  }
0x6a: {  	_ =	shalt  }
0x6b: {  	_ =	shalt  }
0x6c: {  	_ =	shalt  }
0x6d: {  	_ =	shalt  }
0x6e: {  	_ =	shalt  }
0x6f: {  	_ =	shalt  }
0x70: {  	_ =	shalt  }
0x71: {  	_ =	shalt  }
0x72: {  	_ =	shalt  }
0x73: {  	_ =	shalt  }
0x74: {  	_ =	shalt  }
0x75: {  	_ =	shalt  }
0x76: {  	_ =	shalt  }
0x77: {  	_ =	shalt  }
0x78: {  	_ =	shalt  }
0x79: {  	_ =	shalt  }
0x7a: {  	_ =	shalt  }
0x7b: {  	_ =	shalt  }
0x7c: {  	_ =	shalt  }
0x7d: {  	_ =	shalt  }
0x7e: {  	_ =	shalt  }
0x7f: {  	_ =	shalt  }
0x80: {  	_ =	shalt  }
0x81: {  	_ =	shalt  }
0x82: {  	_ =	shalt  }
0x83: {  	_ =	shalt  }
0x84: {  	_ =	shalt  }
0x85: {  	_ =	shalt  }
0x86: {  	_ =	shalt  }
0x87: {  	_ =	shalt  }
.Lfunc_end0:
.L_simem_size_0:
called_computation.1_lowered:
.L_overlay_start_0:
0x88: {  	s2 =	sld [smem:$0x3FD9]  }
0x89: {  	s3 =	sld [smem:$0x3FFE];
	_ =	sdelay $0x1  }
0x8a: {  	s1 =	srdreg.scid  }
0x8b: {  	s0 =	sand.u32 $0x1, s1  }
0x8c: {  	s17 =	sshll.u32 s0, $0xA;
	s2 =	sadd.s32 s3, s2  }
0x8d: {  	s2 =	sadd.s32 s2, s17  }
0x8e: {  	[smem:$0x3FC2] =	sst s2  }
0x8f: {  	_ = 	snop  }
0x90: {  	s18 =	sld [smem:$0x3FC8];
	(tm) =	ssettm $0x1  }
0x91: {  	s19 =	sld [smem:$0x3FFB];
	_ =	sdelay $0x3  }
0x92: {  	_ =	strace s19  }
0x93: {  	s2 =	sld [smem:$0x3FFC];
	_ =	sdelay $0x3  }
0x94: {  	_ =	strace s2  }
0x95: {  	s2 =	sld [smem:$0x3FFD];
	_ =	sdelay $0x3  }
0x96: {  	_ =	strace s2  }
0x97: {  	_ =	strace $0x8FFFFFFF  }
0x98: {  	s20 =	sld [smem:$0x3FDB];
	_ =	sdelay $0x1  }
0x99: {  	s4 =	simm.s32 $_scs_section_size  }
0x9a: {  	s5 =	simm.s32 $_size__tile_overlayer_lowered;
	s6 =	simm.s32 $_tile_overlayer_lowered  }
0x9b: {  	s7 =	simm.s32 $0x1BFF;
	s21 =	sshll.u32 s6, $0x1;
	s4 =	sadd.s32 s4, s20  }
0x9c: {  	s22 =	simm.s32 $0x0;
	s5 =	sshll.u32 s5, $0x1;
	s6 =	sadd.s32 s21, s4  }
0x9d: {  	[timem:s22], [sflag:s7] =	dma.local [hbm:s6], s5  }
0x9e: {  	_ =	swait.ge [sflag:s7], s5  }
0x9f: {  	s5 =	ssub.s32 $0x0, s5;
	[sflag:s7] =	ssyncset.done $0x0  }
0xa0: {  	[sflag:s7] =	ssyncadd.s32 s5;
	_ =	sdelay $0x1  }
0xa1: {  	s23 =	simm.s32 $0x1B8B  }
0xa2: {  	_ =	swait.ge [sflag:s23], $0x1  }
0xa3: {  	[sflag:s23] =	ssyncset.done $0x0  }
0xa4: {  	[sflag:s23] =	ssyncadd.s32 $0xFFFFFFFF  }
0xa5: {  	s5 =	sld [smem:$0x0]  }
0xa6: {  	s6 =	sand.u32 $0xFFFFFFFE, s1  }
0xa7: {  	p0 =	sne.s32 s1, s6  }
0xa8: {  	s6 =	sshll.u32 @p0 s6, $0xE  }
0xa9: {  	s6 =	sadd.s32 @p0 $0x11B8D, s6;
	s7 =	sshll.u32 @p0 s5, $0x11  }
0xaa: {  	s6 =	sor.u32 @p0 s7, s6  }
0xab: {  	[sflag:s6] =	ssyncadd.remote.s32 @p0 $0x1;
	_ =	sdelay $0x1  }
0xac: {  	s6 =	simm.s32 @p0 $0x1B8D  }
0xad: {  	_ =	swait.eq @p0 [sflag:s6], $0x1  }
0xae: {  	[sflag:s6] =	ssyncadd.s32 @p0 $0xFFFFFFFF  }
0xaf: {  	s7 =	sshll.u32 @!p0 s1, $0xE  }
0xb0: {  	s7 =	sor.u32 @!p0 $0x4000, s7;
	s6 =	simm.s32 @!p0 $0x1B8D  }
0xb1: {  	s5 =	sshll.u32 @!p0 s5, $0x11;
	s7 =	sadd.s32 @!p0 $0x11B8D, s7;
	_ =	swait.eq @!p0 [sflag:s6], $0x1  }
0xb2: {  	s5 =	sor.u32 @!p0 s5, s7;
	[sflag:s6] =	ssyncadd.s32 @!p0 $0xFFFFFFFF  }
0xb3: {  	s25 =	simm.s32 $0x1B8E;
	s24 =	sld [smem:$0x3FFE];
	[sflag:s5] =	ssyncadd.remote.s32 @!p0 $0x1  }
0xb4: {  	s26 =	simm.s32 $execute0_lowered;
	[smem:$0x3FD2] =	sst s25  }
0xb5: {  	s6 =	sshll.u32 s26, $0x1;
	_ =	strace $0x80000049;
	[dreg:$0x1] =	wrdreg $0xFFFFFFFF  }
0xb6: {  	s28 =	simm.s32 $_size_execute0_lowered;
	s4 =	sadd.s32 s4, s6;
	[dreg:$0x0] =	wrdreg $0x0  }
0xb7: {  	s6 =	sshll.u32 s28, $0x1;
	[dreg:$0x2] =	wrdreg s4  }
0xb8: {  	[dreg:$0x3] =	wrdreg s6  }
0xb9: {  	[dreg:$0x4] =	wrdreg $0xC0  }
0xba: {  	_ =	task [dreg:s22], $0x5FFFF  }
0xbb: {  	[dreg:$0x1] =	wrdreg $0xFFFFFFFF  }
0xbc: {  	[dreg:$0x0] =	wrdreg $0x60  }
0xbd: {  	[dreg:$0x2] =	wrdreg s18  }
0xbe: {  	[dreg:$0x3] =	wrdreg s24  }
0xbf: {  	[dreg:$0x4] =	wrdreg $0xA  }
0xc0: {  	_ =	task.clear_ibuf [dreg:s22], $0x5FFFF;
	_ =	strace $0x90000049  }
0xc1: {  	s29 =	simm.s32 $0xA;
	_ =	strace $0x8000004B  }
0xc2: {  	_ =	swait.ge [sflag:s29], $0x1  }
0xc3: {  	[sflag:s29] =	ssyncadd.s32 $0xFFFFFFFF  }
0xc4: {  	_ =	strace $0x9000004B  }
0xc5: {  	_ =	sfence  }
0xc6: {  	s30 =	sld [smem:$0x0];
	_ =	sdelay $0x2  }
0xc7: {  	s31 =	sshll.u32 s1, $0xD;
	s1 =	sshrl.u32 s1, $0x2  }
0xc8: {  	s4 =	sand.u32 $0x4000, s31;
	s1 =	sadd.s32 s1, s30  }
0xc9: {  	s0 =	sor.u32 s4, s0;
	s1 =	sshll.u32 s1, $0x11  }
0xca: {  	s0 =	sor.u32 s1, s0  }
0xcb: {  	s0 =	sadd.s32 $0x8F2B, s0  }
0xcc: {  	[sflag:s0] =	ssyncadd.remote.s32 $0x1  }
0xcd: {  	_ =	sfence.sel $0xFFFF  }
0xce: {  	[dreg:$0x0] =	wrdreg $0xFFFFFFFF;
	(pc) =	sbr.abs _section_cstart, $3  }
0xcf: {  	[dreg:$0x1] =	wrdreg $0xFFFFFFFF  }
0xd0: {  	_ =	task.clear_ibuf [dreg:s22], $0x2FFFF;
	_ =	strace $0x9FFFFFFF  }
0xd1: {  	(tm) =	ssettm $0x7FFFFFFF  }
tec
execute0_lowered:
.L_overlay_start_1:
0x0: {  	(tag) =	ssettag $0x1  }
0x1: {  	s0 =	srdreg.scid  }
0x2: {  	s10 =	stileid.u32;
	s2 =	rddreg [dreg:$0x0]  }
0x3: {  	s4 =	rddreg [dreg:$0x1];
	s3 =	simm.s32 $0x0;
	s13 =	simm.s32 $0x9100  }
0x4: {  	s14 =	simm.s32 $0x9900;
	s15 =	simm.s32 $0xA100;
	s16 =	simm.s32 $0xA900  }
0x5: {  	s17 =	simm.s32 $0xB100;
	s18 =	simm.s32 $0xB900;
	s19 =	simm.s32 $0xC100  }
0x6: {  	s20 =	simm.s32 $0xC900;
	s21 =	simm.s32 $0xD100;
	[smem:$0x7FF] =	sst s3  }
0x7: {  	s22 =	simm.s32 $0xD900;
	_ =	strace $0x8000004A;
	[dreg:$0x6] =	wrdreg s13  }
0x8: {  	s23 =	simm.s32 $0xE100;
	s24 =	simm.s32 $0xE900;
	[dreg:$0x7] =	wrdreg s14  }
0x9: {  	s28 =	simm.s32 $0x6900;
	s29 =	simm.s32 $0x7100;
	[dreg:$0x8] =	wrdreg s15  }
0xa: {  	s30 =	simm.s32 $0x7900;
	s31 =	simm.s32 $0x8100;
	[dreg:$0x9] =	wrdreg s16  }
0xb: {  	s0 =	sand.u32 $0x1, s0;
	s1 =	sshll.u32 s10, $0x1;
	[dreg:$0xa] =	wrdreg s17  }
0xc: {  	s7 =	smul.u32 $0xA0000, s10;
	s9 =	sadd.s32 $0x143000, s4;
	[dreg:$0xb] =	wrdreg s18  }
0xd: {  	s25 =	smul.u32 $0x14000, s10;
	s11 =	sadd.s32 $0x700, s2;
	[dreg:$0xc] =	wrdreg s19  }
0xe: {  	s1 =	sor.u32 s0, s1;
	s8 =	smul.u32 $0x50000, s0;
	[dreg:$0xd] =	wrdreg s20  }
0xf: {  	s5 =	ssub.s32 $0x2, s0;
	s0 =	smul.u32 $0xA000, s0;
	[dreg:$0xe] =	wrdreg s21  }
0x10: {  	s13 =	simm.s32 $0x5;
	s14 =	simm.s32 $0x100;
	[dreg:$0xf] =	wrdreg s22  }
0x11: {  	s22 =	simm.s32 $0x4100;
	[dreg:$0x10] =	wrdreg s23;
	s23 =	simm.s32 $0x4900  }
0x12: {  	[dreg:$0x11] =	wrdreg s24;
	s24 =	simm.s32 $0x5100;
	s15 =	simm.s32 $0x3  }
0x13: {  	s16 =	simm.s32 $0x4;
	s17 =	simm.s32 $0x0;
	s6 =	sshrl.u32 s5, $0x1  }
0x14: {  	s1 =	smul.u32 $0xA0, s1;
	s12 =	ssub.s32 s5, s6;
	s5 =	sadd.s32 $0x100, s2  }
0x15: {  	s6 =	sadd.s32 $0x200, s2;
	s8 =	sadd.s32 s8, s7;
	s7 =	sadd.s32 $0x300, s2  }
0x16: {  	s1 =	sshrl.u32 s1, $0x3;
	s26 =	sshrl.u32 s8, $0x3;
	s8 =	sadd.s32 $0x400, s2  }
0x17: {  	s12 =	smax.u32 s12, $0x1;
	s1 =	sadd.s32 s1, s4;
	s10 =	sadd.s32 s26, s9  }
0x18: {  	s26 =	simm.s32 $0xF900;
	s4 =	sadd.s32 $0x142C00, s1;
	s1 =	sadd.s32 s25, s9  }
0x19: {  	s9 =	sadd.s32 $0x500, s2;
	[dreg:$0x3] =	wrdreg s10;
	s10 =	sadd.s32 $0x600, s2  }
0x1a: {  	s25 =	simm.s32 $0xF100;
	[dreg:$0x13] =	wrdreg s26;
	s26 =	simm.s32 $0x6100  }
0x1b: {  	v2 =	vlaneseq.u32;
	s0 =	sadd.s32 s0, s1;
	s1 =	simm.s32 $0x8900;
	[dreg:$0x12] =	wrdreg s25  }
0x1c: {  	vm0 =	vmmov $0xffff;
	v1 =	vshrl.u32 v2, $0x3;
	s25 =	simm.s32 $0x5900;
	s0 =	sadd.s32 $0x1000, s0;
	[dreg:$0x5] =	wrdreg s1  }
0x1d: {  	v0 =	vand.u32 $0x7, v2;
	v2 =	vor.u32 $0x8, v2;
	v1 =	vmul.u32 $0x8, v1;
	s1 =	simm.s32 $0x1;
	[dreg:$0x4] =	wrdreg s0;
	s0 =	simm.s32 $0x2  }
.LBB2_1:
0x1e: {  	[tilespmem:s3], [sflag:$0x5] =	stream.linear.gather [hbm4b:s4+s3], $0xA0, $0x38;
	[tilespmem:$0x10100] =	vst v63  }
0x1f: {  	_ =	swait.ge [sflag:s13], $0xA0  }
0x20: {  	[sflag:s13] =	ssyncset.done $0x0  }
0x21: {  	[sflag:s13] =	ssyncadd.s32 $0xFFFFFF60  }
0x22: {  	v3 =	vld [tilespmem:$0x0];
	_ =	sdelay $0x4  }
0x23: {  	v4 =	vshll.u32 v3, $0x4  }
0x24: {  	v3 =	vand.u32 $0x7, v3;
	v4 =	vand.u32 $0xFFFFFF80, v4  }
0x25: {  	v3 =	vor.u32 v3, v4  }
0x26: {  	v4 =	vperm.xlane v3, v0;
	_ =	sdelay $0x1  }
0x27: {  	v4 =	vadd.s32 v1, v4;
	_ =	sdelay $0x4  }
0x28: {  	[tilespmem:s14], [sflag:$0x1] =	stream.indirect_vreg.gather [hbm4b:s2+s3], $0x80, v4, vm0, $0xb8;
	[tilespmem:$0x10100] =	vst v63  }
0x29: {  	s18 =	simm.s32 $0x900  }
0x2a: {  	[tilespmem:s18], [sflag:$0x1] =	stream.indirect_vreg.gather [hbm4b:s5+s3], $0x80, v4, vm0, $0xb8;
	[tilespmem:$0x10100] =	vst v63  }
0x2b: {  	s19 =	simm.s32 $0x1100  }
0x2c: {  	[tilespmem:s19], [sflag:$0x1] =	stream.indirect_vreg.gather [hbm4b:s6+s3], $0x80, v4, vm0, $0xb8;
	[tilespmem:$0x10100] =	vst v63  }
0x2d: {  	s20 =	simm.s32 $0x1900  }
0x2e: {  	[tilespmem:s20], [sflag:$0x1] =	stream.indirect_vreg.gather [hbm4b:s7+s3], $0x80, v4, vm0, $0xb8;
	[tilespmem:$0x10100] =	vst v63  }
0x2f: {  	s21 =	simm.s32 $0x2100  }
0x30: {  	[tilespmem:s21], [sflag:$0x1] =	stream.indirect_vreg.gather [hbm4b:s8+s3], $0x80, v4, vm0, $0xb8;
	[tilespmem:$0x10100] =	vst v63  }
0x31: {  	v3 =	vperm.xlane v3, v2;
	s19 =	simm.s32 $0x2900  }
0x32: {  	[tilespmem:s19], [sflag:$0x1] =	stream.indirect_vreg.gather [hbm4b:s9+s3], $0x80, v4, vm0, $0xb8;
	[tilespmem:$0x10100] =	vst v63  }
0x33: {  	v3 =	vadd.s32 v1, v3;
	s20 =	simm.s32 $0x3100  }
0x34: {  	[tilespmem:s20], [sflag:$0x1] =	stream.indirect_vreg.gather [hbm4b:s10+s3], $0x80, v4, vm0, $0xb8;
	[tilespmem:$0x10100] =	vst v63  }
0x35: {  	s21 =	simm.s32 $0x3900  }
0x36: {  	[tilespmem:s21], [sflag:$0x1] =	stream.indirect_vreg.gather [hbm4b:s11+s3], $0x80, v4, vm0, $0xb8;
	[tilespmem:$0x10100] =	vst v63  }
0x37: {  	_ = 	snop  }
0x38: {  	[tilespmem:s22], [sflag:$0x1] =	stream.indirect_vreg.gather [hbm4b:s2+s3], $0x80, v3, vm0, $0xb8;
	[tilespmem:$0x10100] =	vst v63  }
0x39: {  	_ = 	snop  }
0x3a: {  	[tilespmem:s23], [sflag:$0x1] =	stream.indirect_vreg.gather [hbm4b:s5+s3], $0x80, v3, vm0, $0xb8;
	[tilespmem:$0x10100] =	vst v63  }
0x3b: {  	_ = 	snop  }
0x3c: {  	[tilespmem:s24], [sflag:$0x1] =	stream.indirect_vreg.gather [hbm4b:s6+s3], $0x80, v3, vm0, $0xb8;
	[tilespmem:$0x10100] =	vst v63  }
0x3d: {  	_ = 	snop  }
0x3e: {  	[tilespmem:s25], [sflag:$0x1] =	stream.indirect_vreg.gather [hbm4b:s7+s3], $0x80, v3, vm0, $0xb8;
	[tilespmem:$0x10100] =	vst v63  }
0x3f: {  	_ = 	snop  }
0x40: {  	[tilespmem:s26], [sflag:$0x1] =	stream.indirect_vreg.gather [hbm4b:s8+s3], $0x80, v3, vm0, $0xb8;
	[tilespmem:$0x10100] =	vst v63  }
0x41: {  	_ = 	snop  }
0x42: {  	[tilespmem:s28], [sflag:$0x1] =	stream.indirect_vreg.gather [hbm4b:s9+s3], $0x80, v3, vm0, $0xb8;
	[tilespmem:$0x10100] =	vst v63  }
0x43: {  	_ = 	snop  }
0x44: {  	[tilespmem:s29], [sflag:$0x1] =	stream.indirect_vreg.gather [hbm4b:s10+s3], $0x80, v3, vm0, $0xb8;
	[tilespmem:$0x10100] =	vst v63  }
0x45: {  	s18 =	simm.s32 $0x20;
	s19 =	simm.s32 $0x0  }
0x46: {  	[tilespmem:s30], [sflag:$0x1] =	stream.indirect_vreg.gather [hbm4b:s11+s3], $0x80, v3, vm0, $0xb8;
	[tilespmem:$0x10100] =	vst v63  }
.LBB2_2:
0x47: {  	p0 =	seq.s32 s19, $0x0  }
0x48: {  	s20 =	simm.s32 @!p0 $0x4  }
0x49: {  	_ =	swait.ge @!p0 [sflag:s20], $0x8000  }
0x4a: {  	[sflag:s20] =	ssyncset.done @!p0 $0x0  }
0x4b: {  	[sflag:s20] =	ssyncadd.s32 @!p0 $0xFFFF8000  }
0x4c: {  	v3 =	vld [tilespmem:s18+$0xFFFFFFF0];
	_ =	sdelay $0x4  }
0x4d: {  	v4 =	vshll.u32 v3, $0x4  }
0x4e: {  	v3 =	vand.u32 $0x7, v3;
	v4 =	vand.u32 $0xFFFFFF80, v4  }
0x4f: {  	v3 =	vor.u32 v3, v4  }
0x50: {  	v4 =	vperm.xlane v3, v0;
	_ =	sdelay $0x1  }
0x51: {  	v4 =	vadd.s32 v1, v4;
	_ =	sdelay $0x4  }
0x52: {  	[tilespmem:s31], [sflag:$0x2] =	stream.indirect_vreg.gather [hbm4b:s2+s3], $0x80, v4, vm0, $0xb8;
	[tilespmem:$0x10100] =	vst v63  }
0x53: {  	s20 =	rddreg [dreg:$0x5]  }
0x54: {  	[tilespmem:s20], [sflag:$0x2] =	stream.indirect_vreg.gather [hbm4b:s5+s3], $0x80, v4, vm0, $0xb8;
	[tilespmem:$0x10100] =	vst v63  }
0x55: {  	s21 =	rddreg [dreg:$0x6]  }
0x56: {  	[tilespmem:s21], [sflag:$0x2] =	stream.indirect_vreg.gather [hbm4b:s6+s3], $0x80, v4, vm0, $0xb8;
	[tilespmem:$0x10100] =	vst v63  }
0x57: {  	s20 =	rddreg [dreg:$0x7]  }
0x58: {  	[tilespmem:s20], [sflag:$0x2] =	stream.indirect_vreg.gather [hbm4b:s7+s3], $0x80, v4, vm0, $0xb8;
	[tilespmem:$0x10100] =	vst v63  }
0x59: {  	s21 =	rddreg [dreg:$0x8]  }
0x5a: {  	[tilespmem:s21], [sflag:$0x2] =	stream.indirect_vreg.gather [hbm4b:s8+s3], $0x80, v4, vm0, $0xb8;
	[tilespmem:$0x10100] =	vst v63  }
0x5b: {  	v3 =	vperm.xlane v3, v2;
	s20 =	rddreg [dreg:$0x9]  }
0x5c: {  	[tilespmem:s20], [sflag:$0x2] =	stream.indirect_vreg.gather [hbm4b:s9+s3], $0x80, v4, vm0, $0xb8;
	[tilespmem:$0x10100] =	vst v63  }
0x5d: {  	v3 =	vadd.s32 v1, v3;
	s21 =	rddreg [dreg:$0xa]  }
0x5e: {  	[tilespmem:s21], [sflag:$0x2] =	stream.indirect_vreg.gather [hbm4b:s10+s3], $0x80, v4, vm0, $0xb8;
	[tilespmem:$0x10100] =	vst v63  }
0x5f: {  	s20 =	rddreg [dreg:$0xb]  }
0x60: {  	[tilespmem:s20], [sflag:$0x2] =	stream.indirect_vreg.gather [hbm4b:s11+s3], $0x80, v4, vm0, $0xb8;
	[tilespmem:$0x10100] =	vst v63  }
0x61: {  	s21 =	rddreg [dreg:$0xc]  }
0x62: {  	[tilespmem:s21], [sflag:$0x2] =	stream.indirect_vreg.gather [hbm4b:s2+s3], $0x80, v3, vm0, $0xb8;
	[tilespmem:$0x10100] =	vst v63  }
0x63: {  	s20 =	rddreg [dreg:$0xd]  }
0x64: {  	[tilespmem:s20], [sflag:$0x2] =	stream.indirect_vreg.gather [hbm4b:s5+s3], $0x80, v3, vm0, $0xb8;
	[tilespmem:$0x10100] =	vst v63  }
0x65: {  	s21 =	rddreg [dreg:$0xe]  }
0x66: {  	[tilespmem:s21], [sflag:$0x2] =	stream.indirect_vreg.gather [hbm4b:s6+s3], $0x80, v3, vm0, $0xb8;
	[tilespmem:$0x10100] =	vst v63  }
0x67: {  	s20 =	rddreg [dreg:$0xf]  }
0x68: {  	[tilespmem:s20], [sflag:$0x2] =	stream.indirect_vreg.gather [hbm4b:s7+s3], $0x80, v3, vm0, $0xb8;
	[tilespmem:$0x10100] =	vst v63  }
0x69: {  	s21 =	rddreg [dreg:$0x10]  }
0x6a: {  	[tilespmem:s21], [sflag:$0x2] =	stream.indirect_vreg.gather [hbm4b:s8+s3], $0x80, v3, vm0, $0xb8;
	[tilespmem:$0x10100] =	vst v63  }
0x6b: {  	s20 =	rddreg [dreg:$0x11]  }
0x6c: {  	[tilespmem:s20], [sflag:$0x2] =	stream.indirect_vreg.gather [hbm4b:s9+s3], $0x80, v3, vm0, $0xb8;
	[tilespmem:$0x10100] =	vst v63  }
0x6d: {  	s21 =	rddreg [dreg:$0x12]  }
0x6e: {  	[tilespmem:s21], [sflag:$0x2] =	stream.indirect_vreg.gather [hbm4b:s10+s3], $0x80, v3, vm0, $0xb8;
	[tilespmem:$0x10100] =	vst v63  }
0x6f: {  	s20 =	rddreg [dreg:$0x13]  }
0x70: {  	[tilespmem:s20], [sflag:$0x2] =	stream.indirect_vreg.gather [hbm4b:s11+s3], $0x80, v3, vm0, $0xb8;
	[tilespmem:$0x10100] =	vst v63  }
0x71: {  	_ =	swait.ge [sflag:s1], $0x8000  }
0x72: {  	s21 =	rddreg [dreg:$0x3];
	[sflag:s1] =	ssyncset.done $0x0  }
0x73: {  	p0 =	seq.s32 s19, $0x8000;
	[sflag:s1] =	ssyncadd.s32 $0xFFFF8000;
	s20 =	sadd.s32 s19, s21  }
0x74: {  	[hbm4b:s20+s3] =	stream.linear.scatter [tilespmem:s14], [sflag:$0x3], $0x8000, $0x38;
	[tilespmem:$0x10100] =	vst v63  }
0x75: {  	s20 =	simm.s32 @!p0 $0x3  }
0x76: {  	_ =	swait.ge @!p0 [sflag:s20], $0x8000  }
0x77: {  	[sflag:s20] =	ssyncset.done @!p0 $0x0  }
0x78: {  	[sflag:s20] =	ssyncadd.s32 @!p0 $0xFFFF8000  }
0x79: {  	v3 =	vld @!p0 [tilespmem:s18+$0x0];
	_ =	sdelay $0x4  }
0x7a: {  	v4 =	vshll.u32 @!p0 v3, $0x4  }
0x7b: {  	v5 =	vlaneseq.u32 @!p0;
	v3 =	vand.u32 @!p0 $0x7, v3;
	v4 =	vand.u32 @!p0 $0xFFFFFF80, v4  }
0x7c: {  	v6 =	vshrl.u32 @!p0 v5, $0x3;
	v3 =	vor.u32 @!p0 v3, v4;
	v4 =	vand.u32 @!p0 $0x7, v5  }
0x7d: {  	v6 =	vmul.u32 @!p0 $0x8, v6;
	v4 =	vperm.xlane @!p0 v3, v4;
	_ =	sdelay $0x1  }
0x7e: {  	v4 =	vadd.s32 @!p0 v6, v4;
	_ =	sdelay $0x3  }
0x7f: {  	vm1 =	vmmov @!p0 $0xffff;
	s21 =	simm.s32 @!p0 $0x100;
	s20 =	simm.s32 @!p0 $0x0  }
0x80: {  	[tilespmem:s21], [sflag:$0x1] =	stream.indirect_vreg.gather @!p0 [hbm4b:s2+s20], $0x80, v4, vm1, $0xb8;
	[tilespmem:$0x10100] =	vst v63  }
0x81: {  	s21 =	simm.s32 @!p0 $0x900  }
0x82: {  	[tilespmem:s21], [sflag:$0x1] =	stream.indirect_vreg.gather @!p0 [hbm4b:s5+s20], $0x80, v4, vm1, $0xb8;
	[tilespmem:$0x10100] =	vst v63  }
0x83: {  	s21 =	simm.s32 @!p0 $0x1100  }
0x84: {  	[tilespmem:s21], [sflag:$0x1] =	stream.indirect_vreg.gather @!p0 [hbm4b:s6+s20], $0x80, v4, vm1, $0xb8;
	[tilespmem:$0x10100] =	vst v63  }
0x85: {  	s21 =	simm.s32 @!p0 $0x1900  }
0x86: {  	[tilespmem:s21], [sflag:$0x1] =	stream.indirect_vreg.gather @!p0 [hbm4b:s7+s20], $0x80, v4, vm1, $0xb8;
	[tilespmem:$0x10100] =	vst v63  }
0x87: {  	s21 =	simm.s32 @!p0 $0x2100  }
0x88: {  	v5 =	vor.u32 @!p0 $0x8, v5;
	[tilespmem:s21], [sflag:$0x1] =	stream.indirect_vreg.gather @!p0 [hbm4b:s8+s20], $0x80, v4, vm1, $0xb8;
	[tilespmem:$0x10100] =	vst v63  }
0x89: {  	v3 =	vperm.xlane @!p0 v3, v5;
	s21 =	simm.s32 @!p0 $0x2900  }
0x8a: {  	[tilespmem:s21], [sflag:$0x1] =	stream.indirect_vreg.gather @!p0 [hbm4b:s9+s20], $0x80, v4, vm1, $0xb8;
	[tilespmem:$0x10100] =	vst v63  }
0x8b: {  	v3 =	vadd.s32 @!p0 v6, v3;
	s21 =	simm.s32 @!p0 $0x3100  }
0x8c: {  	[tilespmem:s21], [sflag:$0x1] =	stream.indirect_vreg.gather @!p0 [hbm4b:s10+s20], $0x80, v4, vm1, $0xb8;
	[tilespmem:$0x10100] =	vst v63  }
0x8d: {  	s21 =	simm.s32 @!p0 $0x3900  }
0x8e: {  	[tilespmem:s21], [sflag:$0x1] =	stream.indirect_vreg.gather @!p0 [hbm4b:s11+s20], $0x80, v4, vm1, $0xb8;
	[tilespmem:$0x10100] =	vst v63  }
0x8f: {  	s21 =	simm.s32 @!p0 $0x4100  }
0x90: {  	[tilespmem:s21], [sflag:$0x1] =	stream.indirect_vreg.gather @!p0 [hbm4b:s2+s20], $0x80, v3, vm1, $0xb8;
	[tilespmem:$0x10100] =	vst v63  }
0x91: {  	s21 =	simm.s32 @!p0 $0x4900  }
0x92: {  	[tilespmem:s21], [sflag:$0x1] =	stream.indirect_vreg.gather @!p0 [hbm4b:s5+s20], $0x80, v3, vm1, $0xb8;
	[tilespmem:$0x10100] =	vst v63  }
0x93: {  	s21 =	simm.s32 @!p0 $0x5100  }
0x94: {  	[tilespmem:s21], [sflag:$0x1] =	stream.indirect_vreg.gather @!p0 [hbm4b:s6+s20], $0x80, v3, vm1, $0xb8;
	[tilespmem:$0x10100] =	vst v63  }
0x95: {  	s21 =	simm.s32 @!p0 $0x5900  }
0x96: {  	[tilespmem:s21], [sflag:$0x1] =	stream.indirect_vreg.gather @!p0 [hbm4b:s7+s20], $0x80, v3, vm1, $0xb8;
	[tilespmem:$0x10100] =	vst v63  }
0x97: {  	s21 =	simm.s32 @!p0 $0x6100  }
0x98: {  	[tilespmem:s21], [sflag:$0x1] =	stream.indirect_vreg.gather @!p0 [hbm4b:s8+s20], $0x80, v3, vm1, $0xb8;
	[tilespmem:$0x10100] =	vst v63  }
0x99: {  	s21 =	simm.s32 @!p0 $0x6900  }
0x9a: {  	[tilespmem:s21], [sflag:$0x1] =	stream.indirect_vreg.gather @!p0 [hbm4b:s9+s20], $0x80, v3, vm1, $0xb8;
	[tilespmem:$0x10100] =	vst v63  }
0x9b: {  	s21 =	simm.s32 @!p0 $0x7100  }
0x9c: {  	[tilespmem:s21], [sflag:$0x1] =	stream.indirect_vreg.gather @!p0 [hbm4b:s10+s20], $0x80, v3, vm1, $0xb8;
	[tilespmem:$0x10100] =	vst v63  }
0x9d: {  	s21 =	simm.s32 @!p0 $0x7900  }
0x9e: {  	[tilespmem:s21], [sflag:$0x1] =	stream.indirect_vreg.gather @!p0 [hbm4b:s11+s20], $0x80, v3, vm1, $0xb8;
	[tilespmem:$0x10100] =	vst v63  }
0x9f: {  	_ =	swait.ge [sflag:s0], $0x8000  }
0xa0: {  	s21 =	rddreg [dreg:$0x4]  }
0xa1: {  	s20 =	sadd.s32 s19, s21;
	s19 =	sadd.s32 $0x2000, s19  }
0xa2: {  	p0 =	sne.s32 s19, $0xA000  }
.Ltmp0:
0xa3: {  	_ = 	snop;
	(pc) =	sbr.rel @p0 .LBB2_2-.Ltmp0, $4  }
0xa4: {  	_ = 	snop  }
0xa5: {  	[sflag:s0] =	ssyncset.done $0x0  }
0xa6: {  	s18 =	sadd.s32 $0x20, s18;
	[sflag:s0] =	ssyncadd.s32 $0xFFFF8000  }
0xa7: {  	[hbm4b:s20+s3] =	stream.linear.scatter [tilespmem:s31], [sflag:$0x4], $0x8000, $0x38;
	[tilespmem:$0x10100] =	vst v63  }
0xa8: {  	s17 =	sadd.s32 $0x1, s17  }
0xa9: {  	_ =	swait.ge [sflag:s15], $0x8000;
	p0 =	sne.s32 s17, s12  }
.Ltmp1:
0xaa: {  	[sflag:s15] =	ssyncset.done $0x0;
	(pc) =	sbr.rel @p0 .LBB2_1-.Ltmp1, $4  }
0xab: {  	[sflag:s15] =	ssyncadd.s32 $0xFFFF8000  }
0xac: {  	_ =	swait.ge [sflag:s16], $0x8000  }
0xad: {  	[sflag:s16] =	ssyncset.done $0x0  }
0xae: {  	[sflag:s16] =	ssyncadd.s32 $0xFFFF8000  }
0xaf: {  	_ =	sfence.sel $0x180000  }
0xb0: {  	[bflag:$0x0] =	sbarrier.arrive $0xFFFF  }
0xb1: {  	_ =	strace $0x9000004A  }
0xb2: {  	s0 =	stileid.u32;
	[bflag:$0x2] =	sbarrier.arrive $0xFFFF  }
0xb3: {  	p0 =	sne.s32 s0, $0x0;
	s0 =	rddreg [dreg:$0x2]  }
0xb4: {  	s0 =	sadd.s32 @!p0 $0x100000, s0  }
0xb5: {  	[sflag:s0] =	ssyncadd.tile.s32 @!p0 $0x1;
	_ =	shalt  }
.Lfunc_end2:
_tile_overlayer_lowered:
.L_overlay_start_2:
0xb6: {  	(tag) =	ssettag $0x2  }
0xb7: {  	s0 =	rddreg [dreg:$0x0];
	s2 =	stileid.u32  }
0xb8: {  	s1 =	rddreg [dreg:$0x1];
	p0 =	sne.s32 s2, $0x0  }
0xb9: {  	s3 =	rddreg [dreg:$0x2];
	[bflag:$0x3] =	sbarrier.arrive $0xFFFF;
	s2 =	simm.s32 @!p0 $0x1C05  }
0xba: {  	[timem:s3], [sflag:s2] =	dma.local @!p0 [hbm:s0], s1  }
0xbb: {  	s0 =	simm.s32 @!p0 $0x5  }
0xbc: {  	_ =	swait.ge @!p0 [sflag:s0], s1  }
0xbd: {  	s1 =	ssub.s32 @!p0 $0x0, s1;
	[sflag:s0] =	ssyncset.done @!p0 $0x0  }
0xbe: {  	[sflag:s0] =	ssyncadd.s32 @!p0 s1  }
0xbf: {  	[bflag:$0x3] =	sbarrier.arrive $0xFFFF  }
0xc0: {  	_ =	shalt  }

// kernel: kernel.16.cloned.1.call-start
scs
__scs_entry_jumppad:
0x0: {  	(pc) =	sbr.rel $0x88, $3  }
0x1: {  	(tag) =	ssettag $0x0;
	lr =	simm.s32 $0x1  }
0x2: {  	[smem:$0x3F9B] =	sst lr;
	_ =	strace $0xD0000000  }
0x3: {  	_ = 	snop  }
0x4: {  	_ = 	snop  }
0x5: {  	_ = 	snop  }
0x6: {  	_ = 	snop  }
0x7: {  	_ = 	snop  }
__scs_overlays_trampoline_lowered:
0x8: {  	[smem:$0x3FAA] =	sst s0  }
0x9: {  	[smem:$0x3FAB] =	sst s1  }
0xa: {  	[smem:$0x3FAC] =	sst s2  }
0xb: {  	[smem:$0x3FAD] =	sst s3  }
0xc: {  	[smem:$0x3FAE] =	sst s4  }
0xd: {  	[smem:$0x3FAF] =	sst s5  }
0xe: {  	[smem:$0x3FB0] =	sst s6  }
0xf: {  	[smem:$0x3FB1] =	sst s7  }
0x10: {  	[smem:$0x3FB2] =	sst s8  }
0x11: {  	[smem:$0x3FB3] =	sst s9;
	s0 =	simm.s32 @!p0 $0x0  }
0x12: {  	s1 =	sld [smem:$0x3F99];
	s0 =	simm.s32 @p0 $0x1  }
0x13: {  	[smem:$0x3FB4] =	sst s0;
	s0 =	simm.s32 @!p1 $0x0  }
0x14: {  	s2 =	sld [smem:$0x3F98];
	s0 =	simm.s32 @p1 $0x1  }
0x15: {  	[smem:$0x3FB5] =	sst s0;
	s0 =	simm.s32 @!p2 $0x0  }
0x16: {  	s3 =	sld [smem:$0x3FDB];
	s0 =	simm.s32 @p2 $0x1  }
0x17: {  	s4 =	simm.s32 $0x1BF5;
	[smem:$0x3FB7] =	sst s0  }
0x18: {  	s0 =	sld [smem:$0x3F9A];
	_ =	swait.ge [sflag:s4], $0x0  }
0x19: {  	s7 =	sld [smem:$0x3F9B]  }
0x1a: {  	s8 =	sadd.s32 $0xFFFFE003, lr  }
0x1b: {  	s9 =	sadd.s32 $0xFFFFFEF7, lr;
	s5 =	simm.s32 $0xFFFFFFFF;
	p2 =	slt.u32 s8, $0xFFFFF086  }
0x1c: {  	p1 =	slt.u32 s9, $0xF7A;
	s5 =	simm.s32 @!p2 $0x0  }
0x1d: {  	s5 =	simm.s32 @p1 $0x1;
	p0 =	seq.s32 s7, s2  }
0x1e: {  	s7 =	smul.u32 @!p0 $0xF7A, s2;
	p2 =	seq.s32 @!p0 s5, $0x0  }
0x1f: {  	s9 =	smul.u32 $0xF7A, s1;
	s8 =	simm.s32 @!p0 $0x1BF5;
	p2 =	por !p2, p0  }
0x20: {  	[sflag:s8] =	ssyncset.s32 @!p0 $0xFFFFF086;
	s6 =	sadd.s32 @!p0 s3, s7;
	s7 =	simm.s32 @!p0 $0x108  }
0x21: {  	s3 =	sadd.s32 s3, s9;
	s6 =	sadd.s32 @!p0 $0x88, s6;
	s7 =	simm.s32 @p2 $0x1082  }
0x22: {  	[simem:s7], [sflag:s8] =	dma.local @!p0 [hbm:s6], $0xF7A  }
0x23: {  	s9 =	sor.u32 $0xD0000000, s2;
	s6 =	simm.s32 $0x108;
	_ =	swait.ge @!p0 [sflag:s8], $0x0  }
0x24: {  	s3 =	sadd.s32 $0x88, s3;
	s6 =	simm.s32 @!p1 $0x1082;
	[sflag:s4] =	ssyncset.s32 $0xFFFFF086  }
0x25: {  	[simem:s6], [sflag:s4] =	dma.local [hbm:s3], $0xF7A  }
0x26: {  	[smem:$0x3F9B] =	sst s1;
	(tag) =	ssettag s2;
	_ =	strace s9  }
0x27: {  	s1 =	sld [smem:$0x3FAB]  }
0x28: {  	s2 =	sld [smem:$0x3FAC]  }
0x29: {  	s4 =	sld [smem:$0x3FAE]  }
0x2a: {  	p0 =	seq.s32 s5, $0x0;
	s5 =	sld [smem:$0x3FAF]  }
0x2b: {  	s6 =	sld [smem:$0x3FB0]  }
0x2c: {  	s7 =	sld [smem:$0x3FB1]  }
0x2d: {  	s3 =	simm.s32 $0x108;
	s8 =	sld [smem:$0x3FB2]  }
0x2e: {  	s3 =	simm.s32 @!p0 $0x1082;
	s9 =	sld [smem:$0x3FB3]  }
0x2f: {  	lr =	sadd.s32 s0, s3;
	s0 =	sld [smem:$0x3FAA]  }
0x30: {  	s3 =	sld [smem:$0x3FAD]  }
0x31: {  	[smem:$0x3FB6] =	sst s10  }
0x32: {  	s10 =	sld [smem:$0x3FB4];
	_ =	sdelay $0x3  }
0x33: {  	p0 =	seq.s32 s10, $0x1;
	s10 =	sld [smem:$0x3FB6];
	_ =	sdelay $0x3  }
0x34: {  	[smem:$0x3FB6] =	sst s10  }
0x35: {  	s10 =	sld [smem:$0x3FB5];
	_ =	sdelay $0x3  }
0x36: {  	p1 =	seq.s32 s10, $0x1;
	s10 =	sld [smem:$0x3FB6];
	_ =	sdelay $0x3  }
0x37: {  	[smem:$0x3FB6] =	sst s10  }
0x38: {  	s10 =	sld [smem:$0x3FB7]  }
0x39: {  	_ = 	snop;
	(pc) =	sbr.ind lr, $3  }
0x3a: {  	_ = 	snop  }
0x3b: {  	_ = 	snop  }
0x3c: {  	p2 =	seq.s32 s10, $0x1;
	s10 =	sld [smem:$0x3FB6]  }
0x3d: {  	_ =	shalt  }
0x3e: {  	_ =	shalt  }
0x3f: {  	_ =	shalt  }
0x40: {  	_ =	shalt  }
0x41: {  	_ =	shalt  }
0x42: {  	_ =	shalt  }
0x43: {  	_ =	shalt  }
0x44: {  	_ =	shalt  }
0x45: {  	_ =	shalt  }
0x46: {  	_ =	shalt  }
0x47: {  	_ =	shalt  }
0x48: {  	_ =	shalt  }
0x49: {  	_ =	shalt  }
0x4a: {  	_ =	shalt  }
0x4b: {  	_ =	shalt  }
0x4c: {  	_ =	shalt  }
0x4d: {  	_ =	shalt  }
0x4e: {  	_ =	shalt  }
0x4f: {  	_ =	shalt  }
0x50: {  	_ =	shalt  }
0x51: {  	_ =	shalt  }
0x52: {  	_ =	shalt  }
0x53: {  	_ =	shalt  }
0x54: {  	_ =	shalt  }
0x55: {  	_ =	shalt  }
0x56: {  	_ =	shalt  }
0x57: {  	_ =	shalt  }
0x58: {  	_ =	shalt  }
0x59: {  	_ =	shalt  }
0x5a: {  	_ =	shalt  }
0x5b: {  	_ =	shalt  }
0x5c: {  	_ =	shalt  }
0x5d: {  	_ =	shalt  }
0x5e: {  	_ =	shalt  }
0x5f: {  	_ =	shalt  }
0x60: {  	_ =	shalt  }
0x61: {  	_ =	shalt  }
0x62: {  	_ =	shalt  }
0x63: {  	_ =	shalt  }
0x64: {  	_ =	shalt  }
0x65: {  	_ =	shalt  }
0x66: {  	_ =	shalt  }
0x67: {  	_ =	shalt  }
0x68: {  	_ =	shalt  }
0x69: {  	_ =	shalt  }
0x6a: {  	_ =	shalt  }
0x6b: {  	_ =	shalt  }
0x6c: {  	_ =	shalt  }
0x6d: {  	_ =	shalt  }
0x6e: {  	_ =	shalt  }
0x6f: {  	_ =	shalt  }
0x70: {  	_ =	shalt  }
0x71: {  	_ =	shalt  }
0x72: {  	_ =	shalt  }
0x73: {  	_ =	shalt  }
0x74: {  	_ =	shalt  }
0x75: {  	_ =	shalt  }
0x76: {  	_ =	shalt  }
0x77: {  	_ =	shalt  }
0x78: {  	_ =	shalt  }
0x79: {  	_ =	shalt  }
0x7a: {  	_ =	shalt  }
0x7b: {  	_ =	shalt  }
0x7c: {  	_ =	shalt  }
0x7d: {  	_ =	shalt  }
0x7e: {  	_ =	shalt  }
0x7f: {  	_ =	shalt  }
0x80: {  	_ =	shalt  }
0x81: {  	_ =	shalt  }
0x82: {  	_ =	shalt  }
0x83: {  	_ =	shalt  }
0x84: {  	_ =	shalt  }
0x85: {  	_ =	shalt  }
0x86: {  	_ =	shalt  }
0x87: {  	_ =	shalt  }
.Lfunc_end0:
.L_simem_size_0:
called_computation.2_lowered:
.L_overlay_start_0:
0x88: {  	s2 =	sld [smem:$0x3FD9]  }
0x89: {  	s3 =	sld [smem:$0x3FFE];
	_ =	sdelay $0x1  }
0x8a: {  	s1 =	srdreg.scid  }
0x8b: {  	s0 =	sand.u32 $0x1, s1  }
0x8c: {  	s17 =	sshll.u32 s0, $0xA;
	s2 =	sadd.s32 s3, s2  }
0x8d: {  	s2 =	sadd.s32 s2, s17  }
0x8e: {  	[smem:$0x3FC2] =	sst s2  }
0x8f: {  	_ = 	snop  }
0x90: {  	s18 =	sld [smem:$0x3FC8];
	(tm) =	ssettm $0x1  }
0x91: {  	s19 =	sld [smem:$0x3FFB];
	_ =	sdelay $0x3  }
0x92: {  	_ =	strace s19  }
0x93: {  	s2 =	sld [smem:$0x3FFC];
	_ =	sdelay $0x3  }
0x94: {  	_ =	strace s2  }
0x95: {  	s2 =	sld [smem:$0x3FFD];
	_ =	sdelay $0x3  }
0x96: {  	_ =	strace s2  }
0x97: {  	_ =	strace $0x8FFFFFFF  }
0x98: {  	s20 =	sld [smem:$0x3FDB];
	_ =	sdelay $0x1  }
0x99: {  	s4 =	simm.s32 $_scs_section_size  }
0x9a: {  	s5 =	simm.s32 $_size__tile_overlayer_lowered;
	s6 =	simm.s32 $_tile_overlayer_lowered  }
0x9b: {  	s7 =	simm.s32 $0x1BFF;
	s21 =	sshll.u32 s6, $0x1;
	s4 =	sadd.s32 s4, s20  }
0x9c: {  	s22 =	simm.s32 $0x0;
	s5 =	sshll.u32 s5, $0x1;
	s6 =	sadd.s32 s21, s4  }
0x9d: {  	[timem:s22], [sflag:s7] =	dma.local [hbm:s6], s5  }
0x9e: {  	_ =	swait.ge [sflag:s7], s5  }
0x9f: {  	s5 =	ssub.s32 $0x0, s5;
	[sflag:s7] =	ssyncset.done $0x0  }
0xa0: {  	[sflag:s7] =	ssyncadd.s32 s5;
	_ =	sdelay $0x1  }
0xa1: {  	s23 =	simm.s32 $0x1B8B  }
0xa2: {  	_ =	swait.ge [sflag:s23], $0x1  }
0xa3: {  	[sflag:s23] =	ssyncset.done $0x0  }
0xa4: {  	[sflag:s23] =	ssyncadd.s32 $0xFFFFFFFF  }
0xa5: {  	s5 =	sld [smem:$0x0]  }
0xa6: {  	s6 =	sand.u32 $0xFFFFFFFE, s1  }
0xa7: {  	p0 =	sne.s32 s1, s6  }
0xa8: {  	s6 =	sshll.u32 @p0 s6, $0xE  }
0xa9: {  	s6 =	sadd.s32 @p0 $0x11B8D, s6;
	s7 =	sshll.u32 @p0 s5, $0x11  }
0xaa: {  	s6 =	sor.u32 @p0 s7, s6  }
0xab: {  	[sflag:s6] =	ssyncadd.remote.s32 @p0 $0x1;
	_ =	sdelay $0x1  }
0xac: {  	s6 =	simm.s32 @p0 $0x1B8D  }
0xad: {  	_ =	swait.eq @p0 [sflag:s6], $0x1  }
0xae: {  	[sflag:s6] =	ssyncadd.s32 @p0 $0xFFFFFFFF  }
0xaf: {  	s7 =	sshll.u32 @!p0 s1, $0xE  }
0xb0: {  	s7 =	sor.u32 @!p0 $0x4000, s7;
	s6 =	simm.s32 @!p0 $0x1B8D  }
0xb1: {  	s5 =	sshll.u32 @!p0 s5, $0x11;
	s7 =	sadd.s32 @!p0 $0x11B8D, s7;
	_ =	swait.eq @!p0 [sflag:s6], $0x1  }
0xb2: {  	s5 =	sor.u32 @!p0 s5, s7;
	[sflag:s6] =	ssyncadd.s32 @!p0 $0xFFFFFFFF  }
0xb3: {  	s25 =	simm.s32 $0x1B8E;
	s24 =	sld [smem:$0x3FFE];
	[sflag:s5] =	ssyncadd.remote.s32 @!p0 $0x1  }
0xb4: {  	s26 =	simm.s32 $execute0_lowered;
	[smem:$0x3FD2] =	sst s25  }
0xb5: {  	s6 =	sshll.u32 s26, $0x1;
	_ =	strace $0x8000004C;
	[dreg:$0x1] =	wrdreg $0xFFFFFFFF  }
0xb6: {  	s28 =	simm.s32 $_size_execute0_lowered;
	s4 =	sadd.s32 s4, s6;
	[dreg:$0x0] =	wrdreg $0x0  }
0xb7: {  	s6 =	sshll.u32 s28, $0x1;
	[dreg:$0x2] =	wrdreg s4  }
0xb8: {  	[dreg:$0x3] =	wrdreg s6  }
0xb9: {  	[dreg:$0x4] =	wrdreg $0xC0  }
0xba: {  	_ =	task [dreg:s22], $0x5FFFF  }
0xbb: {  	[dreg:$0x1] =	wrdreg $0xFFFFFFFF  }
0xbc: {  	[dreg:$0x0] =	wrdreg $0x60  }
0xbd: {  	[dreg:$0x2] =	wrdreg s18  }
0xbe: {  	[dreg:$0x3] =	wrdreg s24  }
0xbf: {  	[dreg:$0x4] =	wrdreg $0xB  }
0xc0: {  	_ =	task.clear_ibuf [dreg:s22], $0x5FFFF;
	_ =	strace $0x9000004C  }
0xc1: {  	s29 =	simm.s32 $0xB;
	_ =	strace $0x8000004E  }
0xc2: {  	_ =	swait.ge [sflag:s29], $0x1  }
0xc3: {  	[sflag:s29] =	ssyncadd.s32 $0xFFFFFFFF  }
0xc4: {  	_ =	strace $0x9000004E  }
0xc5: {  	_ =	sfence  }
0xc6: {  	s30 =	sld [smem:$0x0];
	_ =	sdelay $0x2  }
0xc7: {  	s31 =	sshll.u32 s1, $0xD;
	s1 =	sshrl.u32 s1, $0x2  }
0xc8: {  	s4 =	sand.u32 $0x4000, s31;
	s1 =	sadd.s32 s1, s30  }
0xc9: {  	s0 =	sor.u32 s4, s0;
	s1 =	sshll.u32 s1, $0x11  }
0xca: {  	s0 =	sor.u32 s1, s0  }
0xcb: {  	s0 =	sadd.s32 $0x8F2B, s0  }
0xcc: {  	[sflag:s0] =	ssyncadd.remote.s32 $0x1  }
0xcd: {  	_ =	sfence.sel $0xFFFF  }
0xce: {  	[dreg:$0x0] =	wrdreg $0xFFFFFFFF;
	(pc) =	sbr.abs _section_cstart, $3  }
0xcf: {  	[dreg:$0x1] =	wrdreg $0xFFFFFFFF  }
0xd0: {  	_ =	task.clear_ibuf [dreg:s22], $0x2FFFF;
	_ =	strace $0x9FFFFFFF  }
0xd1: {  	(tm) =	ssettm $0x7FFFFFFF  }
tec
execute0_lowered:
.L_overlay_start_1:
0x0: {  	(tag) =	ssettag $0x1  }
0x1: {  	s0 =	srdreg.scid  }
0x2: {  	s10 =	stileid.u32;
	s2 =	rddreg [dreg:$0x0]  }
0x3: {  	s4 =	rddreg [dreg:$0x1];
	s3 =	simm.s32 $0x0;
	s13 =	simm.s32 $0x9100  }
0x4: {  	s14 =	simm.s32 $0x9900;
	s15 =	simm.s32 $0xA100;
	s16 =	simm.s32 $0xA900  }
0x5: {  	s17 =	simm.s32 $0xB100;
	s18 =	simm.s32 $0xB900;
	s19 =	simm.s32 $0xC100  }
0x6: {  	s20 =	simm.s32 $0xC900;
	s21 =	simm.s32 $0xD100;
	[smem:$0x7FF] =	sst s3  }
0x7: {  	s22 =	simm.s32 $0xD900;
	_ =	strace $0x8000004D;
	[dreg:$0x6] =	wrdreg s13  }
0x8: {  	s23 =	simm.s32 $0xE100;
	s24 =	simm.s32 $0xE900;
	[dreg:$0x7] =	wrdreg s14  }
0x9: {  	s28 =	simm.s32 $0x6900;
	s29 =	simm.s32 $0x7100;
	[dreg:$0x8] =	wrdreg s15  }
0xa: {  	s30 =	simm.s32 $0x7900;
	s31 =	simm.s32 $0x8100;
	[dreg:$0x9] =	wrdreg s16  }
0xb: {  	s0 =	sand.u32 $0x1, s0;
	s1 =	sshll.u32 s10, $0x1;
	[dreg:$0xa] =	wrdreg s17  }
0xc: {  	s7 =	smul.u32 $0xA0000, s10;
	s9 =	sadd.s32 $0x283000, s4;
	[dreg:$0xb] =	wrdreg s18  }
0xd: {  	s25 =	smul.u32 $0x14000, s10;
	s11 =	sadd.s32 $0x700, s2;
	[dreg:$0xc] =	wrdreg s19  }
0xe: {  	s1 =	sor.u32 s0, s1;
	s8 =	smul.u32 $0x50000, s0;
	[dreg:$0xd] =	wrdreg s20  }
0xf: {  	s5 =	ssub.s32 $0x2, s0;
	s0 =	smul.u32 $0xA000, s0;
	[dreg:$0xe] =	wrdreg s21  }
0x10: {  	s13 =	simm.s32 $0x5;
	s14 =	simm.s32 $0x100;
	[dreg:$0xf] =	wrdreg s22  }
0x11: {  	s22 =	simm.s32 $0x4100;
	[dreg:$0x10] =	wrdreg s23;
	s23 =	simm.s32 $0x4900  }
0x12: {  	[dreg:$0x11] =	wrdreg s24;
	s24 =	simm.s32 $0x5100;
	s15 =	simm.s32 $0x3  }
0x13: {  	s16 =	simm.s32 $0x4;
	s17 =	simm.s32 $0x0;
	s6 =	sshrl.u32 s5, $0x1  }
0x14: {  	s1 =	smul.u32 $0xA0, s1;
	s12 =	ssub.s32 s5, s6;
	s5 =	sadd.s32 $0x100, s2  }
0x15: {  	s6 =	sadd.s32 $0x200, s2;
	s8 =	sadd.s32 s8, s7;
	s7 =	sadd.s32 $0x300, s2  }
0x16: {  	s1 =	sshrl.u32 s1, $0x3;
	s26 =	sshrl.u32 s8, $0x3;
	s8 =	sadd.s32 $0x400, s2  }
0x17: {  	s12 =	smax.u32 s12, $0x1;
	s1 =	sadd.s32 s1, s4;
	s10 =	sadd.s32 s26, s9  }
0x18: {  	s26 =	simm.s32 $0xF900;
	s4 =	sadd.s32 $0x2000, s1;
	s1 =	sadd.s32 s25, s9  }
0x19: {  	s9 =	sadd.s32 $0x500, s2;
	[dreg:$0x3] =	wrdreg s10;
	s10 =	sadd.s32 $0x600, s2  }
0x1a: {  	s25 =	simm.s32 $0xF100;
	[dreg:$0x13] =	wrdreg s26;
	s26 =	simm.s32 $0x6100  }
0x1b: {  	v2 =	vlaneseq.u32;
	s0 =	sadd.s32 s0, s1;
	s1 =	simm.s32 $0x8900;
	[dreg:$0x12] =	wrdreg s25  }
0x1c: {  	vm0 =	vmmov $0xffff;
	v1 =	vshrl.u32 v2, $0x3;
	s25 =	simm.s32 $0x5900;
	s0 =	sadd.s32 $0x1000, s0;
	[dreg:$0x5] =	wrdreg s1  }
0x1d: {  	v0 =	vand.u32 $0x7, v2;
	v2 =	vor.u32 $0x8, v2;
	v1 =	vmul.u32 $0x8, v1;
	s1 =	simm.s32 $0x1;
	[dreg:$0x4] =	wrdreg s0;
	s0 =	simm.s32 $0x2  }
.LBB2_1:
0x1e: {  	[tilespmem:s3], [sflag:$0x5] =	stream.linear.gather [hbm4b:s4+s3], $0xA0, $0x38;
	[tilespmem:$0x10100] =	vst v63  }
0x1f: {  	_ =	swait.ge [sflag:s13], $0xA0  }
0x20: {  	[sflag:s13] =	ssyncset.done $0x0  }
0x21: {  	[sflag:s13] =	ssyncadd.s32 $0xFFFFFF60  }
0x22: {  	v3 =	vld [tilespmem:$0x0];
	_ =	sdelay $0x4  }
0x23: {  	v4 =	vshll.u32 v3, $0x4  }
0x24: {  	v3 =	vand.u32 $0x7, v3;
	v4 =	vand.u32 $0xFFFFFF80, v4  }
0x25: {  	v3 =	vor.u32 v3, v4  }
0x26: {  	v4 =	vperm.xlane v3, v0;
	_ =	sdelay $0x1  }
0x27: {  	v4 =	vadd.s32 v1, v4;
	_ =	sdelay $0x4  }
0x28: {  	[tilespmem:s14], [sflag:$0x1] =	stream.indirect_vreg.gather [hbm4b:s2+s3], $0x80, v4, vm0, $0xb8;
	[tilespmem:$0x10100] =	vst v63  }
0x29: {  	s18 =	simm.s32 $0x900  }
0x2a: {  	[tilespmem:s18], [sflag:$0x1] =	stream.indirect_vreg.gather [hbm4b:s5+s3], $0x80, v4, vm0, $0xb8;
	[tilespmem:$0x10100] =	vst v63  }
0x2b: {  	s19 =	simm.s32 $0x1100  }
0x2c: {  	[tilespmem:s19], [sflag:$0x1] =	stream.indirect_vreg.gather [hbm4b:s6+s3], $0x80, v4, vm0, $0xb8;
	[tilespmem:$0x10100] =	vst v63  }
0x2d: {  	s20 =	simm.s32 $0x1900  }
0x2e: {  	[tilespmem:s20], [sflag:$0x1] =	stream.indirect_vreg.gather [hbm4b:s7+s3], $0x80, v4, vm0, $0xb8;
	[tilespmem:$0x10100] =	vst v63  }
0x2f: {  	s21 =	simm.s32 $0x2100  }
0x30: {  	[tilespmem:s21], [sflag:$0x1] =	stream.indirect_vreg.gather [hbm4b:s8+s3], $0x80, v4, vm0, $0xb8;
	[tilespmem:$0x10100] =	vst v63  }
0x31: {  	v3 =	vperm.xlane v3, v2;
	s19 =	simm.s32 $0x2900  }
0x32: {  	[tilespmem:s19], [sflag:$0x1] =	stream.indirect_vreg.gather [hbm4b:s9+s3], $0x80, v4, vm0, $0xb8;
	[tilespmem:$0x10100] =	vst v63  }
0x33: {  	v3 =	vadd.s32 v1, v3;
	s20 =	simm.s32 $0x3100  }
0x34: {  	[tilespmem:s20], [sflag:$0x1] =	stream.indirect_vreg.gather [hbm4b:s10+s3], $0x80, v4, vm0, $0xb8;
	[tilespmem:$0x10100] =	vst v63  }
0x35: {  	s21 =	simm.s32 $0x3900  }
0x36: {  	[tilespmem:s21], [sflag:$0x1] =	stream.indirect_vreg.gather [hbm4b:s11+s3], $0x80, v4, vm0, $0xb8;
	[tilespmem:$0x10100] =	vst v63  }
0x37: {  	_ = 	snop  }
0x38: {  	[tilespmem:s22], [sflag:$0x1] =	stream.indirect_vreg.gather [hbm4b:s2+s3], $0x80, v3, vm0, $0xb8;
	[tilespmem:$0x10100] =	vst v63  }
0x39: {  	_ = 	snop  }
0x3a: {  	[tilespmem:s23], [sflag:$0x1] =	stream.indirect_vreg.gather [hbm4b:s5+s3], $0x80, v3, vm0, $0xb8;
	[tilespmem:$0x10100] =	vst v63  }
0x3b: {  	_ = 	snop  }
0x3c: {  	[tilespmem:s24], [sflag:$0x1] =	stream.indirect_vreg.gather [hbm4b:s6+s3], $0x80, v3, vm0, $0xb8;
	[tilespmem:$0x10100] =	vst v63  }
0x3d: {  	_ = 	snop  }
0x3e: {  	[tilespmem:s25], [sflag:$0x1] =	stream.indirect_vreg.gather [hbm4b:s7+s3], $0x80, v3, vm0, $0xb8;
	[tilespmem:$0x10100] =	vst v63  }
0x3f: {  	_ = 	snop  }
0x40: {  	[tilespmem:s26], [sflag:$0x1] =	stream.indirect_vreg.gather [hbm4b:s8+s3], $0x80, v3, vm0, $0xb8;
	[tilespmem:$0x10100] =	vst v63  }
0x41: {  	_ = 	snop  }
0x42: {  	[tilespmem:s28], [sflag:$0x1] =	stream.indirect_vreg.gather [hbm4b:s9+s3], $0x80, v3, vm0, $0xb8;
	[tilespmem:$0x10100] =	vst v63  }
0x43: {  	_ = 	snop  }
0x44: {  	[tilespmem:s29], [sflag:$0x1] =	stream.indirect_vreg.gather [hbm4b:s10+s3], $0x80, v3, vm0, $0xb8;
	[tilespmem:$0x10100] =	vst v63  }
0x45: {  	s18 =	simm.s32 $0x20;
	s19 =	simm.s32 $0x0  }
0x46: {  	[tilespmem:s30], [sflag:$0x1] =	stream.indirect_vreg.gather [hbm4b:s11+s3], $0x80, v3, vm0, $0xb8;
	[tilespmem:$0x10100] =	vst v63  }
.LBB2_2:
0x47: {  	p0 =	seq.s32 s19, $0x0  }
0x48: {  	s20 =	simm.s32 @!p0 $0x4  }
0x49: {  	_ =	swait.ge @!p0 [sflag:s20], $0x8000  }
0x4a: {  	[sflag:s20] =	ssyncset.done @!p0 $0x0  }
0x4b: {  	[sflag:s20] =	ssyncadd.s32 @!p0 $0xFFFF8000  }
0x4c: {  	v3 =	vld [tilespmem:s18+$0xFFFFFFF0];
	_ =	sdelay $0x4  }
0x4d: {  	v4 =	vshll.u32 v3, $0x4  }
0x4e: {  	v3 =	vand.u32 $0x7, v3;
	v4 =	vand.u32 $0xFFFFFF80, v4  }
0x4f: {  	v3 =	vor.u32 v3, v4  }
0x50: {  	v4 =	vperm.xlane v3, v0;
	_ =	sdelay $0x1  }
0x51: {  	v4 =	vadd.s32 v1, v4;
	_ =	sdelay $0x4  }
0x52: {  	[tilespmem:s31], [sflag:$0x2] =	stream.indirect_vreg.gather [hbm4b:s2+s3], $0x80, v4, vm0, $0xb8;
	[tilespmem:$0x10100] =	vst v63  }
0x53: {  	s20 =	rddreg [dreg:$0x5]  }
0x54: {  	[tilespmem:s20], [sflag:$0x2] =	stream.indirect_vreg.gather [hbm4b:s5+s3], $0x80, v4, vm0, $0xb8;
	[tilespmem:$0x10100] =	vst v63  }
0x55: {  	s21 =	rddreg [dreg:$0x6]  }
0x56: {  	[tilespmem:s21], [sflag:$0x2] =	stream.indirect_vreg.gather [hbm4b:s6+s3], $0x80, v4, vm0, $0xb8;
	[tilespmem:$0x10100] =	vst v63  }
0x57: {  	s20 =	rddreg [dreg:$0x7]  }
0x58: {  	[tilespmem:s20], [sflag:$0x2] =	stream.indirect_vreg.gather [hbm4b:s7+s3], $0x80, v4, vm0, $0xb8;
	[tilespmem:$0x10100] =	vst v63  }
0x59: {  	s21 =	rddreg [dreg:$0x8]  }
0x5a: {  	[tilespmem:s21], [sflag:$0x2] =	stream.indirect_vreg.gather [hbm4b:s8+s3], $0x80, v4, vm0, $0xb8;
	[tilespmem:$0x10100] =	vst v63  }
0x5b: {  	v3 =	vperm.xlane v3, v2;
	s20 =	rddreg [dreg:$0x9]  }
0x5c: {  	[tilespmem:s20], [sflag:$0x2] =	stream.indirect_vreg.gather [hbm4b:s9+s3], $0x80, v4, vm0, $0xb8;
	[tilespmem:$0x10100] =	vst v63  }
0x5d: {  	v3 =	vadd.s32 v1, v3;
	s21 =	rddreg [dreg:$0xa]  }
0x5e: {  	[tilespmem:s21], [sflag:$0x2] =	stream.indirect_vreg.gather [hbm4b:s10+s3], $0x80, v4, vm0, $0xb8;
	[tilespmem:$0x10100] =	vst v63  }
0x5f: {  	s20 =	rddreg [dreg:$0xb]  }
0x60: {  	[tilespmem:s20], [sflag:$0x2] =	stream.indirect_vreg.gather [hbm4b:s11+s3], $0x80, v4, vm0, $0xb8;
	[tilespmem:$0x10100] =	vst v63  }
0x61: {  	s21 =	rddreg [dreg:$0xc]  }
0x62: {  	[tilespmem:s21], [sflag:$0x2] =	stream.indirect_vreg.gather [hbm4b:s2+s3], $0x80, v3, vm0, $0xb8;
	[tilespmem:$0x10100] =	vst v63  }
0x63: {  	s20 =	rddreg [dreg:$0xd]  }
0x64: {  	[tilespmem:s20], [sflag:$0x2] =	stream.indirect_vreg.gather [hbm4b:s5+s3], $0x80, v3, vm0, $0xb8;
	[tilespmem:$0x10100] =	vst v63  }
0x65: {  	s21 =	rddreg [dreg:$0xe]  }
0x66: {  	[tilespmem:s21], [sflag:$0x2] =	stream.indirect_vreg.gather [hbm4b:s6+s3], $0x80, v3, vm0, $0xb8;
	[tilespmem:$0x10100] =	vst v63  }
0x67: {  	s20 =	rddreg [dreg:$0xf]  }
0x68: {  	[tilespmem:s20], [sflag:$0x2] =	stream.indirect_vreg.gather [hbm4b:s7+s3], $0x80, v3, vm0, $0xb8;
	[tilespmem:$0x10100] =	vst v63  }
0x69: {  	s21 =	rddreg [dreg:$0x10]  }
0x6a: {  	[tilespmem:s21], [sflag:$0x2] =	stream.indirect_vreg.gather [hbm4b:s8+s3], $0x80, v3, vm0, $0xb8;
	[tilespmem:$0x10100] =	vst v63  }
0x6b: {  	s20 =	rddreg [dreg:$0x11]  }
0x6c: {  	[tilespmem:s20], [sflag:$0x2] =	stream.indirect_vreg.gather [hbm4b:s9+s3], $0x80, v3, vm0, $0xb8;
	[tilespmem:$0x10100] =	vst v63  }
0x6d: {  	s21 =	rddreg [dreg:$0x12]  }
0x6e: {  	[tilespmem:s21], [sflag:$0x2] =	stream.indirect_vreg.gather [hbm4b:s10+s3], $0x80, v3, vm0, $0xb8;
	[tilespmem:$0x10100] =	vst v63  }
0x6f: {  	s20 =	rddreg [dreg:$0x13]  }
0x70: {  	[tilespmem:s20], [sflag:$0x2] =	stream.indirect_vreg.gather [hbm4b:s11+s3], $0x80, v3, vm0, $0xb8;
	[tilespmem:$0x10100] =	vst v63  }
0x71: {  	_ =	swait.ge [sflag:s1], $0x8000  }
0x72: {  	s21 =	rddreg [dreg:$0x3];
	[sflag:s1] =	ssyncset.done $0x0  }
0x73: {  	p0 =	seq.s32 s19, $0x8000;
	[sflag:s1] =	ssyncadd.s32 $0xFFFF8000;
	s20 =	sadd.s32 s19, s21  }
0x74: {  	[hbm4b:s20+s3] =	stream.linear.scatter [tilespmem:s14], [sflag:$0x3], $0x8000, $0x38;
	[tilespmem:$0x10100] =	vst v63  }
0x75: {  	s20 =	simm.s32 @!p0 $0x3  }
0x76: {  	_ =	swait.ge @!p0 [sflag:s20], $0x8000  }
0x77: {  	[sflag:s20] =	ssyncset.done @!p0 $0x0  }
0x78: {  	[sflag:s20] =	ssyncadd.s32 @!p0 $0xFFFF8000  }
0x79: {  	v3 =	vld @!p0 [tilespmem:s18+$0x0];
	_ =	sdelay $0x4  }
0x7a: {  	v4 =	vshll.u32 @!p0 v3, $0x4  }
0x7b: {  	v5 =	vlaneseq.u32 @!p0;
	v3 =	vand.u32 @!p0 $0x7, v3;
	v4 =	vand.u32 @!p0 $0xFFFFFF80, v4  }
0x7c: {  	v6 =	vshrl.u32 @!p0 v5, $0x3;
	v3 =	vor.u32 @!p0 v3, v4;
	v4 =	vand.u32 @!p0 $0x7, v5  }
0x7d: {  	v6 =	vmul.u32 @!p0 $0x8, v6;
	v4 =	vperm.xlane @!p0 v3, v4;
	_ =	sdelay $0x1  }
0x7e: {  	v4 =	vadd.s32 @!p0 v6, v4;
	_ =	sdelay $0x3  }
0x7f: {  	vm1 =	vmmov @!p0 $0xffff;
	s21 =	simm.s32 @!p0 $0x100;
	s20 =	simm.s32 @!p0 $0x0  }
0x80: {  	[tilespmem:s21], [sflag:$0x1] =	stream.indirect_vreg.gather @!p0 [hbm4b:s2+s20], $0x80, v4, vm1, $0xb8;
	[tilespmem:$0x10100] =	vst v63  }
0x81: {  	s21 =	simm.s32 @!p0 $0x900  }
0x82: {  	[tilespmem:s21], [sflag:$0x1] =	stream.indirect_vreg.gather @!p0 [hbm4b:s5+s20], $0x80, v4, vm1, $0xb8;
	[tilespmem:$0x10100] =	vst v63  }
0x83: {  	s21 =	simm.s32 @!p0 $0x1100  }
0x84: {  	[tilespmem:s21], [sflag:$0x1] =	stream.indirect_vreg.gather @!p0 [hbm4b:s6+s20], $0x80, v4, vm1, $0xb8;
	[tilespmem:$0x10100] =	vst v63  }
0x85: {  	s21 =	simm.s32 @!p0 $0x1900  }
0x86: {  	[tilespmem:s21], [sflag:$0x1] =	stream.indirect_vreg.gather @!p0 [hbm4b:s7+s20], $0x80, v4, vm1, $0xb8;
	[tilespmem:$0x10100] =	vst v63  }
0x87: {  	s21 =	simm.s32 @!p0 $0x2100  }
0x88: {  	v5 =	vor.u32 @!p0 $0x8, v5;
	[tilespmem:s21], [sflag:$0x1] =	stream.indirect_vreg.gather @!p0 [hbm4b:s8+s20], $0x80, v4, vm1, $0xb8;
	[tilespmem:$0x10100] =	vst v63  }
0x89: {  	v3 =	vperm.xlane @!p0 v3, v5;
	s21 =	simm.s32 @!p0 $0x2900  }
0x8a: {  	[tilespmem:s21], [sflag:$0x1] =	stream.indirect_vreg.gather @!p0 [hbm4b:s9+s20], $0x80, v4, vm1, $0xb8;
	[tilespmem:$0x10100] =	vst v63  }
0x8b: {  	v3 =	vadd.s32 @!p0 v6, v3;
	s21 =	simm.s32 @!p0 $0x3100  }
0x8c: {  	[tilespmem:s21], [sflag:$0x1] =	stream.indirect_vreg.gather @!p0 [hbm4b:s10+s20], $0x80, v4, vm1, $0xb8;
	[tilespmem:$0x10100] =	vst v63  }
0x8d: {  	s21 =	simm.s32 @!p0 $0x3900  }
0x8e: {  	[tilespmem:s21], [sflag:$0x1] =	stream.indirect_vreg.gather @!p0 [hbm4b:s11+s20], $0x80, v4, vm1, $0xb8;
	[tilespmem:$0x10100] =	vst v63  }
0x8f: {  	s21 =	simm.s32 @!p0 $0x4100  }
0x90: {  	[tilespmem:s21], [sflag:$0x1] =	stream.indirect_vreg.gather @!p0 [hbm4b:s2+s20], $0x80, v3, vm1, $0xb8;
	[tilespmem:$0x10100] =	vst v63  }
0x91: {  	s21 =	simm.s32 @!p0 $0x4900  }
0x92: {  	[tilespmem:s21], [sflag:$0x1] =	stream.indirect_vreg.gather @!p0 [hbm4b:s5+s20], $0x80, v3, vm1, $0xb8;
	[tilespmem:$0x10100] =	vst v63  }
0x93: {  	s21 =	simm.s32 @!p0 $0x5100  }
0x94: {  	[tilespmem:s21], [sflag:$0x1] =	stream.indirect_vreg.gather @!p0 [hbm4b:s6+s20], $0x80, v3, vm1, $0xb8;
	[tilespmem:$0x10100] =	vst v63  }
0x95: {  	s21 =	simm.s32 @!p0 $0x5900  }
0x96: {  	[tilespmem:s21], [sflag:$0x1] =	stream.indirect_vreg.gather @!p0 [hbm4b:s7+s20], $0x80, v3, vm1, $0xb8;
	[tilespmem:$0x10100] =	vst v63  }
0x97: {  	s21 =	simm.s32 @!p0 $0x6100  }
0x98: {  	[tilespmem:s21], [sflag:$0x1] =	stream.indirect_vreg.gather @!p0 [hbm4b:s8+s20], $0x80, v3, vm1, $0xb8;
	[tilespmem:$0x10100] =	vst v63  }
0x99: {  	s21 =	simm.s32 @!p0 $0x6900  }
0x9a: {  	[tilespmem:s21], [sflag:$0x1] =	stream.indirect_vreg.gather @!p0 [hbm4b:s9+s20], $0x80, v3, vm1, $0xb8;
	[tilespmem:$0x10100] =	vst v63  }
0x9b: {  	s21 =	simm.s32 @!p0 $0x7100  }
0x9c: {  	[tilespmem:s21], [sflag:$0x1] =	stream.indirect_vreg.gather @!p0 [hbm4b:s10+s20], $0x80, v3, vm1, $0xb8;
	[tilespmem:$0x10100] =	vst v63  }
0x9d: {  	s21 =	simm.s32 @!p0 $0x7900  }
0x9e: {  	[tilespmem:s21], [sflag:$0x1] =	stream.indirect_vreg.gather @!p0 [hbm4b:s11+s20], $0x80, v3, vm1, $0xb8;
	[tilespmem:$0x10100] =	vst v63  }
0x9f: {  	_ =	swait.ge [sflag:s0], $0x8000  }
0xa0: {  	s21 =	rddreg [dreg:$0x4]  }
0xa1: {  	s20 =	sadd.s32 s19, s21;
	s19 =	sadd.s32 $0x2000, s19  }
0xa2: {  	p0 =	sne.s32 s19, $0xA000  }
.Ltmp0:
0xa3: {  	_ = 	snop;
	(pc) =	sbr.rel @p0 .LBB2_2-.Ltmp0, $4  }
0xa4: {  	_ = 	snop  }
0xa5: {  	[sflag:s0] =	ssyncset.done $0x0  }
0xa6: {  	s18 =	sadd.s32 $0x20, s18;
	[sflag:s0] =	ssyncadd.s32 $0xFFFF8000  }
0xa7: {  	[hbm4b:s20+s3] =	stream.linear.scatter [tilespmem:s31], [sflag:$0x4], $0x8000, $0x38;
	[tilespmem:$0x10100] =	vst v63  }
0xa8: {  	s17 =	sadd.s32 $0x1, s17  }
0xa9: {  	_ =	swait.ge [sflag:s15], $0x8000;
	p0 =	sne.s32 s17, s12  }
.Ltmp1:
0xaa: {  	[sflag:s15] =	ssyncset.done $0x0;
	(pc) =	sbr.rel @p0 .LBB2_1-.Ltmp1, $4  }
0xab: {  	[sflag:s15] =	ssyncadd.s32 $0xFFFF8000  }
0xac: {  	_ =	swait.ge [sflag:s16], $0x8000  }
0xad: {  	[sflag:s16] =	ssyncset.done $0x0  }
0xae: {  	[sflag:s16] =	ssyncadd.s32 $0xFFFF8000  }
0xaf: {  	_ =	sfence.sel $0x180000  }
0xb0: {  	[bflag:$0x0] =	sbarrier.arrive $0xFFFF  }
0xb1: {  	_ =	strace $0x9000004D  }
0xb2: {  	s0 =	stileid.u32;
	[bflag:$0x2] =	sbarrier.arrive $0xFFFF  }
0xb3: {  	p0 =	sne.s32 s0, $0x0;
	s0 =	rddreg [dreg:$0x2]  }
0xb4: {  	s0 =	sadd.s32 @!p0 $0x100000, s0  }
0xb5: {  	[sflag:s0] =	ssyncadd.tile.s32 @!p0 $0x1;
	_ =	shalt  }
.Lfunc_end2:
_tile_overlayer_lowered:
.L_overlay_start_2:
0xb6: {  	(tag) =	ssettag $0x2  }
0xb7: {  	s0 =	rddreg [dreg:$0x0];
	s2 =	stileid.u32  }
0xb8: {  	s1 =	rddreg [dreg:$0x1];
	p0 =	sne.s32 s2, $0x0  }
0xb9: {  	s3 =	rddreg [dreg:$0x2];
	[bflag:$0x3] =	sbarrier.arrive $0xFFFF;
	s2 =	simm.s32 @!p0 $0x1C05  }
0xba: {  	[timem:s3], [sflag:s2] =	dma.local @!p0 [hbm:s0], s1  }
0xbb: {  	s0 =	simm.s32 @!p0 $0x5  }
0xbc: {  	_ =	swait.ge @!p0 [sflag:s0], s1  }
0xbd: {  	s1 =	ssub.s32 @!p0 $0x0, s1;
	[sflag:s0] =	ssyncset.done @!p0 $0x0  }
0xbe: {  	[sflag:s0] =	ssyncadd.s32 @!p0 s1  }
0xbf: {  	[bflag:$0x3] =	sbarrier.arrive $0xFFFF  }
0xc0: {  	_ =	shalt  }

// kernel: kernel.19.cloned.1.call-start
scs
__scs_entry_jumppad:
0x0: {  	(pc) =	sbr.rel $0x88, $3  }
0x1: {  	(tag) =	ssettag $0x0;
	lr =	simm.s32 $0x1  }
0x2: {  	[smem:$0x3F9B] =	sst lr;
	_ =	strace $0xD0000000  }
0x3: {  	_ = 	snop  }
0x4: {  	_ = 	snop  }
0x5: {  	_ = 	snop  }
0x6: {  	_ = 	snop  }
0x7: {  	_ = 	snop  }
__scs_overlays_trampoline_lowered:
0x8: {  	[smem:$0x3FAA] =	sst s0  }
0x9: {  	[smem:$0x3FAB] =	sst s1  }
0xa: {  	[smem:$0x3FAC] =	sst s2  }
0xb: {  	[smem:$0x3FAD] =	sst s3  }
0xc: {  	[smem:$0x3FAE] =	sst s4  }
0xd: {  	[smem:$0x3FAF] =	sst s5  }
0xe: {  	[smem:$0x3FB0] =	sst s6  }
0xf: {  	[smem:$0x3FB1] =	sst s7  }
0x10: {  	[smem:$0x3FB2] =	sst s8  }
0x11: {  	[smem:$0x3FB3] =	sst s9;
	s0 =	simm.s32 @!p0 $0x0  }
0x12: {  	s1 =	sld [smem:$0x3F99];
	s0 =	simm.s32 @p0 $0x1  }
0x13: {  	[smem:$0x3FB4] =	sst s0;
	s0 =	simm.s32 @!p1 $0x0  }
0x14: {  	s2 =	sld [smem:$0x3F98];
	s0 =	simm.s32 @p1 $0x1  }
0x15: {  	[smem:$0x3FB5] =	sst s0;
	s0 =	simm.s32 @!p2 $0x0  }
0x16: {  	s3 =	sld [smem:$0x3FDB];
	s0 =	simm.s32 @p2 $0x1  }
0x17: {  	s4 =	simm.s32 $0x1BF5;
	[smem:$0x3FB7] =	sst s0  }
0x18: {  	s0 =	sld [smem:$0x3F9A];
	_ =	swait.ge [sflag:s4], $0x0  }
0x19: {  	s7 =	sld [smem:$0x3F9B]  }
0x1a: {  	s8 =	sadd.s32 $0xFFFFE003, lr  }
0x1b: {  	s9 =	sadd.s32 $0xFFFFFEF7, lr;
	s5 =	simm.s32 $0xFFFFFFFF;
	p2 =	slt.u32 s8, $0xFFFFF086  }
0x1c: {  	p1 =	slt.u32 s9, $0xF7A;
	s5 =	simm.s32 @!p2 $0x0  }
0x1d: {  	s5 =	simm.s32 @p1 $0x1;
	p0 =	seq.s32 s7, s2  }
0x1e: {  	s7 =	smul.u32 @!p0 $0xF7A, s2;
	p2 =	seq.s32 @!p0 s5, $0x0  }
0x1f: {  	s9 =	smul.u32 $0xF7A, s1;
	s8 =	simm.s32 @!p0 $0x1BF5;
	p2 =	por !p2, p0  }
0x20: {  	[sflag:s8] =	ssyncset.s32 @!p0 $0xFFFFF086;
	s6 =	sadd.s32 @!p0 s3, s7;
	s7 =	simm.s32 @!p0 $0x108  }
0x21: {  	s3 =	sadd.s32 s3, s9;
	s6 =	sadd.s32 @!p0 $0x88, s6;
	s7 =	simm.s32 @p2 $0x1082  }
0x22: {  	[simem:s7], [sflag:s8] =	dma.local @!p0 [hbm:s6], $0xF7A  }
0x23: {  	s9 =	sor.u32 $0xD0000000, s2;
	s6 =	simm.s32 $0x108;
	_ =	swait.ge @!p0 [sflag:s8], $0x0  }
0x24: {  	s3 =	sadd.s32 $0x88, s3;
	s6 =	simm.s32 @!p1 $0x1082;
	[sflag:s4] =	ssyncset.s32 $0xFFFFF086  }
0x25: {  	[simem:s6], [sflag:s4] =	dma.local [hbm:s3], $0xF7A  }
0x26: {  	[smem:$0x3F9B] =	sst s1;
	(tag) =	ssettag s2;
	_ =	strace s9  }
0x27: {  	s1 =	sld [smem:$0x3FAB]  }
0x28: {  	s2 =	sld [smem:$0x3FAC]  }
0x29: {  	s4 =	sld [smem:$0x3FAE]  }
0x2a: {  	p0 =	seq.s32 s5, $0x0;
	s5 =	sld [smem:$0x3FAF]  }
0x2b: {  	s6 =	sld [smem:$0x3FB0]  }
0x2c: {  	s7 =	sld [smem:$0x3FB1]  }
0x2d: {  	s3 =	simm.s32 $0x108;
	s8 =	sld [smem:$0x3FB2]  }
0x2e: {  	s3 =	simm.s32 @!p0 $0x1082;
	s9 =	sld [smem:$0x3FB3]  }
0x2f: {  	lr =	sadd.s32 s0, s3;
	s0 =	sld [smem:$0x3FAA]  }
0x30: {  	s3 =	sld [smem:$0x3FAD]  }
0x31: {  	[smem:$0x3FB6] =	sst s10  }
0x32: {  	s10 =	sld [smem:$0x3FB4];
	_ =	sdelay $0x3  }
0x33: {  	p0 =	seq.s32 s10, $0x1;
	s10 =	sld [smem:$0x3FB6];
	_ =	sdelay $0x3  }
0x34: {  	[smem:$0x3FB6] =	sst s10  }
0x35: {  	s10 =	sld [smem:$0x3FB5];
	_ =	sdelay $0x3  }
0x36: {  	p1 =	seq.s32 s10, $0x1;
	s10 =	sld [smem:$0x3FB6];
	_ =	sdelay $0x3  }
0x37: {  	[smem:$0x3FB6] =	sst s10  }
0x38: {  	s10 =	sld [smem:$0x3FB7]  }
0x39: {  	_ = 	snop;
	(pc) =	sbr.ind lr, $3  }
0x3a: {  	_ = 	snop  }
0x3b: {  	_ = 	snop  }
0x3c: {  	p2 =	seq.s32 s10, $0x1;
	s10 =	sld [smem:$0x3FB6]  }
0x3d: {  	_ =	shalt  }
0x3e: {  	_ =	shalt  }
0x3f: {  	_ =	shalt  }
0x40: {  	_ =	shalt  }
0x41: {  	_ =	shalt  }
0x42: {  	_ =	shalt  }
0x43: {  	_ =	shalt  }
0x44: {  	_ =	shalt  }
0x45: {  	_ =	shalt  }
0x46: {  	_ =	shalt  }
0x47: {  	_ =	shalt  }
0x48: {  	_ =	shalt  }
0x49: {  	_ =	shalt  }
0x4a: {  	_ =	shalt  }
0x4b: {  	_ =	shalt  }
0x4c: {  	_ =	shalt  }
0x4d: {  	_ =	shalt  }
0x4e: {  	_ =	shalt  }
0x4f: {  	_ =	shalt  }
0x50: {  	_ =	shalt  }
0x51: {  	_ =	shalt  }
0x52: {  	_ =	shalt  }
0x53: {  	_ =	shalt  }
0x54: {  	_ =	shalt  }
0x55: {  	_ =	shalt  }
0x56: {  	_ =	shalt  }
0x57: {  	_ =	shalt  }
0x58: {  	_ =	shalt  }
0x59: {  	_ =	shalt  }
0x5a: {  	_ =	shalt  }
0x5b: {  	_ =	shalt  }
0x5c: {  	_ =	shalt  }
0x5d: {  	_ =	shalt  }
0x5e: {  	_ =	shalt  }
0x5f: {  	_ =	shalt  }
0x60: {  	_ =	shalt  }
0x61: {  	_ =	shalt  }
0x62: {  	_ =	shalt  }
0x63: {  	_ =	shalt  }
0x64: {  	_ =	shalt  }
0x65: {  	_ =	shalt  }
0x66: {  	_ =	shalt  }
0x67: {  	_ =	shalt  }
0x68: {  	_ =	shalt  }
0x69: {  	_ =	shalt  }
0x6a: {  	_ =	shalt  }
0x6b: {  	_ =	shalt  }
0x6c: {  	_ =	shalt  }
0x6d: {  	_ =	shalt  }
0x6e: {  	_ =	shalt  }
0x6f: {  	_ =	shalt  }
0x70: {  	_ =	shalt  }
0x71: {  	_ =	shalt  }
0x72: {  	_ =	shalt  }
0x73: {  	_ =	shalt  }
0x74: {  	_ =	shalt  }
0x75: {  	_ =	shalt  }
0x76: {  	_ =	shalt  }
0x77: {  	_ =	shalt  }
0x78: {  	_ =	shalt  }
0x79: {  	_ =	shalt  }
0x7a: {  	_ =	shalt  }
0x7b: {  	_ =	shalt  }
0x7c: {  	_ =	shalt  }
0x7d: {  	_ =	shalt  }
0x7e: {  	_ =	shalt  }
0x7f: {  	_ =	shalt  }
0x80: {  	_ =	shalt  }
0x81: {  	_ =	shalt  }
0x82: {  	_ =	shalt  }
0x83: {  	_ =	shalt  }
0x84: {  	_ =	shalt  }
0x85: {  	_ =	shalt  }
0x86: {  	_ =	shalt  }
0x87: {  	_ =	shalt  }
.Lfunc_end0:
.L_simem_size_0:
called_computation.3_lowered:
.L_overlay_start_0:
0x88: {  	s2 =	sld [smem:$0x3FD9]  }
0x89: {  	s3 =	sld [smem:$0x3FFE];
	_ =	sdelay $0x1  }
0x8a: {  	s1 =	srdreg.scid  }
0x8b: {  	s0 =	sand.u32 $0x1, s1  }
0x8c: {  	s17 =	sshll.u32 s0, $0xA;
	s2 =	sadd.s32 s3, s2  }
0x8d: {  	s2 =	sadd.s32 s2, s17  }
0x8e: {  	[smem:$0x3FC2] =	sst s2  }
0x8f: {  	_ = 	snop  }
0x90: {  	s18 =	sld [smem:$0x3FC8];
	(tm) =	ssettm $0x1  }
0x91: {  	s19 =	sld [smem:$0x3FFB];
	_ =	sdelay $0x3  }
0x92: {  	_ =	strace s19  }
0x93: {  	s2 =	sld [smem:$0x3FFC];
	_ =	sdelay $0x3  }
0x94: {  	_ =	strace s2  }
0x95: {  	s2 =	sld [smem:$0x3FFD];
	_ =	sdelay $0x3  }
0x96: {  	_ =	strace s2  }
0x97: {  	_ =	strace $0x8FFFFFFF  }
0x98: {  	s20 =	sld [smem:$0x3FDB];
	_ =	sdelay $0x1  }
0x99: {  	s4 =	simm.s32 $_scs_section_size  }
0x9a: {  	s5 =	simm.s32 $_size__tile_overlayer_lowered;
	s6 =	simm.s32 $_tile_overlayer_lowered  }
0x9b: {  	s7 =	simm.s32 $0x1BFF;
	s21 =	sshll.u32 s6, $0x1;
	s4 =	sadd.s32 s4, s20  }
0x9c: {  	s22 =	simm.s32 $0x0;
	s5 =	sshll.u32 s5, $0x1;
	s6 =	sadd.s32 s21, s4  }
0x9d: {  	[timem:s22], [sflag:s7] =	dma.local [hbm:s6], s5  }
0x9e: {  	_ =	swait.ge [sflag:s7], s5  }
0x9f: {  	s5 =	ssub.s32 $0x0, s5;
	[sflag:s7] =	ssyncset.done $0x0  }
0xa0: {  	[sflag:s7] =	ssyncadd.s32 s5;
	_ =	sdelay $0x1  }
0xa1: {  	s23 =	simm.s32 $0x1B8B  }
0xa2: {  	_ =	swait.ge [sflag:s23], $0x1  }
0xa3: {  	[sflag:s23] =	ssyncset.done $0x0  }
0xa4: {  	[sflag:s23] =	ssyncadd.s32 $0xFFFFFFFF  }
0xa5: {  	s5 =	sld [smem:$0x0]  }
0xa6: {  	s6 =	sand.u32 $0xFFFFFFFE, s1  }
0xa7: {  	p0 =	sne.s32 s1, s6  }
0xa8: {  	s6 =	sshll.u32 @p0 s6, $0xE  }
0xa9: {  	s6 =	sadd.s32 @p0 $0x11B8D, s6;
	s7 =	sshll.u32 @p0 s5, $0x11  }
0xaa: {  	s6 =	sor.u32 @p0 s7, s6  }
0xab: {  	[sflag:s6] =	ssyncadd.remote.s32 @p0 $0x1;
	_ =	sdelay $0x1  }
0xac: {  	s6 =	simm.s32 @p0 $0x1B8D  }
0xad: {  	_ =	swait.eq @p0 [sflag:s6], $0x1  }
0xae: {  	[sflag:s6] =	ssyncadd.s32 @p0 $0xFFFFFFFF  }
0xaf: {  	s7 =	sshll.u32 @!p0 s1, $0xE  }
0xb0: {  	s7 =	sor.u32 @!p0 $0x4000, s7;
	s6 =	simm.s32 @!p0 $0x1B8D  }
0xb1: {  	s5 =	sshll.u32 @!p0 s5, $0x11;
	s7 =	sadd.s32 @!p0 $0x11B8D, s7;
	_ =	swait.eq @!p0 [sflag:s6], $0x1  }
0xb2: {  	s5 =	sor.u32 @!p0 s5, s7;
	[sflag:s6] =	ssyncadd.s32 @!p0 $0xFFFFFFFF  }
0xb3: {  	s25 =	simm.s32 $0x1B8E;
	s24 =	sld [smem:$0x3FFE];
	[sflag:s5] =	ssyncadd.remote.s32 @!p0 $0x1  }
0xb4: {  	s26 =	simm.s32 $execute0_lowered;
	[smem:$0x3FD2] =	sst s25  }
0xb5: {  	s6 =	sshll.u32 s26, $0x1;
	_ =	strace $0x8000004F;
	[dreg:$0x1] =	wrdreg $0xFFFFFFFF  }
0xb6: {  	s28 =	simm.s32 $_size_execute0_lowered;
	s4 =	sadd.s32 s4, s6;
	[dreg:$0x0] =	wrdreg $0x0  }
0xb7: {  	s6 =	sshll.u32 s28, $0x1;
	[dreg:$0x2] =	wrdreg s4  }
0xb8: {  	[dreg:$0x3] =	wrdreg s6  }
0xb9: {  	[dreg:$0x4] =	wrdreg $0xC0  }
0xba: {  	_ =	task [dreg:s22], $0x5FFFF  }
0xbb: {  	[dreg:$0x1] =	wrdreg $0xFFFFFFFF  }
0xbc: {  	[dreg:$0x0] =	wrdreg $0x60  }
0xbd: {  	[dreg:$0x2] =	wrdreg s18  }
0xbe: {  	[dreg:$0x3] =	wrdreg s24  }
0xbf: {  	[dreg:$0x4] =	wrdreg $0xC  }
0xc0: {  	_ =	task.clear_ibuf [dreg:s22], $0x5FFFF;
	_ =	strace $0x9000004F  }
0xc1: {  	s29 =	simm.s32 $0xC;
	_ =	strace $0x80000051  }
0xc2: {  	_ =	swait.ge [sflag:s29], $0x1  }
0xc3: {  	[sflag:s29] =	ssyncadd.s32 $0xFFFFFFFF  }
0xc4: {  	_ =	strace $0x90000051  }
0xc5: {  	_ =	sfence  }
0xc6: {  	s30 =	sld [smem:$0x0];
	_ =	sdelay $0x2  }
0xc7: {  	s31 =	sshll.u32 s1, $0xD;
	s1 =	sshrl.u32 s1, $0x2  }
0xc8: {  	s4 =	sand.u32 $0x4000, s31;
	s1 =	sadd.s32 s1, s30  }
0xc9: {  	s0 =	sor.u32 s4, s0;
	s1 =	sshll.u32 s1, $0x11  }
0xca: {  	s0 =	sor.u32 s1, s0  }
0xcb: {  	s0 =	sadd.s32 $0x8F2B, s0  }
0xcc: {  	[sflag:s0] =	ssyncadd.remote.s32 $0x1  }
0xcd: {  	_ =	sfence.sel $0xFFFF  }
0xce: {  	[dreg:$0x0] =	wrdreg $0xFFFFFFFF;
	(pc) =	sbr.abs _section_cstart, $3  }
0xcf: {  	[dreg:$0x1] =	wrdreg $0xFFFFFFFF  }
0xd0: {  	_ =	task.clear_ibuf [dreg:s22], $0x2FFFF;
	_ =	strace $0x9FFFFFFF  }
0xd1: {  	(tm) =	ssettm $0x7FFFFFFF  }
tec
execute0_lowered:
.L_overlay_start_1:
0x0: {  	(tag) =	ssettag $0x1  }
0x1: {  	s0 =	srdreg.scid  }
0x2: {  	s10 =	stileid.u32;
	s2 =	rddreg [dreg:$0x0]  }
0x3: {  	s4 =	rddreg [dreg:$0x1];
	s3 =	simm.s32 $0x0;
	s13 =	simm.s32 $0x9100  }
0x4: {  	s14 =	simm.s32 $0x9900;
	s15 =	simm.s32 $0xA100;
	s16 =	simm.s32 $0xA900  }
0x5: {  	s17 =	simm.s32 $0xB100;
	s18 =	simm.s32 $0xB900;
	s19 =	simm.s32 $0xC100  }
0x6: {  	s20 =	simm.s32 $0xC900;
	s21 =	simm.s32 $0xD100;
	[smem:$0x7FF] =	sst s3  }
0x7: {  	s22 =	simm.s32 $0xD900;
	_ =	strace $0x80000050;
	[dreg:$0x6] =	wrdreg s13  }
0x8: {  	s23 =	simm.s32 $0xE100;
	s24 =	simm.s32 $0xE900;
	[dreg:$0x7] =	wrdreg s14  }
0x9: {  	s28 =	simm.s32 $0x6900;
	s29 =	simm.s32 $0x7100;
	[dreg:$0x8] =	wrdreg s15  }
0xa: {  	s30 =	simm.s32 $0x7900;
	s31 =	simm.s32 $0x8100;
	[dreg:$0x9] =	wrdreg s16  }
0xb: {  	s0 =	sand.u32 $0x1, s0;
	s1 =	sshll.u32 s10, $0x1;
	[dreg:$0xa] =	wrdreg s17  }
0xc: {  	s7 =	smul.u32 $0xA0000, s10;
	s9 =	sadd.s32 $0x3C3000, s4;
	[dreg:$0xb] =	wrdreg s18  }
0xd: {  	s25 =	smul.u32 $0x14000, s10;
	s11 =	sadd.s32 $0x700, s2;
	[dreg:$0xc] =	wrdreg s19  }
0xe: {  	s1 =	sor.u32 s0, s1;
	s8 =	smul.u32 $0x50000, s0;
	[dreg:$0xd] =	wrdreg s20  }
0xf: {  	s5 =	ssub.s32 $0x2, s0;
	s0 =	smul.u32 $0xA000, s0;
	[dreg:$0xe] =	wrdreg s21  }
0x10: {  	s13 =	simm.s32 $0x5;
	s14 =	simm.s32 $0x100;
	[dreg:$0xf] =	wrdreg s22  }
0x11: {  	s22 =	simm.s32 $0x4100;
	[dreg:$0x10] =	wrdreg s23;
	s23 =	simm.s32 $0x4900  }
0x12: {  	[dreg:$0x11] =	wrdreg s24;
	s24 =	simm.s32 $0x5100;
	s15 =	simm.s32 $0x3  }
0x13: {  	s16 =	simm.s32 $0x4;
	s17 =	simm.s32 $0x0;
	s6 =	sshrl.u32 s5, $0x1  }
0x14: {  	s1 =	smul.u32 $0xA0, s1;
	s12 =	ssub.s32 s5, s6;
	s5 =	sadd.s32 $0x100, s2  }
0x15: {  	s6 =	sadd.s32 $0x200, s2;
	s8 =	sadd.s32 s8, s7;
	s7 =	sadd.s32 $0x300, s2  }
0x16: {  	s1 =	sshrl.u32 s1, $0x3;
	s26 =	sshrl.u32 s8, $0x3;
	s8 =	sadd.s32 $0x400, s2  }
0x17: {  	s12 =	smax.u32 s12, $0x1;
	s1 =	sadd.s32 s1, s4;
	s10 =	sadd.s32 s26, s9  }
0x18: {  	s26 =	simm.s32 $0xF900;
	s4 =	sadd.s32 $0x2400, s1;
	s1 =	sadd.s32 s25, s9  }
0x19: {  	s9 =	sadd.s32 $0x500, s2;
	[dreg:$0x3] =	wrdreg s10;
	s10 =	sadd.s32 $0x600, s2  }
0x1a: {  	s25 =	simm.s32 $0xF100;
	[dreg:$0x13] =	wrdreg s26;
	s26 =	simm.s32 $0x6100  }
0x1b: {  	v2 =	vlaneseq.u32;
	s0 =	sadd.s32 s0, s1;
	s1 =	simm.s32 $0x8900;
	[dreg:$0x12] =	wrdreg s25  }
0x1c: {  	vm0 =	vmmov $0xffff;
	v1 =	vshrl.u32 v2, $0x3;
	s25 =	simm.s32 $0x5900;
	s0 =	sadd.s32 $0x1000, s0;
	[dreg:$0x5] =	wrdreg s1  }
0x1d: {  	v0 =	vand.u32 $0x7, v2;
	v2 =	vor.u32 $0x8, v2;
	v1 =	vmul.u32 $0x8, v1;
	s1 =	simm.s32 $0x1;
	[dreg:$0x4] =	wrdreg s0;
	s0 =	simm.s32 $0x2  }
.LBB2_1:
0x1e: {  	[tilespmem:s3], [sflag:$0x5] =	stream.linear.gather [hbm4b:s4+s3], $0xA0, $0x38;
	[tilespmem:$0x10100] =	vst v63  }
0x1f: {  	_ =	swait.ge [sflag:s13], $0xA0  }
0x20: {  	[sflag:s13] =	ssyncset.done $0x0  }
0x21: {  	[sflag:s13] =	ssyncadd.s32 $0xFFFFFF60  }
0x22: {  	v3 =	vld [tilespmem:$0x0];
	_ =	sdelay $0x4  }
0x23: {  	v4 =	vshll.u32 v3, $0x4  }
0x24: {  	v3 =	vand.u32 $0x7, v3;
	v4 =	vand.u32 $0xFFFFFF80, v4  }
0x25: {  	v3 =	vor.u32 v3, v4  }
0x26: {  	v4 =	vperm.xlane v3, v0;
	_ =	sdelay $0x1  }
0x27: {  	v4 =	vadd.s32 v1, v4;
	_ =	sdelay $0x4  }
0x28: {  	[tilespmem:s14], [sflag:$0x1] =	stream.indirect_vreg.gather [hbm4b:s2+s3], $0x80, v4, vm0, $0xb8;
	[tilespmem:$0x10100] =	vst v63  }
0x29: {  	s18 =	simm.s32 $0x900  }
0x2a: {  	[tilespmem:s18], [sflag:$0x1] =	stream.indirect_vreg.gather [hbm4b:s5+s3], $0x80, v4, vm0, $0xb8;
	[tilespmem:$0x10100] =	vst v63  }
0x2b: {  	s19 =	simm.s32 $0x1100  }
0x2c: {  	[tilespmem:s19], [sflag:$0x1] =	stream.indirect_vreg.gather [hbm4b:s6+s3], $0x80, v4, vm0, $0xb8;
	[tilespmem:$0x10100] =	vst v63  }
0x2d: {  	s20 =	simm.s32 $0x1900  }
0x2e: {  	[tilespmem:s20], [sflag:$0x1] =	stream.indirect_vreg.gather [hbm4b:s7+s3], $0x80, v4, vm0, $0xb8;
	[tilespmem:$0x10100] =	vst v63  }
0x2f: {  	s21 =	simm.s32 $0x2100  }
0x30: {  	[tilespmem:s21], [sflag:$0x1] =	stream.indirect_vreg.gather [hbm4b:s8+s3], $0x80, v4, vm0, $0xb8;
	[tilespmem:$0x10100] =	vst v63  }
0x31: {  	v3 =	vperm.xlane v3, v2;
	s19 =	simm.s32 $0x2900  }
0x32: {  	[tilespmem:s19], [sflag:$0x1] =	stream.indirect_vreg.gather [hbm4b:s9+s3], $0x80, v4, vm0, $0xb8;
	[tilespmem:$0x10100] =	vst v63  }
0x33: {  	v3 =	vadd.s32 v1, v3;
	s20 =	simm.s32 $0x3100  }
0x34: {  	[tilespmem:s20], [sflag:$0x1] =	stream.indirect_vreg.gather [hbm4b:s10+s3], $0x80, v4, vm0, $0xb8;
	[tilespmem:$0x10100] =	vst v63  }
0x35: {  	s21 =	simm.s32 $0x3900  }
0x36: {  	[tilespmem:s21], [sflag:$0x1] =	stream.indirect_vreg.gather [hbm4b:s11+s3], $0x80, v4, vm0, $0xb8;
	[tilespmem:$0x10100] =	vst v63  }
0x37: {  	_ = 	snop  }
0x38: {  	[tilespmem:s22], [sflag:$0x1] =	stream.indirect_vreg.gather [hbm4b:s2+s3], $0x80, v3, vm0, $0xb8;
	[tilespmem:$0x10100] =	vst v63  }
0x39: {  	_ = 	snop  }
0x3a: {  	[tilespmem:s23], [sflag:$0x1] =	stream.indirect_vreg.gather [hbm4b:s5+s3], $0x80, v3, vm0, $0xb8;
	[tilespmem:$0x10100] =	vst v63  }
0x3b: {  	_ = 	snop  }
0x3c: {  	[tilespmem:s24], [sflag:$0x1] =	stream.indirect_vreg.gather [hbm4b:s6+s3], $0x80, v3, vm0, $0xb8;
	[tilespmem:$0x10100] =	vst v63  }
0x3d: {  	_ = 	snop  }
0x3e: {  	[tilespmem:s25], [sflag:$0x1] =	stream.indirect_vreg.gather [hbm4b:s7+s3], $0x80, v3, vm0, $0xb8;
	[tilespmem:$0x10100] =	vst v63  }
0x3f: {  	_ = 	snop  }
0x40: {  	[tilespmem:s26], [sflag:$0x1] =	stream.indirect_vreg.gather [hbm4b:s8+s3], $0x80, v3, vm0, $0xb8;
	[tilespmem:$0x10100] =	vst v63  }
0x41: {  	_ = 	snop  }
0x42: {  	[tilespmem:s28], [sflag:$0x1] =	stream.indirect_vreg.gather [hbm4b:s9+s3], $0x80, v3, vm0, $0xb8;
	[tilespmem:$0x10100] =	vst v63  }
0x43: {  	_ = 	snop  }
0x44: {  	[tilespmem:s29], [sflag:$0x1] =	stream.indirect_vreg.gather [hbm4b:s10+s3], $0x80, v3, vm0, $0xb8;
	[tilespmem:$0x10100] =	vst v63  }
0x45: {  	s18 =	simm.s32 $0x20;
	s19 =	simm.s32 $0x0  }
0x46: {  	[tilespmem:s30], [sflag:$0x1] =	stream.indirect_vreg.gather [hbm4b:s11+s3], $0x80, v3, vm0, $0xb8;
	[tilespmem:$0x10100] =	vst v63  }
.LBB2_2:
0x47: {  	p0 =	seq.s32 s19, $0x0  }
0x48: {  	s20 =	simm.s32 @!p0 $0x4  }
0x49: {  	_ =	swait.ge @!p0 [sflag:s20], $0x8000  }
0x4a: {  	[sflag:s20] =	ssyncset.done @!p0 $0x0  }
0x4b: {  	[sflag:s20] =	ssyncadd.s32 @!p0 $0xFFFF8000  }
0x4c: {  	v3 =	vld [tilespmem:s18+$0xFFFFFFF0];
	_ =	sdelay $0x4  }
0x4d: {  	v4 =	vshll.u32 v3, $0x4  }
0x4e: {  	v3 =	vand.u32 $0x7, v3;
	v4 =	vand.u32 $0xFFFFFF80, v4  }
0x4f: {  	v3 =	vor.u32 v3, v4  }
0x50: {  	v4 =	vperm.xlane v3, v0;
	_ =	sdelay $0x1  }
0x51: {  	v4 =	vadd.s32 v1, v4;
	_ =	sdelay $0x4  }
0x52: {  	[tilespmem:s31], [sflag:$0x2] =	stream.indirect_vreg.gather [hbm4b:s2+s3], $0x80, v4, vm0, $0xb8;
	[tilespmem:$0x10100] =	vst v63  }
0x53: {  	s20 =	rddreg [dreg:$0x5]  }
0x54: {  	[tilespmem:s20], [sflag:$0x2] =	stream.indirect_vreg.gather [hbm4b:s5+s3], $0x80, v4, vm0, $0xb8;
	[tilespmem:$0x10100] =	vst v63  }
0x55: {  	s21 =	rddreg [dreg:$0x6]  }
0x56: {  	[tilespmem:s21], [sflag:$0x2] =	stream.indirect_vreg.gather [hbm4b:s6+s3], $0x80, v4, vm0, $0xb8;
	[tilespmem:$0x10100] =	vst v63  }
0x57: {  	s20 =	rddreg [dreg:$0x7]  }
0x58: {  	[tilespmem:s20], [sflag:$0x2] =	stream.indirect_vreg.gather [hbm4b:s7+s3], $0x80, v4, vm0, $0xb8;
	[tilespmem:$0x10100] =	vst v63  }
0x59: {  	s21 =	rddreg [dreg:$0x8]  }
0x5a: {  	[tilespmem:s21], [sflag:$0x2] =	stream.indirect_vreg.gather [hbm4b:s8+s3], $0x80, v4, vm0, $0xb8;
	[tilespmem:$0x10100] =	vst v63  }
0x5b: {  	v3 =	vperm.xlane v3, v2;
	s20 =	rddreg [dreg:$0x9]  }
0x5c: {  	[tilespmem:s20], [sflag:$0x2] =	stream.indirect_vreg.gather [hbm4b:s9+s3], $0x80, v4, vm0, $0xb8;
	[tilespmem:$0x10100] =	vst v63  }
0x5d: {  	v3 =	vadd.s32 v1, v3;
	s21 =	rddreg [dreg:$0xa]  }
0x5e: {  	[tilespmem:s21], [sflag:$0x2] =	stream.indirect_vreg.gather [hbm4b:s10+s3], $0x80, v4, vm0, $0xb8;
	[tilespmem:$0x10100] =	vst v63  }
0x5f: {  	s20 =	rddreg [dreg:$0xb]  }
0x60: {  	[tilespmem:s20], [sflag:$0x2] =	stream.indirect_vreg.gather [hbm4b:s11+s3], $0x80, v4, vm0, $0xb8;
	[tilespmem:$0x10100] =	vst v63  }
0x61: {  	s21 =	rddreg [dreg:$0xc]  }
0x62: {  	[tilespmem:s21], [sflag:$0x2] =	stream.indirect_vreg.gather [hbm4b:s2+s3], $0x80, v3, vm0, $0xb8;
	[tilespmem:$0x10100] =	vst v63  }
0x63: {  	s20 =	rddreg [dreg:$0xd]  }
0x64: {  	[tilespmem:s20], [sflag:$0x2] =	stream.indirect_vreg.gather [hbm4b:s5+s3], $0x80, v3, vm0, $0xb8;
	[tilespmem:$0x10100] =	vst v63  }
0x65: {  	s21 =	rddreg [dreg:$0xe]  }
0x66: {  	[tilespmem:s21], [sflag:$0x2] =	stream.indirect_vreg.gather [hbm4b:s6+s3], $0x80, v3, vm0, $0xb8;
	[tilespmem:$0x10100] =	vst v63  }
0x67: {  	s20 =	rddreg [dreg:$0xf]  }
0x68: {  	[tilespmem:s20], [sflag:$0x2] =	stream.indirect_vreg.gather [hbm4b:s7+s3], $0x80, v3, vm0, $0xb8;
	[tilespmem:$0x10100] =	vst v63  }
0x69: {  	s21 =	rddreg [dreg:$0x10]  }
0x6a: {  	[tilespmem:s21], [sflag:$0x2] =	stream.indirect_vreg.gather [hbm4b:s8+s3], $0x80, v3, vm0, $0xb8;
	[tilespmem:$0x10100] =	vst v63  }
0x6b: {  	s20 =	rddreg [dreg:$0x11]  }
0x6c: {  	[tilespmem:s20], [sflag:$0x2] =	stream.indirect_vreg.gather [hbm4b:s9+s3], $0x80, v3, vm0, $0xb8;
	[tilespmem:$0x10100] =	vst v63  }
0x6d: {  	s21 =	rddreg [dreg:$0x12]  }
0x6e: {  	[tilespmem:s21], [sflag:$0x2] =	stream.indirect_vreg.gather [hbm4b:s10+s3], $0x80, v3, vm0, $0xb8;
	[tilespmem:$0x10100] =	vst v63  }
0x6f: {  	s20 =	rddreg [dreg:$0x13]  }
0x70: {  	[tilespmem:s20], [sflag:$0x2] =	stream.indirect_vreg.gather [hbm4b:s11+s3], $0x80, v3, vm0, $0xb8;
	[tilespmem:$0x10100] =	vst v63  }
0x71: {  	_ =	swait.ge [sflag:s1], $0x8000  }
0x72: {  	s21 =	rddreg [dreg:$0x3];
	[sflag:s1] =	ssyncset.done $0x0  }
0x73: {  	p0 =	seq.s32 s19, $0x8000;
	[sflag:s1] =	ssyncadd.s32 $0xFFFF8000;
	s20 =	sadd.s32 s19, s21  }
0x74: {  	[hbm4b:s20+s3] =	stream.linear.scatter [tilespmem:s14], [sflag:$0x3], $0x8000, $0x38;
	[tilespmem:$0x10100] =	vst v63  }
0x75: {  	s20 =	simm.s32 @!p0 $0x3  }
0x76: {  	_ =	swait.ge @!p0 [sflag:s20], $0x8000  }
0x77: {  	[sflag:s20] =	ssyncset.done @!p0 $0x0  }
0x78: {  	[sflag:s20] =	ssyncadd.s32 @!p0 $0xFFFF8000  }
0x79: {  	v3 =	vld @!p0 [tilespmem:s18+$0x0];
	_ =	sdelay $0x4  }
0x7a: {  	v4 =	vshll.u32 @!p0 v3, $0x4  }
0x7b: {  	v5 =	vlaneseq.u32 @!p0;
	v3 =	vand.u32 @!p0 $0x7, v3;
	v4 =	vand.u32 @!p0 $0xFFFFFF80, v4  }
0x7c: {  	v6 =	vshrl.u32 @!p0 v5, $0x3;
	v3 =	vor.u32 @!p0 v3, v4;
	v4 =	vand.u32 @!p0 $0x7, v5  }
0x7d: {  	v6 =	vmul.u32 @!p0 $0x8, v6;
	v4 =	vperm.xlane @!p0 v3, v4;
	_ =	sdelay $0x1  }
0x7e: {  	v4 =	vadd.s32 @!p0 v6, v4;
	_ =	sdelay $0x3  }
0x7f: {  	vm1 =	vmmov @!p0 $0xffff;
	s21 =	simm.s32 @!p0 $0x100;
	s20 =	simm.s32 @!p0 $0x0  }
0x80: {  	[tilespmem:s21], [sflag:$0x1] =	stream.indirect_vreg.gather @!p0 [hbm4b:s2+s20], $0x80, v4, vm1, $0xb8;
	[tilespmem:$0x10100] =	vst v63  }
0x81: {  	s21 =	simm.s32 @!p0 $0x900  }
0x82: {  	[tilespmem:s21], [sflag:$0x1] =	stream.indirect_vreg.gather @!p0 [hbm4b:s5+s20], $0x80, v4, vm1, $0xb8;
	[tilespmem:$0x10100] =	vst v63  }
0x83: {  	s21 =	simm.s32 @!p0 $0x1100  }
0x84: {  	[tilespmem:s21], [sflag:$0x1] =	stream.indirect_vreg.gather @!p0 [hbm4b:s6+s20], $0x80, v4, vm1, $0xb8;
	[tilespmem:$0x10100] =	vst v63  }
0x85: {  	s21 =	simm.s32 @!p0 $0x1900  }
0x86: {  	[tilespmem:s21], [sflag:$0x1] =	stream.indirect_vreg.gather @!p0 [hbm4b:s7+s20], $0x80, v4, vm1, $0xb8;
	[tilespmem:$0x10100] =	vst v63  }
0x87: {  	s21 =	simm.s32 @!p0 $0x2100  }
0x88: {  	v5 =	vor.u32 @!p0 $0x8, v5;
	[tilespmem:s21], [sflag:$0x1] =	stream.indirect_vreg.gather @!p0 [hbm4b:s8+s20], $0x80, v4, vm1, $0xb8;
	[tilespmem:$0x10100] =	vst v63  }
0x89: {  	v3 =	vperm.xlane @!p0 v3, v5;
	s21 =	simm.s32 @!p0 $0x2900  }
0x8a: {  	[tilespmem:s21], [sflag:$0x1] =	stream.indirect_vreg.gather @!p0 [hbm4b:s9+s20], $0x80, v4, vm1, $0xb8;
	[tilespmem:$0x10100] =	vst v63  }
0x8b: {  	v3 =	vadd.s32 @!p0 v6, v3;
	s21 =	simm.s32 @!p0 $0x3100  }
0x8c: {  	[tilespmem:s21], [sflag:$0x1] =	stream.indirect_vreg.gather @!p0 [hbm4b:s10+s20], $0x80, v4, vm1, $0xb8;
	[tilespmem:$0x10100] =	vst v63  }
0x8d: {  	s21 =	simm.s32 @!p0 $0x3900  }
0x8e: {  	[tilespmem:s21], [sflag:$0x1] =	stream.indirect_vreg.gather @!p0 [hbm4b:s11+s20], $0x80, v4, vm1, $0xb8;
	[tilespmem:$0x10100] =	vst v63  }
0x8f: {  	s21 =	simm.s32 @!p0 $0x4100  }
0x90: {  	[tilespmem:s21], [sflag:$0x1] =	stream.indirect_vreg.gather @!p0 [hbm4b:s2+s20], $0x80, v3, vm1, $0xb8;
	[tilespmem:$0x10100] =	vst v63  }
0x91: {  	s21 =	simm.s32 @!p0 $0x4900  }
0x92: {  	[tilespmem:s21], [sflag:$0x1] =	stream.indirect_vreg.gather @!p0 [hbm4b:s5+s20], $0x80, v3, vm1, $0xb8;
	[tilespmem:$0x10100] =	vst v63  }
0x93: {  	s21 =	simm.s32 @!p0 $0x5100  }
0x94: {  	[tilespmem:s21], [sflag:$0x1] =	stream.indirect_vreg.gather @!p0 [hbm4b:s6+s20], $0x80, v3, vm1, $0xb8;
	[tilespmem:$0x10100] =	vst v63  }
0x95: {  	s21 =	simm.s32 @!p0 $0x5900  }
0x96: {  	[tilespmem:s21], [sflag:$0x1] =	stream.indirect_vreg.gather @!p0 [hbm4b:s7+s20], $0x80, v3, vm1, $0xb8;
	[tilespmem:$0x10100] =	vst v63  }
0x97: {  	s21 =	simm.s32 @!p0 $0x6100  }
0x98: {  	[tilespmem:s21], [sflag:$0x1] =	stream.indirect_vreg.gather @!p0 [hbm4b:s8+s20], $0x80, v3, vm1, $0xb8;
	[tilespmem:$0x10100] =	vst v63  }
0x99: {  	s21 =	simm.s32 @!p0 $0x6900  }
0x9a: {  	[tilespmem:s21], [sflag:$0x1] =	stream.indirect_vreg.gather @!p0 [hbm4b:s9+s20], $0x80, v3, vm1, $0xb8;
	[tilespmem:$0x10100] =	vst v63  }
0x9b: {  	s21 =	simm.s32 @!p0 $0x7100  }
0x9c: {  	[tilespmem:s21], [sflag:$0x1] =	stream.indirect_vreg.gather @!p0 [hbm4b:s10+s20], $0x80, v3, vm1, $0xb8;
	[tilespmem:$0x10100] =	vst v63  }
0x9d: {  	s21 =	simm.s32 @!p0 $0x7900  }
0x9e: {  	[tilespmem:s21], [sflag:$0x1] =	stream.indirect_vreg.gather @!p0 [hbm4b:s11+s20], $0x80, v3, vm1, $0xb8;
	[tilespmem:$0x10100] =	vst v63  }
0x9f: {  	_ =	swait.ge [sflag:s0], $0x8000  }
0xa0: {  	s21 =	rddreg [dreg:$0x4]  }
0xa1: {  	s20 =	sadd.s32 s19, s21;
	s19 =	sadd.s32 $0x2000, s19  }
0xa2: {  	p0 =	sne.s32 s19, $0xA000  }
.Ltmp0:
0xa3: {  	_ = 	snop;
	(pc) =	sbr.rel @p0 .LBB2_2-.Ltmp0, $4  }
0xa4: {  	_ = 	snop  }
0xa5: {  	[sflag:s0] =	ssyncset.done $0x0  }
0xa6: {  	s18 =	sadd.s32 $0x20, s18;
	[sflag:s0] =	ssyncadd.s32 $0xFFFF8000  }
0xa7: {  	[hbm4b:s20+s3] =	stream.linear.scatter [tilespmem:s31], [sflag:$0x4], $0x8000, $0x38;
	[tilespmem:$0x10100] =	vst v63  }
0xa8: {  	s17 =	sadd.s32 $0x1, s17  }
0xa9: {  	_ =	swait.ge [sflag:s15], $0x8000;
	p0 =	sne.s32 s17, s12  }
.Ltmp1:
0xaa: {  	[sflag:s15] =	ssyncset.done $0x0;
	(pc) =	sbr.rel @p0 .LBB2_1-.Ltmp1, $4  }
0xab: {  	[sflag:s15] =	ssyncadd.s32 $0xFFFF8000  }
0xac: {  	_ =	swait.ge [sflag:s16], $0x8000  }
0xad: {  	[sflag:s16] =	ssyncset.done $0x0  }
0xae: {  	[sflag:s16] =	ssyncadd.s32 $0xFFFF8000  }
0xaf: {  	_ =	sfence.sel $0x180000  }
0xb0: {  	[bflag:$0x0] =	sbarrier.arrive $0xFFFF  }
0xb1: {  	_ =	strace $0x90000050  }
0xb2: {  	s0 =	stileid.u32;
	[bflag:$0x2] =	sbarrier.arrive $0xFFFF  }
0xb3: {  	p0 =	sne.s32 s0, $0x0;
	s0 =	rddreg [dreg:$0x2]  }
0xb4: {  	s0 =	sadd.s32 @!p0 $0x100000, s0  }
0xb5: {  	[sflag:s0] =	ssyncadd.tile.s32 @!p0 $0x1;
	_ =	shalt  }
.Lfunc_end2:
_tile_overlayer_lowered:
.L_overlay_start_2:
0xb6: {  	(tag) =	ssettag $0x2  }
0xb7: {  	s0 =	rddreg [dreg:$0x0];
	s2 =	stileid.u32  }
0xb8: {  	s1 =	rddreg [dreg:$0x1];
	p0 =	sne.s32 s2, $0x0  }
0xb9: {  	s3 =	rddreg [dreg:$0x2];
	[bflag:$0x3] =	sbarrier.arrive $0xFFFF;
	s2 =	simm.s32 @!p0 $0x1C05  }
0xba: {  	[timem:s3], [sflag:s2] =	dma.local @!p0 [hbm:s0], s1  }
0xbb: {  	s0 =	simm.s32 @!p0 $0x5  }
0xbc: {  	_ =	swait.ge @!p0 [sflag:s0], s1  }
0xbd: {  	s1 =	ssub.s32 @!p0 $0x0, s1;
	[sflag:s0] =	ssyncset.done @!p0 $0x0  }
0xbe: {  	[sflag:s0] =	ssyncadd.s32 @!p0 s1  }
0xbf: {  	[bflag:$0x3] =	sbarrier.arrive $0xFFFF  }
0xc0: {  	_ =	shalt  }

</sc_bundles>
